<compile_context>
chip_gen: v7x
topology: tpu7x:2x2x1
jax: 0.10.2.dev20260603
libtpu: 0.0.44.dev20260713+nightly
codegen_flags: <defaults>
</compile_context>

<pallas_src>
import functools

import jax
import jax.numpy as jnp
from jax import lax
from jax.experimental import pallas as pl
from jax.experimental.pallas import tpu as pltpu
from jax.experimental.pallas import tpu_sc as plsc

_B, _Q, _C = 64, 2048, 256
_R = _B * _Q

_NC, _NS = 2, 16
_NW = _NC * _NS
_RS = 16384
_RW = _RS // _NW
_CH = 128
_NCHUNK = _RW // _CH
_GROUPS = _CH // 16
_UNROLL = 4


def _sc_body(lg_hbm, bx_hbm, lab_hbm, bout_hbm, cnt_hbm,
             lbuf_a, lbuf_b, bxbuf_a, bxbuf_b, labbuf_a, labbuf_b,
             boutbuf_a, boutbuf_b, cntbuf,
             sem_in0, sem_in1, sem_out0, sem_out1):
    cid = lax.axis_index("c")
    sid = lax.axis_index("s")
    wid = sid * _NC + cid
    base_row = wid * _RW

    iot = lax.iota(jnp.int32, 16)
    riot = lax.shift_right_logical(iot, 2)
    neg_inf = jnp.full((16,), -jnp.inf, jnp.float32)
    zero_f = jnp.zeros((16,), jnp.float32)
    zero_i = jnp.zeros((16,), jnp.int32)
    neg1 = jnp.full((16,), -1, jnp.int32)

    sem_in = (sem_in0, sem_in1)
    sem_out = (sem_out0, sem_out1)
    lbufs = (lbuf_a, lbuf_b)
    bxbufs = (bxbuf_a, bxbuf_b)
    labbufs = (labbuf_a, labbuf_b)
    boutbufs = (boutbuf_a, boutbuf_b)

    def start_in(chunk, b):
        row0 = base_row + chunk * _CH
        pltpu.async_copy(lg_hbm.at[pl.ds(row0 * _C, _CH * _C)],
                         lbufs[b], sem_in[b])
        pltpu.async_copy(bx_hbm.at[pl.ds(row0 * 4, _CH * 4)],
                         bxbufs[b], sem_in[b])

    def wait_in(b):
        pltpu.make_async_copy(lg_hbm.at[pl.ds(0, _CH * _C)],
                              lbufs[b], sem_in[b]).wait()
        pltpu.make_async_copy(bx_hbm.at[pl.ds(0, _CH * 4)],
                              bxbufs[b], sem_in[b]).wait()

    def start_out(chunk, b):
        row0 = base_row + chunk * _CH
        pltpu.async_copy(labbufs[b], lab_hbm.at[pl.ds(row0, _CH)],
                         sem_out[b])
        pltpu.async_copy(boutbufs[b], bout_hbm.at[pl.ds(row0 * 4, _CH * 4)],
                         sem_out[b])

    def wait_out(b):
        pltpu.make_async_copy(labbufs[b], lab_hbm.at[pl.ds(0, _CH)],
                              sem_out[b]).wait()
        pltpu.make_async_copy(boutbufs[b], bout_hbm.at[pl.ds(0, _CH * 4)],
                              sem_out[b]).wait()

    start_in(0, 0)
    start_in(1, 1)

    def pair_body(ci2, acc):
        for b in range(2):
            chunk = ci2 * 2 + b
            lbuf = lbufs[b]
            labbuf = labbufs[b]
            boutbuf = boutbufs[b]
            bxbuf = bxbufs[b]

            wait_in(b)
            @pl.when(ci2 > 0)
            def _():
                wait_out(b)

            bvecs = [(g * 16 + iot) * _C for g in range(_GROUPS)]
            init = tuple((neg_inf, bvecs[g], bvecs[g])
                         for g in range(_GROUPS))

            def j_body(_, carry):
                out = []
                for g in range(_GROUPS):
                    best, bidxf, idxv = carry[g]
                    for _u in range(_UNROLL):
                        v = plsc.load_gather(lbuf, [idxv])
                        upd = v > best
                        best = jnp.where(upd, v, best)
                        bidxf = jnp.where(upd, idxv, bidxf)
                        idxv = idxv + 1
                    out.append((best, bidxf, idxv))
                return tuple(out)

            carry = lax.fori_loop(0, _C // _UNROLL, j_body, init)

            for g in range(_GROUPS):
                best, bidxf, _ = carry[g]
                cls = bidxf - bvecs[g]
                valid = best > zero_f
                labbuf[pl.ds(g * 16, 16)] = jnp.where(valid, cls, neg1)
                acc = acc + plsc.all_reduce_population_count(valid)

                for i in range(4):
                    ridx = (g * 16 + 4 * i) + riot
                    lv = plsc.load_gather(labbuf, [ridx])
                    bx = bxbuf[pl.ds(g * 64 + i * 16, 16)]
                    boutbuf[pl.ds(g * 64 + i * 16, 16)] = jnp.where(
                        lv >= zero_i, bx, zero_f)

            start_out(chunk, b)

            @pl.when(chunk + 2 < _NCHUNK)
            def _():
                start_in(chunk + 2, b)
        return acc

    acc = lax.fori_loop(0, _NCHUNK // 2, pair_body,
                        jnp.zeros((16,), jnp.int32))
    wait_out(0)
    wait_out(1)
    cntbuf[...] = acc
    pltpu.sync_copy(cntbuf, cnt_hbm.at[wid])


_sc_call = functools.partial(
    pl.kernel,
    out_type=[
        jax.ShapeDtypeStruct((_RS,), jnp.int32),
        jax.ShapeDtypeStruct((_RS * 4,), jnp.float32),
        jax.ShapeDtypeStruct((_NW, 16), jnp.int32),
    ],
    mesh=plsc.VectorSubcoreMesh(core_axis_name="c", subcore_axis_name="s"),
    compiler_params=pltpu.CompilerParams(needs_layout_passes=False),
    scratch_types=[
        pltpu.VMEM((_CH * _C,), jnp.float32),
        pltpu.VMEM((_CH * _C,), jnp.float32),
        pltpu.VMEM((_CH * 4,), jnp.float32),
        pltpu.VMEM((_CH * 4,), jnp.float32),
        pltpu.VMEM((_CH,), jnp.int32),
        pltpu.VMEM((_CH,), jnp.int32),
        pltpu.VMEM((_CH * 4,), jnp.float32),
        pltpu.VMEM((_CH * 4,), jnp.float32),
        pltpu.VMEM((16,), jnp.int32),
        pltpu.SemaphoreType.DMA,
        pltpu.SemaphoreType.DMA,
        pltpu.SemaphoreType.DMA,
        pltpu.SemaphoreType.DMA,
    ],
)(_sc_body)

_RT = _R - _RS
_BR = 2048
_NB = _RT // _BR
_GR = _BR // 128


def _tc_body(lg_ref, bx_ref, lab_ref, bout_ref, cnt_ref):
    x0 = lg_ref[:, 0:128]
    x1 = lg_ref[:, 128:256]
    which = x1 > x0
    h = jnp.maximum(x0, x1)
    ii = lax.broadcasted_iota(jnp.int32, (_BR, 128), 1)
    pos = jnp.where(which, ii + 128, ii)
    m = jnp.max(h, axis=1, keepdims=True)
    cand = jnp.where(h >= m, pos, _C)
    a = jnp.min(cand, axis=1)
    valid = m[:, 0] > 0.0
    lab = jnp.where(valid, a, -1)
    lab_ref[...] = lab.reshape(1, 1, _BR)
    c = jnp.sum(valid.astype(jnp.int32))
    cnt_ref[...] = jnp.broadcast_to(c, (1, 1, 128))

    bout_ref[...] = jnp.where(valid[:, None], bx_ref[...], 0.0)


def _make_tc_call(interpret=False):
    return pl.pallas_call(
        _tc_body,
        grid=(_NB,),
        in_specs=[
            pl.BlockSpec((_BR, _C), lambda i: (i, 0)),
            pl.BlockSpec((_BR, 4), lambda i: (i, 0)),
        ],
        out_specs=[
            pl.BlockSpec((1, 1, _BR), lambda i: (i, 0, 0)),
            pl.BlockSpec((_BR, 4), lambda i: (i, 0)),
            pl.BlockSpec((1, 1, 128), lambda i: (i, 0, 0)),
        ],
        out_shape=[
            jax.ShapeDtypeStruct((_NB, 1, _BR), jnp.int32),
            jax.ShapeDtypeStruct((_RT, 4), jnp.float32),
            jax.ShapeDtypeStruct((_NB, 1, 128), jnp.int32),
        ],
        compiler_params=pltpu.CompilerParams(
            dimension_semantics=("arbitrary",),
        ),
        interpret=interpret,
    )


_tc_call = _make_tc_call()


@jax.jit
def kernel(pred_logits, pred_boxes):
    lg = pred_logits.reshape(_R, _C)
    bx = pred_boxes.reshape(_R, 4)
    sc_lab, sc_box, sc_cnt = _sc_call(
        lg[:_RS].reshape(_RS * _C), bx[:_RS].reshape(_RS * 4))
    tc_lab, tc_box, tc_cnt = _tc_call(lg[_RS:], bx[_RS:])
    labels = jnp.concatenate(
        [sc_lab, tc_lab.reshape(_RT)]).reshape(_B, _Q)
    boxes = jnp.concatenate(
        [sc_box.reshape(_RS, 4), tc_box]).reshape(_B, _Q, 4)
    total = sc_cnt[:, 0].sum() + tc_cnt[:, 0, 0].sum()
    num_boxes = jnp.maximum(total.astype(jnp.float32), 1.0)
    return labels, boxes, num_boxes

# --- scband reference (transcript-rebuilt; emitter-appended) ---
"""Pipeline reference for scband-cdn-pseudo-resetter-7799660610103 (READ-ONLY COPY).

The authoritative reference and input builder live on the scoring server;
editing this copy changes nothing except your own understanding.
"""

import jax, jax.numpy as jnp
import numpy as np


def setup_inputs(seed: int = 0) -> dict:
    key = jax.random.key(seed)
    k1, k2 = jax.random.split(key)
    pred_logits = jax.random.normal(k1, (64, 2048, 256), dtype=jnp.float32)
    pred_boxes = jax.random.uniform(k2, (64, 2048, 4), dtype=jnp.float32)
    return {"pred_logits": pred_logits, "pred_boxes": pred_boxes}


def reference(pred_logits, pred_boxes):
    # Faithful jax translation of cdnPseudoResetter.forward.
    # torch forward takes teacher_outputs dict; flattened here to
    # pred_logits [B, Q, C] and pred_boxes [B, Q, 4].
    # The per-batch nonzero() produces dynamic shapes; for a fixed-shape
    # jax reference we return the dense masked equivalents:
    #   labels: argmax class where score_max > threshold, else -1 (padding)
    #   boxes:  pred_boxes where valid, else 0 (padding)
    # which carry identical information to the ragged pseudo_targets list.
    threshold = 0.5
    score = jax.nn.sigmoid(pred_logits)
    score_max = jnp.max(score, axis=-1)
    score_argmax = jnp.argmax(score, axis=-1)
    valid_mask = score_max > threshold
    labels = jnp.where(valid_mask, score_argmax, -1)
    boxes = jnp.where(valid_mask[..., None], pred_boxes, 0.0)
    # single-process: all_reduce is identity, world_size = 1
    num_boxes = jnp.maximum(jnp.sum(valid_mask).astype(jnp.float32), 1.0)
    return labels, boxes, num_boxes

if __name__ == "__main__":
    import jax
    _d = setup_inputs()
    print(jax.jit(kernel)(*tuple(_d.values())))

</pallas_src>

<mosaic_0001>
#map = affine_map<(d0, d1) -> (0)>
#map1 = affine_map<(d0, d1) -> (0, 0)>
module attributes {stable_mosaic.version = 14 : i64} {
  func.func @_sc_body(%arg0: i32, %arg1: i32, %arg2: memref<4194304xf32, #tpu.memory_space<hbm>>, %arg3: memref<65536xf32, #tpu.memory_space<hbm>>, %arg4: memref<16384xi32, #tpu.memory_space<hbm>>, %arg5: memref<65536xf32, #tpu.memory_space<hbm>>, %arg6: memref<32x16xi32, #tpu.memory_space<hbm>>, %arg7: memref<32768xf32, #tpu.memory_space<vmem>>, %arg8: memref<32768xf32, #tpu.memory_space<vmem>>, %arg9: memref<512xf32, #tpu.memory_space<vmem>>, %arg10: memref<512xf32, #tpu.memory_space<vmem>>, %arg11: memref<128xi32, #tpu.memory_space<vmem>>, %arg12: memref<128xi32, #tpu.memory_space<vmem>>, %arg13: memref<512xf32, #tpu.memory_space<vmem>>, %arg14: memref<512xf32, #tpu.memory_space<vmem>>, %arg15: memref<16xi32, #tpu.memory_space<vmem>>, %arg16: memref<!tpu.dma_semaphore, #tpu.memory_space<semaphore_mem>>, %arg17: memref<!tpu.dma_semaphore, #tpu.memory_space<semaphore_mem>>, %arg18: memref<!tpu.dma_semaphore, #tpu.memory_space<semaphore_mem>>, %arg19: memref<!tpu.dma_semaphore, #tpu.memory_space<semaphore_mem>>) attributes {dimension_semantics = [#tpu.dimension_semantics<core_parallel>, #tpu.dimension_semantics<subcore_parallel>], iteration_bounds = array<i64: 2, 16>, scalar_prefetch = 0 : i64, scratch_operands = 13 : i64, tpu.core_type = #tpu.core_type<sc_vector_subcore>, window_params = [{transform_indices = #map}, {transform_indices = #map}, {transform_indices = #map}, {transform_indices = #map}, {transform_indices = #map1}]} {
    %mul3A = arith.constant 2 : i32
    %mul3A_0 = arith.muli %arg1, %mul3A : i32
    %add3A = arith.addi %mul3A_0, %arg0 : i32
    %mul3A_1 = arith.constant 512 : i32
    %mul3A_2 = arith.muli %add3A, %mul3A_1 : i32
    %iota3A = tpu.iota {dimensions = array<i32: 0>} : vector<16xi32>
    %shift_right_logical3A = arith.constant 2 : i32
    %shift_right_logical3A_3 = vector.broadcast %shift_right_logical3A : i32 to vector<16xi32>
    %shift_right_logical3A_4 = arith.shrui %iota3A, %shift_right_logical3A_3 : vector<16xi32>
    %broadcast_in_dim3A = arith.constant 0xFF800000 : f32
    %broadcast_in_dim3A_5 = vector.broadcast %broadcast_in_dim3A : f32 to vector<16xf32>
    %broadcast_in_dim3A_6 = arith.constant 0.000000e+00 : f32
    %broadcast_in_dim3A_7 = vector.broadcast %broadcast_in_dim3A_6 : f32 to vector<16xf32>
    %broadcast_in_dim3A_8 = arith.constant 0 : i32
    %broadcast_in_dim3A_9 = vector.broadcast %broadcast_in_dim3A_8 : i32 to vector<16xi32>
    %broadcast_in_dim3A_10 = arith.constant -1 : i32
    %broadcast_in_dim3A_11 = vector.broadcast %broadcast_in_dim3A_10 : i32 to vector<16xi32>
    %add3A_12 = arith.constant 0 : i32
    %add3A_13 = arith.addi %mul3A_2, %add3A_12 : i32
    %mul3A_14 = arith.constant 256 : i32
    %mul3A_15 = arith.muli %add3A_13, %mul3A_14 : i32
    %dma_start3A = tpu.memref_slice %arg2[%mul3A_15] : memref<4194304xf32, #tpu.memory_space<hbm>> -> memref<32768xf32, #tpu.memory_space<hbm>>
    %dma_start3A_16 = tpu.memref_slice %arg2[%mul3A_15] : memref<4194304xf32, #tpu.memory_space<hbm>> -> memref<32768xf32, #tpu.memory_space<hbm>>
    tpu.enqueue_dma source(%dma_start3A_16 : memref<32768xf32, #tpu.memory_space<hbm>>) target(%arg7 : memref<32768xf32, #tpu.memory_space<vmem>>) target_semaphore(%arg16 : memref<!tpu.dma_semaphore, #tpu.memory_space<semaphore_mem>>)
    %mul3A_17 = arith.constant 4 : i32
    %mul3A_18 = arith.muli %add3A_13, %mul3A_17 : i32
    %dma_start3A_19 = tpu.memref_slice %arg3[%mul3A_18] : memref<65536xf32, #tpu.memory_space<hbm>> -> memref<512xf32, #tpu.memory_space<hbm>>
    %dma_start3A_20 = tpu.memref_slice %arg3[%mul3A_18] : memref<65536xf32, #tpu.memory_space<hbm>> -> memref<512xf32, #tpu.memory_space<hbm>>
    tpu.enqueue_dma source(%dma_start3A_20 : memref<512xf32, #tpu.memory_space<hbm>>) target(%arg9 : memref<512xf32, #tpu.memory_space<vmem>>) target_semaphore(%arg16 : memref<!tpu.dma_semaphore, #tpu.memory_space<semaphore_mem>>)
    %add3A_21 = arith.constant 128 : i32
    %add3A_22 = arith.addi %mul3A_2, %add3A_21 : i32
    %mul3A_23 = arith.constant 256 : i32
    %mul3A_24 = arith.muli %add3A_22, %mul3A_23 : i32
    %dma_start3A_25 = tpu.memref_slice %arg2[%mul3A_24] : memref<4194304xf32, #tpu.memory_space<hbm>> -> memref<32768xf32, #tpu.memory_space<hbm>>
    %dma_start3A_26 = tpu.memref_slice %arg2[%mul3A_24] : memref<4194304xf32, #tpu.memory_space<hbm>> -> memref<32768xf32, #tpu.memory_space<hbm>>
    tpu.enqueue_dma source(%dma_start3A_26 : memref<32768xf32, #tpu.memory_space<hbm>>) target(%arg8 : memref<32768xf32, #tpu.memory_space<vmem>>) target_semaphore(%arg17 : memref<!tpu.dma_semaphore, #tpu.memory_space<semaphore_mem>>)
    %mul3A_27 = arith.constant 4 : i32
    %mul3A_28 = arith.muli %add3A_22, %mul3A_27 : i32
    %dma_start3A_29 = tpu.memref_slice %arg3[%mul3A_28] : memref<65536xf32, #tpu.memory_space<hbm>> -> memref<512xf32, #tpu.memory_space<hbm>>
    %dma_start3A_30 = tpu.memref_slice %arg3[%mul3A_28] : memref<65536xf32, #tpu.memory_space<hbm>> -> memref<512xf32, #tpu.memory_space<hbm>>
    tpu.enqueue_dma source(%dma_start3A_30 : memref<512xf32, #tpu.memory_space<hbm>>) target(%arg10 : memref<512xf32, #tpu.memory_space<vmem>>) target_semaphore(%arg17 : memref<!tpu.dma_semaphore, #tpu.memory_space<semaphore_mem>>)
    %broadcast_in_dim3A_31 = arith.constant 0 : i32
    %broadcast_in_dim3A_32 = vector.broadcast %broadcast_in_dim3A_31 : i32 to vector<16xi32>
    %scan3A = arith.constant 0 : i32
    %scan3A_33 = arith.constant 2 : i32
    %scan3A_34 = arith.addi %scan3A, %scan3A_33 : i32
    %scan3A_35 = arith.constant 1 : i32
    %scan3A_36 = scf.for %scan3A_54 = %scan3A to %scan3A_34 step %scan3A_35 iter_args(%scan3A_55 = %broadcast_in_dim3A_32) -> (vector<16xi32>)  : i32 {
      %mul3A_56 = arith.constant 2 : i32
      %mul3A_57 = arith.muli %scan3A_54, %mul3A_56 : i32
      %add3A_58 = arith.constant 0 : i32
      %add3A_59 = arith.addi %mul3A_57, %add3A_58 : i32
      %dma_wait3A_60 = arith.constant 0 : i32
      %dma_wait3A_61 = tpu.memref_slice %arg2[%dma_wait3A_60] : memref<4194304xf32, #tpu.memory_space<hbm>> -> memref<32768xf32, #tpu.memory_space<hbm>>
      %dma_wait3A_62 = arith.constant 0 : i32
      %dma_wait3A_63 = tpu.memref_slice %arg2[%dma_wait3A_62] : memref<4194304xf32, #tpu.memory_space<hbm>> -> memref<32768xf32, #tpu.memory_space<hbm>>
      tpu.wait_dma2 semaphore(%arg16 : memref<!tpu.dma_semaphore, #tpu.memory_space<semaphore_mem>>) src(%dma_wait3A_63 : memref<32768xf32, #tpu.memory_space<hbm>>) dst(%arg7 : memref<32768xf32, #tpu.memory_space<vmem>>)
      %dma_wait3A_64 = arith.constant 0 : i32
      %dma_wait3A_65 = tpu.memref_slice %arg3[%dma_wait3A_64] : memref<65536xf32, #tpu.memory_space<hbm>> -> memref<512xf32, #tpu.memory_space<hbm>>
      %dma_wait3A_66 = arith.constant 0 : i32
      %dma_wait3A_67 = tpu.memref_slice %arg3[%dma_wait3A_66] : memref<65536xf32, #tpu.memory_space<hbm>> -> memref<512xf32, #tpu.memory_space<hbm>>
      tpu.wait_dma2 semaphore(%arg16 : memref<!tpu.dma_semaphore, #tpu.memory_space<semaphore_mem>>) src(%dma_wait3A_67 : memref<512xf32, #tpu.memory_space<hbm>>) dst(%arg9 : memref<512xf32, #tpu.memory_space<vmem>>)
      %gt3A = arith.constant 0 : i32
      %gt3A_68 = arith.cmpi sgt, %scan3A_54, %gt3A : i32
      %convert_element_type3A = arith.extui %gt3A_68 : i1 to i32
      %cond3A = arith.constant 0 : i32
      %cond3A_69 = arith.cmpi ne, %convert_element_type3A, %cond3A : i32
      scf.if %cond3A_69 {
        %dma_wait3A_972 = arith.constant 0 : i32
        %dma_wait3A_973 = tpu.memref_slice %arg4[%dma_wait3A_972] : memref<16384xi32, #tpu.memory_space<hbm>> -> memref<128xi32, #tpu.memory_space<hbm>>
        %dma_wait3A_974 = arith.constant 0 : i32
        %dma_wait3A_975 = tpu.memref_slice %arg4[%dma_wait3A_974] : memref<16384xi32, #tpu.memory_space<hbm>> -> memref<128xi32, #tpu.memory_space<hbm>>
        tpu.wait_dma2 semaphore(%arg18 : memref<!tpu.dma_semaphore, #tpu.memory_space<semaphore_mem>>) src(%arg11 : memref<128xi32, #tpu.memory_space<vmem>>) dst(%dma_wait3A_975 : memref<128xi32, #tpu.memory_space<hbm>>)
        %dma_wait3A_976 = arith.constant 0 : i32
        %dma_wait3A_977 = tpu.memref_slice %arg5[%dma_wait3A_976] : memref<65536xf32, #tpu.memory_space<hbm>> -> memref<512xf32, #tpu.memory_space<hbm>>
        %dma_wait3A_978 = arith.constant 0 : i32
        %dma_wait3A_979 = tpu.memref_slice %arg5[%dma_wait3A_978] : memref<65536xf32, #tpu.memory_space<hbm>> -> memref<512xf32, #tpu.memory_space<hbm>>
        tpu.wait_dma2 semaphore(%arg18 : memref<!tpu.dma_semaphore, #tpu.memory_space<semaphore_mem>>) src(%arg13 : memref<512xf32, #tpu.memory_space<vmem>>) dst(%dma_wait3A_979 : memref<512xf32, #tpu.memory_space<hbm>>)
      } else {
      }
      %add3A_70 = arith.constant 0 : i32
      %add3A_71 = vector.broadcast %add3A_70 : i32 to vector<16xi32>
      %add3A_72 = arith.addi %add3A_71, %iota3A : vector<16xi32>
      %mul3A_73 = arith.constant 256 : i32
      %mul3A_74 = vector.broadcast %mul3A_73 : i32 to vector<16xi32>
      %mul3A_75 = arith.muli %add3A_72, %mul3A_74 : vector<16xi32>
      %add3A_76 = arith.constant 16 : i32
      %add3A_77 = vector.broadcast %add3A_76 : i32 to vector<16xi32>
      %add3A_78 = arith.addi %add3A_77, %iota3A : vector<16xi32>
      %mul3A_79 = arith.constant 256 : i32
      %mul3A_80 = vector.broadcast %mul3A_79 : i32 to vector<16xi32>
      %mul3A_81 = arith.muli %add3A_78, %mul3A_80 : vector<16xi32>
      %add3A_82 = arith.constant 32 : i32
      %add3A_83 = vector.broadcast %add3A_82 : i32 to vector<16xi32>
      %add3A_84 = arith.addi %add3A_83, %iota3A : vector<16xi32>
      %mul3A_85 = arith.constant 256 : i32
      %mul3A_86 = vector.broadcast %mul3A_85 : i32 to vector<16xi32>
      %mul3A_87 = arith.muli %add3A_84, %mul3A_86 : vector<16xi32>
      %add3A_88 = arith.constant 48 : i32
      %add3A_89 = vector.broadcast %add3A_88 : i32 to vector<16xi32>
      %add3A_90 = arith.addi %add3A_89, %iota3A : vector<16xi32>
      %mul3A_91 = arith.constant 256 : i32
      %mul3A_92 = vector.broadcast %mul3A_91 : i32 to vector<16xi32>
      %mul3A_93 = arith.muli %add3A_90, %mul3A_92 : vector<16xi32>
      %add3A_94 = arith.constant 64 : i32
      %add3A_95 = vector.broadcast %add3A_94 : i32 to vector<16xi32>
      %add3A_96 = arith.addi %add3A_95, %iota3A : vector<16xi32>
      %mul3A_97 = arith.constant 256 : i32
      %mul3A_98 = vector.broadcast %mul3A_97 : i32 to vector<16xi32>
      %mul3A_99 = arith.muli %add3A_96, %mul3A_98 : vector<16xi32>
      %add3A_100 = arith.constant 80 : i32
      %add3A_101 = vector.broadcast %add3A_100 : i32 to vector<16xi32>
      %add3A_102 = arith.addi %add3A_101, %iota3A : vector<16xi32>
      %mul3A_103 = arith.constant 256 : i32
      %mul3A_104 = vector.broadcast %mul3A_103 : i32 to vector<16xi32>
      %mul3A_105 = arith.muli %add3A_102, %mul3A_104 : vector<16xi32>
      %add3A_106 = arith.constant 96 : i32
      %add3A_107 = vector.broadcast %add3A_106 : i32 to vector<16xi32>
      %add3A_108 = arith.addi %add3A_107, %iota3A : vector<16xi32>
      %mul3A_109 = arith.constant 256 : i32
      %mul3A_110 = vector.broadcast %mul3A_109 : i32 to vector<16xi32>
      %mul3A_111 = arith.muli %add3A_108, %mul3A_110 : vector<16xi32>
      %add3A_112 = arith.constant 112 : i32
      %add3A_113 = vector.broadcast %add3A_112 : i32 to vector<16xi32>
      %add3A_114 = arith.addi %add3A_113, %iota3A : vector<16xi32>
      %mul3A_115 = arith.constant 256 : i32
      %mul3A_116 = vector.broadcast %mul3A_115 : i32 to vector<16xi32>
      %mul3A_117 = arith.muli %add3A_114, %mul3A_116 : vector<16xi32>
      %scan3A_118 = arith.constant 0 : i32
      %scan3A_119 = arith.constant 64 : i32
      %scan3A_120 = arith.addi %scan3A_118, %scan3A_119 : i32
      %scan3A_121 = arith.constant 1 : i32
      %scan3A_122:24 = scf.for %scan3A_972 = %scan3A_118 to %scan3A_120 step %scan3A_121 iter_args(%scan3A_973 = %broadcast_in_dim3A_5, %scan3A_974 = %mul3A_75, %scan3A_975 = %mul3A_75, %scan3A_976 = %broadcast_in_dim3A_5, %scan3A_977 = %mul3A_81, %scan3A_978 = %mul3A_81, %scan3A_979 = %broadcast_in_dim3A_5, %scan3A_980 = %mul3A_87, %scan3A_981 = %mul3A_87, %scan3A_982 = %broadcast_in_dim3A_5, %scan3A_983 = %mul3A_93, %scan3A_984 = %mul3A_93, %scan3A_985 = %broadcast_in_dim3A_5, %scan3A_986 = %mul3A_99, %scan3A_987 = %mul3A_99, %scan3A_988 = %broadcast_in_dim3A_5, %scan3A_989 = %mul3A_105, %scan3A_990 = %mul3A_105, %scan3A_991 = %broadcast_in_dim3A_5, %scan3A_992 = %mul3A_111, %scan3A_993 = %mul3A_111, %scan3A_994 = %broadcast_in_dim3A_5, %scan3A_995 = %mul3A_117, %scan3A_996 = %mul3A_117) -> (vector<16xf32>, vector<16xi32>, vector<16xi32>, vector<16xf32>, vector<16xi32>, vector<16xi32>, vector<16xf32>, vector<16xi32>, vector<16xi32>, vector<16xf32>, vector<16xi32>, vector<16xi32>, vector<16xf32>, vector<16xi32>, vector<16xi32>, vector<16xf32>, vector<16xi32>, vector<16xi32>, vector<16xf32>, vector<16xi32>, vector<16xi32>, vector<16xf32>, vector<16xi32>, vector<16xi32>)  : i32 {
        %gather3A_997 = tpu.vector_load_idx %arg7[%scan3A_975] : memref<32768xf32, #tpu.memory_space<vmem>>[vector<16xi32>], vector<16xf32>,
        %gt3A_998 = arith.cmpf ogt, %gather3A_997, %scan3A_973 : vector<16xf32>
        %select_n3A_999 = arith.select %gt3A_998, %gather3A_997, %scan3A_973 : vector<16xi1>, vector<16xf32>
        %select_n3A_1000 = arith.select %gt3A_998, %scan3A_975, %scan3A_974 : vector<16xi1>, vector<16xi32>
        %add3A_1001 = arith.constant 1 : i32
        %add3A_1002 = vector.broadcast %add3A_1001 : i32 to vector<16xi32>
        %add3A_1003 = arith.addi %scan3A_975, %add3A_1002 : vector<16xi32>
        %gather3A_1004 = tpu.vector_load_idx %arg7[%add3A_1003] : memref<32768xf32, #tpu.memory_space<vmem>>[vector<16xi32>], vector<16xf32>,
        %gt3A_1005 = arith.cmpf ogt, %gather3A_1004, %select_n3A_999 : vector<16xf32>
        %select_n3A_1006 = arith.select %gt3A_1005, %gather3A_1004, %select_n3A_999 : vector<16xi1>, vector<16xf32>
        %select_n3A_1007 = arith.select %gt3A_1005, %add3A_1003, %select_n3A_1000 : vector<16xi1>, vector<16xi32>
        %add3A_1008 = arith.constant 1 : i32
        %add3A_1009 = vector.broadcast %add3A_1008 : i32 to vector<16xi32>
        %add3A_1010 = arith.addi %add3A_1003, %add3A_1009 : vector<16xi32>
        %gather3A_1011 = tpu.vector_load_idx %arg7[%add3A_1010] : memref<32768xf32, #tpu.memory_space<vmem>>[vector<16xi32>], vector<16xf32>,
        %gt3A_1012 = arith.cmpf ogt, %gather3A_1011, %select_n3A_1006 : vector<16xf32>
        %select_n3A_1013 = arith.select %gt3A_1012, %gather3A_1011, %select_n3A_1006 : vector<16xi1>, vector<16xf32>
        %select_n3A_1014 = arith.select %gt3A_1012, %add3A_1010, %select_n3A_1007 : vector<16xi1>, vector<16xi32>
        %add3A_1015 = arith.constant 1 : i32
        %add3A_1016 = vector.broadcast %add3A_1015 : i32 to vector<16xi32>
        %add3A_1017 = arith.addi %add3A_1010, %add3A_1016 : vector<16xi32>
        %gather3A_1018 = tpu.vector_load_idx %arg7[%add3A_1017] : memref<32768xf32, #tpu.memory_space<vmem>>[vector<16xi32>], vector<16xf32>,
        %gt3A_1019 = arith.cmpf ogt, %gather3A_1018, %select_n3A_1013 : vector<16xf32>
        %select_n3A_1020 = arith.select %gt3A_1019, %gather3A_1018, %select_n3A_1013 : vector<16xi1>, vector<16xf32>
        %select_n3A_1021 = arith.select %gt3A_1019, %add3A_1017, %select_n3A_1014 : vector<16xi1>, vector<16xi32>
        %add3A_1022 = arith.constant 1 : i32
        %add3A_1023 = vector.broadcast %add3A_1022 : i32 to vector<16xi32>
        %add3A_1024 = arith.addi %add3A_1017, %add3A_1023 : vector<16xi32>
        %gather3A_1025 = tpu.vector_load_idx %arg7[%scan3A_978] : memref<32768xf32, #tpu.memory_space<vmem>>[vector<16xi32>], vector<16xf32>,
        %gt3A_1026 = arith.cmpf ogt, %gather3A_1025, %scan3A_976 : vector<16xf32>
        %select_n3A_1027 = arith.select %gt3A_1026, %gather3A_1025, %scan3A_976 : vector<16xi1>, vector<16xf32>
        %select_n3A_1028 = arith.select %gt3A_1026, %scan3A_978, %scan3A_977 : vector<16xi1>, vector<16xi32>
        %add3A_1029 = arith.constant 1 : i32
        %add3A_1030 = vector.broadcast %add3A_1029 : i32 to vector<16xi32>
        %add3A_1031 = arith.addi %scan3A_978, %add3A_1030 : vector<16xi32>
        %gather3A_1032 = tpu.vector_load_idx %arg7[%add3A_1031] : memref<32768xf32, #tpu.memory_space<vmem>>[vector<16xi32>], vector<16xf32>,
        %gt3A_1033 = arith.cmpf ogt, %gather3A_1032, %select_n3A_1027 : vector<16xf32>
        %select_n3A_1034 = arith.select %gt3A_1033, %gather3A_1032, %select_n3A_1027 : vector<16xi1>, vector<16xf32>
        %select_n3A_1035 = arith.select %gt3A_1033, %add3A_1031, %select_n3A_1028 : vector<16xi1>, vector<16xi32>
        %add3A_1036 = arith.constant 1 : i32
        %add3A_1037 = vector.broadcast %add3A_1036 : i32 to vector<16xi32>
        %add3A_1038 = arith.addi %add3A_1031, %add3A_1037 : vector<16xi32>
        %gather3A_1039 = tpu.vector_load_idx %arg7[%add3A_1038] : memref<32768xf32, #tpu.memory_space<vmem>>[vector<16xi32>], vector<16xf32>,
        %gt3A_1040 = arith.cmpf ogt, %gather3A_1039, %select_n3A_1034 : vector<16xf32>
        %select_n3A_1041 = arith.select %gt3A_1040, %gather3A_1039, %select_n3A_1034 : vector<16xi1>, vector<16xf32>
        %select_n3A_1042 = arith.select %gt3A_1040, %add3A_1038, %select_n3A_1035 : vector<16xi1>, vector<16xi32>
        %add3A_1043 = arith.constant 1 : i32
        %add3A_1044 = vector.broadcast %add3A_1043 : i32 to vector<16xi32>
        %add3A_1045 = arith.addi %add3A_1038, %add3A_1044 : vector<16xi32>
        %gather3A_1046 = tpu.vector_load_idx %arg7[%add3A_1045] : memref<32768xf32, #tpu.memory_space<vmem>>[vector<16xi32>], vector<16xf32>,
        %gt3A_1047 = arith.cmpf ogt, %gather3A_1046, %select_n3A_1041 : vector<16xf32>
        %select_n3A_1048 = arith.select %gt3A_1047, %gather3A_1046, %select_n3A_1041 : vector<16xi1>, vector<16xf32>
        %select_n3A_1049 = arith.select %gt3A_1047, %add3A_1045, %select_n3A_1042 : vector<16xi1>, vector<16xi32>
        %add3A_1050 = arith.constant 1 : i32
        %add3A_1051 = vector.broadcast %add3A_1050 : i32 to vector<16xi32>
        %add3A_1052 = arith.addi %add3A_1045, %add3A_1051 : vector<16xi32>
        %gather3A_1053 = tpu.vector_load_idx %arg7[%scan3A_981] : memref<32768xf32, #tpu.memory_space<vmem>>[vector<16xi32>], vector<16xf32>,
        %gt3A_1054 = arith.cmpf ogt, %gather3A_1053, %scan3A_979 : vector<16xf32>
        %select_n3A_1055 = arith.select %gt3A_1054, %gather3A_1053, %scan3A_979 : vector<16xi1>, vector<16xf32>
        %select_n3A_1056 = arith.select %gt3A_1054, %scan3A_981, %scan3A_980 : vector<16xi1>, vector<16xi32>
        %add3A_1057 = arith.constant 1 : i32
        %add3A_1058 = vector.broadcast %add3A_1057 : i32 to vector<16xi32>
        %add3A_1059 = arith.addi %scan3A_981, %add3A_1058 : vector<16xi32>
        %gather3A_1060 = tpu.vector_load_idx %arg7[%add3A_1059] : memref<32768xf32, #tpu.memory_space<vmem>>[vector<16xi32>], vector<16xf32>,
        %gt3A_1061 = arith.cmpf ogt, %gather3A_1060, %select_n3A_1055 : vector<16xf32>
        %select_n3A_1062 = arith.select %gt3A_1061, %gather3A_1060, %select_n3A_1055 : vector<16xi1>, vector<16xf32>
        %select_n3A_1063 = arith.select %gt3A_1061, %add3A_1059, %select_n3A_1056 : vector<16xi1>, vector<16xi32>
        %add3A_1064 = arith.constant 1 : i32
        %add3A_1065 = vector.broadcast %add3A_1064 : i32 to vector<16xi32>
        %add3A_1066 = arith.addi %add3A_1059, %add3A_1065 : vector<16xi32>
        %gather3A_1067 = tpu.vector_load_idx %arg7[%add3A_1066] : memref<32768xf32, #tpu.memory_space<vmem>>[vector<16xi32>], vector<16xf32>,
        %gt3A_1068 = arith.cmpf ogt, %gather3A_1067, %select_n3A_1062 : vector<16xf32>
        %select_n3A_1069 = arith.select %gt3A_1068, %gather3A_1067, %select_n3A_1062 : vector<16xi1>, vector<16xf32>
        %select_n3A_1070 = arith.select %gt3A_1068, %add3A_1066, %select_n3A_1063 : vector<16xi1>, vector<16xi32>
        %add3A_1071 = arith.constant 1 : i32
        %add3A_1072 = vector.broadcast %add3A_1071 : i32 to vector<16xi32>
        %add3A_1073 = arith.addi %add3A_1066, %add3A_1072 : vector<16xi32>
        %gather3A_1074 = tpu.vector_load_idx %arg7[%add3A_1073] : memref<32768xf32, #tpu.memory_space<vmem>>[vector<16xi32>], vector<16xf32>,
        %gt3A_1075 = arith.cmpf ogt, %gather3A_1074, %select_n3A_1069 : vector<16xf32>
        %select_n3A_1076 = arith.select %gt3A_1075, %gather3A_1074, %select_n3A_1069 : vector<16xi1>, vector<16xf32>
        %select_n3A_1077 = arith.select %gt3A_1075, %add3A_1073, %select_n3A_1070 : vector<16xi1>, vector<16xi32>
        %add3A_1078 = arith.constant 1 : i32
        %add3A_1079 = vector.broadcast %add3A_1078 : i32 to vector<16xi32>
        %add3A_1080 = arith.addi %add3A_1073, %add3A_1079 : vector<16xi32>
        %gather3A_1081 = tpu.vector_load_idx %arg7[%scan3A_984] : memref<32768xf32, #tpu.memory_space<vmem>>[vector<16xi32>], vector<16xf32>,
        %gt3A_1082 = arith.cmpf ogt, %gather3A_1081, %scan3A_982 : vector<16xf32>
        %select_n3A_1083 = arith.select %gt3A_1082, %gather3A_1081, %scan3A_982 : vector<16xi1>, vector<16xf32>
        %select_n3A_1084 = arith.select %gt3A_1082, %scan3A_984, %scan3A_983 : vector<16xi1>, vector<16xi32>
        %add3A_1085 = arith.constant 1 : i32
        %add3A_1086 = vector.broadcast %add3A_1085 : i32 to vector<16xi32>
        %add3A_1087 = arith.addi %scan3A_984, %add3A_1086 : vector<16xi32>
        %gather3A_1088 = tpu.vector_load_idx %arg7[%add3A_1087] : memref<32768xf32, #tpu.memory_space<vmem>>[vector<16xi32>], vector<16xf32>,
        %gt3A_1089 = arith.cmpf ogt, %gather3A_1088, %select_n3A_1083 : vector<16xf32>
        %select_n3A_1090 = arith.select %gt3A_1089, %gather3A_1088, %select_n3A_1083 : vector<16xi1>, vector<16xf32>
        %select_n3A_1091 = arith.select %gt3A_1089, %add3A_1087, %select_n3A_1084 : vector<16xi1>, vector<16xi32>
        %add3A_1092 = arith.constant 1 : i32
        %add3A_1093 = vector.broadcast %add3A_1092 : i32 to vector<16xi32>
        %add3A_1094 = arith.addi %add3A_1087, %add3A_1093 : vector<16xi32>
        %gather3A_1095 = tpu.vector_load_idx %arg7[%add3A_1094] : memref<32768xf32, #tpu.memory_space<vmem>>[vector<16xi32>], vector<16xf32>,
        %gt3A_1096 = arith.cmpf ogt, %gather3A_1095, %select_n3A_1090 : vector<16xf32>
        %select_n3A_1097 = arith.select %gt3A_1096, %gather3A_1095, %select_n3A_1090 : vector<16xi1>, vector<16xf32>
        %select_n3A_1098 = arith.select %gt3A_1096, %add3A_1094, %select_n3A_1091 : vector<16xi1>, vector<16xi32>
        %add3A_1099 = arith.constant 1 : i32
        %add3A_1100 = vector.broadcast %add3A_1099 : i32 to vector<16xi32>
        %add3A_1101 = arith.addi %add3A_1094, %add3A_1100 : vector<16xi32>
        %gather3A_1102 = tpu.vector_load_idx %arg7[%add3A_1101] : memref<32768xf32, #tpu.memory_space<vmem>>[vector<16xi32>], vector<16xf32>,
        %gt3A_1103 = arith.cmpf ogt, %gather3A_1102, %select_n3A_1097 : vector<16xf32>
        %select_n3A_1104 = arith.select %gt3A_1103, %gather3A_1102, %select_n3A_1097 : vector<16xi1>, vector<16xf32>
        %select_n3A_1105 = arith.select %gt3A_1103, %add3A_1101, %select_n3A_1098 : vector<16xi1>, vector<16xi32>
        %add3A_1106 = arith.constant 1 : i32
        %add3A_1107 = vector.broadcast %add3A_1106 : i32 to vector<16xi32>
        %add3A_1108 = arith.addi %add3A_1101, %add3A_1107 : vector<16xi32>
        %gather3A_1109 = tpu.vector_load_idx %arg7[%scan3A_987] : memref<32768xf32, #tpu.memory_space<vmem>>[vector<16xi32>], vector<16xf32>,
        %gt3A_1110 = arith.cmpf ogt, %gather3A_1109, %scan3A_985 : vector<16xf32>
        %select_n3A_1111 = arith.select %gt3A_1110, %gather3A_1109, %scan3A_985 : vector<16xi1>, vector<16xf32>
        %select_n3A_1112 = arith.select %gt3A_1110, %scan3A_987, %scan3A_986 : vector<16xi1>, vector<16xi32>
        %add3A_1113 = arith.constant 1 : i32
        %add3A_1114 = vector.broadcast %add3A_1113 : i32 to vector<16xi32>
        %add3A_1115 = arith.addi %scan3A_987, %add3A_1114 : vector<16xi32>
        %gather3A_1116 = tpu.vector_load_idx %arg7[%add3A_1115] : memref<32768xf32, #tpu.memory_space<vmem>>[vector<16xi32>], vector<16xf32>,
        %gt3A_1117 = arith.cmpf ogt, %gather3A_1116, %select_n3A_1111 : vector<16xf32>
        %select_n3A_1118 = arith.select %gt3A_1117, %gather3A_1116, %select_n3A_1111 : vector<16xi1>, vector<16xf32>
        %select_n3A_1119 = arith.select %gt3A_1117, %add3A_1115, %select_n3A_1112 : vector<16xi1>, vector<16xi32>
        %add3A_1120 = arith.constant 1 : i32
        %add3A_1121 = vector.broadcast %add3A_1120 : i32 to vector<16xi32>
        %add3A_1122 = arith.addi %add3A_1115, %add3A_1121 : vector<16xi32>
        %gather3A_1123 = tpu.vector_load_idx %arg7[%add3A_1122] : memref<32768xf32, #tpu.memory_space<vmem>>[vector<16xi32>], vector<16xf32>,
        %gt3A_1124 = arith.cmpf ogt, %gather3A_1123, %select_n3A_1118 : vector<16xf32>
        %select_n3A_1125 = arith.select %gt3A_1124, %gather3A_1123, %select_n3A_1118 : vector<16xi1>, vector<16xf32>
        %select_n3A_1126 = arith.select %gt3A_1124, %add3A_1122, %select_n3A_1119 : vector<16xi1>, vector<16xi32>
        %add3A_1127 = arith.constant 1 : i32
        %add3A_1128 = vector.broadcast %add3A_1127 : i32 to vector<16xi32>
        %add3A_1129 = arith.addi %add3A_1122, %add3A_1128 : vector<16xi32>
        %gather3A_1130 = tpu.vector_load_idx %arg7[%add3A_1129] : memref<32768xf32, #tpu.memory_space<vmem>>[vector<16xi32>], vector<16xf32>,
        %gt3A_1131 = arith.cmpf ogt, %gather3A_1130, %select_n3A_1125 : vector<16xf32>
        %select_n3A_1132 = arith.select %gt3A_1131, %gather3A_1130, %select_n3A_1125 : vector<16xi1>, vector<16xf32>
        %select_n3A_1133 = arith.select %gt3A_1131, %add3A_1129, %select_n3A_1126 : vector<16xi1>, vector<16xi32>
        %add3A_1134 = arith.constant 1 : i32
        %add3A_1135 = vector.broadcast %add3A_1134 : i32 to vector<16xi32>
        %add3A_1136 = arith.addi %add3A_1129, %add3A_1135 : vector<16xi32>
        %gather3A_1137 = tpu.vector_load_idx %arg7[%scan3A_990] : memref<32768xf32, #tpu.memory_space<vmem>>[vector<16xi32>], vector<16xf32>,
        %gt3A_1138 = arith.cmpf ogt, %gather3A_1137, %scan3A_988 : vector<16xf32>
        %select_n3A_1139 = arith.select %gt3A_1138, %gather3A_1137, %scan3A_988 : vector<16xi1>, vector<16xf32>
        %select_n3A_1140 = arith.select %gt3A_1138, %scan3A_990, %scan3A_989 : vector<16xi1>, vector<16xi32>
        %add3A_1141 = arith.constant 1 : i32
        %add3A_1142 = vector.broadcast %add3A_1141 : i32 to vector<16xi32>
        %add3A_1143 = arith.addi %scan3A_990, %add3A_1142 : vector<16xi32>
        %gather3A_1144 = tpu.vector_load_idx %arg7[%add3A_1143] : memref<32768xf32, #tpu.memory_space<vmem>>[vector<16xi32>], vector<16xf32>,
        %gt3A_1145 = arith.cmpf ogt, %gather3A_1144, %select_n3A_1139 : vector<16xf32>
        %select_n3A_1146 = arith.select %gt3A_1145, %gather3A_1144, %select_n3A_1139 : vector<16xi1>, vector<16xf32>
        %select_n3A_1147 = arith.select %gt3A_1145, %add3A_1143, %select_n3A_1140 : vector<16xi1>, vector<16xi32>
        %add3A_1148 = arith.constant 1 : i32
        %add3A_1149 = vector.broadcast %add3A_1148 : i32 to vector<16xi32>
        %add3A_1150 = arith.addi %add3A_1143, %add3A_1149 : vector<16xi32>
        %gather3A_1151 = tpu.vector_load_idx %arg7[%add3A_1150] : memref<32768xf32, #tpu.memory_space<vmem>>[vector<16xi32>], vector<16xf32>,
        %gt3A_1152 = arith.cmpf ogt, %gather3A_1151, %select_n3A_1146 : vector<16xf32>
        %select_n3A_1153 = arith.select %gt3A_1152, %gather3A_1151, %select_n3A_1146 : vector<16xi1>, vector<16xf32>
        %select_n3A_1154 = arith.select %gt3A_1152, %add3A_1150, %select_n3A_1147 : vector<16xi1>, vector<16xi32>
        %add3A_1155 = arith.constant 1 : i32
        %add3A_1156 = vector.broadcast %add3A_1155 : i32 to vector<16xi32>
        %add3A_1157 = arith.addi %add3A_1150, %add3A_1156 : vector<16xi32>
        %gather3A_1158 = tpu.vector_load_idx %arg7[%add3A_1157] : memref<32768xf32, #tpu.memory_space<vmem>>[vector<16xi32>], vector<16xf32>,
        %gt3A_1159 = arith.cmpf ogt, %gather3A_1158, %select_n3A_1153 : vector<16xf32>
        %select_n3A_1160 = arith.select %gt3A_1159, %gather3A_1158, %select_n3A_1153 : vector<16xi1>, vector<16xf32>
        %select_n3A_1161 = arith.select %gt3A_1159, %add3A_1157, %select_n3A_1154 : vector<16xi1>, vector<16xi32>
        %add3A_1162 = arith.constant 1 : i32
        %add3A_1163 = vector.broadcast %add3A_1162 : i32 to vector<16xi32>
        %add3A_1164 = arith.addi %add3A_1157, %add3A_1163 : vector<16xi32>
        %gather3A_1165 = tpu.vector_load_idx %arg7[%scan3A_993] : memref<32768xf32, #tpu.memory_space<vmem>>[vector<16xi32>], vector<16xf32>,
        %gt3A_1166 = arith.cmpf ogt, %gather3A_1165, %scan3A_991 : vector<16xf32>
        %select_n3A_1167 = arith.select %gt3A_1166, %gather3A_1165, %scan3A_991 : vector<16xi1>, vector<16xf32>
        %select_n3A_1168 = arith.select %gt3A_1166, %scan3A_993, %scan3A_992 : vector<16xi1>, vector<16xi32>
        %add3A_1169 = arith.constant 1 : i32
        %add3A_1170 = vector.broadcast %add3A_1169 : i32 to vector<16xi32>
        %add3A_1171 = arith.addi %scan3A_993, %add3A_1170 : vector<16xi32>
        %gather3A_1172 = tpu.vector_load_idx %arg7[%add3A_1171] : memref<32768xf32, #tpu.memory_space<vmem>>[vector<16xi32>], vector<16xf32>,
        %gt3A_1173 = arith.cmpf ogt, %gather3A_1172, %select_n3A_1167 : vector<16xf32>
        %select_n3A_1174 = arith.select %gt3A_1173, %gather3A_1172, %select_n3A_1167 : vector<16xi1>, vector<16xf32>
        %select_n3A_1175 = arith.select %gt3A_1173, %add3A_1171, %select_n3A_1168 : vector<16xi1>, vector<16xi32>
        %add3A_1176 = arith.constant 1 : i32
        %add3A_1177 = vector.broadcast %add3A_1176 : i32 to vector<16xi32>
        %add3A_1178 = arith.addi %add3A_1171, %add3A_1177 : vector<16xi32>
        %gather3A_1179 = tpu.vector_load_idx %arg7[%add3A_1178] : memref<32768xf32, #tpu.memory_space<vmem>>[vector<16xi32>], vector<16xf32>,
        %gt3A_1180 = arith.cmpf ogt, %gather3A_1179, %select_n3A_1174 : vector<16xf32>
        %select_n3A_1181 = arith.select %gt3A_1180, %gather3A_1179, %select_n3A_1174 : vector<16xi1>, vector<16xf32>
        %select_n3A_1182 = arith.select %gt3A_1180, %add3A_1178, %select_n3A_1175 : vector<16xi1>, vector<16xi32>
        %add3A_1183 = arith.constant 1 : i32
        %add3A_1184 = vector.broadcast %add3A_1183 : i32 to vector<16xi32>
        %add3A_1185 = arith.addi %add3A_1178, %add3A_1184 : vector<16xi32>
        %gather3A_1186 = tpu.vector_load_idx %arg7[%add3A_1185] : memref<32768xf32, #tpu.memory_space<vmem>>[vector<16xi32>], vector<16xf32>,
        %gt3A_1187 = arith.cmpf ogt, %gather3A_1186, %select_n3A_1181 : vector<16xf32>
        %select_n3A_1188 = arith.select %gt3A_1187, %gather3A_1186, %select_n3A_1181 : vector<16xi1>, vector<16xf32>
        %select_n3A_1189 = arith.select %gt3A_1187, %add3A_1185, %select_n3A_1182 : vector<16xi1>, vector<16xi32>
        %add3A_1190 = arith.constant 1 : i32
        %add3A_1191 = vector.broadcast %add3A_1190 : i32 to vector<16xi32>
        %add3A_1192 = arith.addi %add3A_1185, %add3A_1191 : vector<16xi32>
        %gather3A_1193 = tpu.vector_load_idx %arg7[%scan3A_996] : memref<32768xf32, #tpu.memory_space<vmem>>[vector<16xi32>], vector<16xf32>,
        %gt3A_1194 = arith.cmpf ogt, %gather3A_1193, %scan3A_994 : vector<16xf32>
        %select_n3A_1195 = arith.select %gt3A_1194, %gather3A_1193, %scan3A_994 : vector<16xi1>, vector<16xf32>
        %select_n3A_1196 = arith.select %gt3A_1194, %scan3A_996, %scan3A_995 : vector<16xi1>, vector<16xi32>
        %add3A_1197 = arith.constant 1 : i32
        %add3A_1198 = vector.broadcast %add3A_1197 : i32 to vector<16xi32>
        %add3A_1199 = arith.addi %scan3A_996, %add3A_1198 : vector<16xi32>
        %gather3A_1200 = tpu.vector_load_idx %arg7[%add3A_1199] : memref<32768xf32, #tpu.memory_space<vmem>>[vector<16xi32>], vector<16xf32>,
        %gt3A_1201 = arith.cmpf ogt, %gather3A_1200, %select_n3A_1195 : vector<16xf32>
        %select_n3A_1202 = arith.select %gt3A_1201, %gather3A_1200, %select_n3A_1195 : vector<16xi1>, vector<16xf32>
        %select_n3A_1203 = arith.select %gt3A_1201, %add3A_1199, %select_n3A_1196 : vector<16xi1>, vector<16xi32>
        %add3A_1204 = arith.constant 1 : i32
        %add3A_1205 = vector.broadcast %add3A_1204 : i32 to vector<16xi32>
        %add3A_1206 = arith.addi %add3A_1199, %add3A_1205 : vector<16xi32>
        %gather3A_1207 = tpu.vector_load_idx %arg7[%add3A_1206] : memref<32768xf32, #tpu.memory_space<vmem>>[vector<16xi32>], vector<16xf32>,
        %gt3A_1208 = arith.cmpf ogt, %gather3A_1207, %select_n3A_1202 : vector<16xf32>
        %select_n3A_1209 = arith.select %gt3A_1208, %gather3A_1207, %select_n3A_1202 : vector<16xi1>, vector<16xf32>
        %select_n3A_1210 = arith.select %gt3A_1208, %add3A_1206, %select_n3A_1203 : vector<16xi1>, vector<16xi32>
        %add3A_1211 = arith.constant 1 : i32
        %add3A_1212 = vector.broadcast %add3A_1211 : i32 to vector<16xi32>
        %add3A_1213 = arith.addi %add3A_1206, %add3A_1212 : vector<16xi32>
        %gather3A_1214 = tpu.vector_load_idx %arg7[%add3A_1213] : memref<32768xf32, #tpu.memory_space<vmem>>[vector<16xi32>], vector<16xf32>,
        %gt3A_1215 = arith.cmpf ogt, %gather3A_1214, %select_n3A_1209 : vector<16xf32>
        %select_n3A_1216 = arith.select %gt3A_1215, %gather3A_1214, %select_n3A_1209 : vector<16xi1>, vector<16xf32>
        %select_n3A_1217 = arith.select %gt3A_1215, %add3A_1213, %select_n3A_1210 : vector<16xi1>, vector<16xi32>
        %add3A_1218 = arith.constant 1 : i32
        %add3A_1219 = vector.broadcast %add3A_1218 : i32 to vector<16xi32>
        %add3A_1220 = arith.addi %add3A_1213, %add3A_1219 : vector<16xi32>
        scf.yield %select_n3A_1020, %select_n3A_1021, %add3A_1024, %select_n3A_1048, %select_n3A_1049, %add3A_1052, %select_n3A_1076, %select_n3A_1077, %add3A_1080, %select_n3A_1104, %select_n3A_1105, %add3A_1108, %select_n3A_1132, %select_n3A_1133, %add3A_1136, %select_n3A_1160, %select_n3A_1161, %add3A_1164, %select_n3A_1188, %select_n3A_1189, %add3A_1192, %select_n3A_1216, %select_n3A_1217, %add3A_1220 : vector<16xf32>, vector<16xi32>, vector<16xi32>, vector<16xf32>, vector<16xi32>, vector<16xi32>, vector<16xf32>, vector<16xi32>, vector<16xi32>, vector<16xf32>, vector<16xi32>, vector<16xi32>, vector<16xf32>, vector<16xi32>, vector<16xi32>, vector<16xf32>, vector<16xi32>, vector<16xi32>, vector<16xf32>, vector<16xi32>, vector<16xi32>, vector<16xf32>, vector<16xi32>, vector<16xi32>
      }
      %scan3A_123 = arith.constant 64 : i32
      %sub3A = arith.subi %scan3A_122#1, %mul3A_75 : vector<16xi32>
      %gt3A_124 = arith.cmpf ogt, %scan3A_122#0, %broadcast_in_dim3A_7 : vector<16xf32>
      %select_n3A = arith.select %gt3A_124, %sub3A, %broadcast_in_dim3A_11 : vector<16xi1>, vector<16xi32>
      %swap3A_125 = arith.constant 0 : index
      %swap3A_126 = tpu.vector_load %arg11[%swap3A_125] {strides = array<i32>} : memref<128xi32, #tpu.memory_space<vmem>>, vector<16xi32>,
      tpu.vector_store %arg11[%swap3A_125], %select_n3A {strides = array<i32>} : memref<128xi32, #tpu.memory_space<vmem>>, vector<16xi32>,
      %all_reduce_population_count3A = tpu.all_reduce %gt3A_124 {dim = 0 : i64, kind = #tpu.reduction_kind<sum>} : vector<16xi1> -> vector<16xi32>
      %add3A_127 = arith.addi %scan3A_55, %all_reduce_population_count3A : vector<16xi32>
      %add3A_128 = arith.constant 0 : i32
      %add3A_129 = vector.broadcast %add3A_128 : i32 to vector<16xi32>
      %add3A_130 = arith.addi %add3A_129, %shift_right_logical3A_4 : vector<16xi32>
      %gather3A = tpu.vector_load_idx %arg11[%add3A_130] : memref<128xi32, #tpu.memory_space<vmem>>[vector<16xi32>], vector<16xi32>,
      %get3A = arith.constant 0 : index
      %get3A_131 = tpu.vector_load %arg9[%get3A] {strides = array<i32>} : memref<512xf32, #tpu.memory_space<vmem>>, vector<16xf32>,
      %ge3A = arith.cmpi sge, %gather3A, %broadcast_in_dim3A_9 : vector<16xi32>
      %select_n3A_132 = arith.select %ge3A, %get3A_131, %broadcast_in_dim3A_7 : vector<16xi1>, vector<16xf32>
      %swap3A_133 = arith.constant 0 : index
      %swap3A_134 = tpu.vector_load %arg13[%swap3A_133] {strides = array<i32>} : memref<512xf32, #tpu.memory_space<vmem>>, vector<16xf32>,
      tpu.vector_store %arg13[%swap3A_133], %select_n3A_132 {strides = array<i32>} : memref<512xf32, #tpu.memory_space<vmem>>, vector<16xf32>,
      %add3A_135 = arith.constant 4 : i32
      %add3A_136 = vector.broadcast %add3A_135 : i32 to vector<16xi32>
      %add3A_137 = arith.addi %add3A_136, %shift_right_logical3A_4 : vector<16xi32>
      %gather3A_138 = tpu.vector_load_idx %arg11[%add3A_137] : memref<128xi32, #tpu.memory_space<vmem>>[vector<16xi32>], vector<16xi32>,
      %get3A_139 = arith.constant 16 : index
      %get3A_140 = tpu.vector_load %arg9[%get3A_139] {strides = array<i32>} : memref<512xf32, #tpu.memory_space<vmem>>, vector<16xf32>,
      %ge3A_141 = arith.cmpi sge, %gather3A_138, %broadcast_in_dim3A_9 : vector<16xi32>
      %select_n3A_142 = arith.select %ge3A_141, %get3A_140, %broadcast_in_dim3A_7 : vector<16xi1>, vector<16xf32>
      %swap3A_143 = arith.constant 16 : index
      %swap3A_144 = tpu.vector_load %arg13[%swap3A_143] {strides = array<i32>} : memref<512xf32, #tpu.memory_space<vmem>>, vector<16xf32>,
      tpu.vector_store %arg13[%swap3A_143], %select_n3A_142 {strides = array<i32>} : memref<512xf32, #tpu.memory_space<vmem>>, vector<16xf32>,
      %add3A_145 = arith.constant 8 : i32
      %add3A_146 = vector.broadcast %add3A_145 : i32 to vector<16xi32>
      %add3A_147 = arith.addi %add3A_146, %shift_right_logical3A_4 : vector<16xi32>
      %gather3A_148 = tpu.vector_load_idx %arg11[%add3A_147] : memref<128xi32, #tpu.memory_space<vmem>>[vector<16xi32>], vector<16xi32>,
      %get3A_149 = arith.constant 32 : index
      %get3A_150 = tpu.vector_load %arg9[%get3A_149] {strides = array<i32>} : memref<512xf32, #tpu.memory_space<vmem>>, vector<16xf32>,
      %ge3A_151 = arith.cmpi sge, %gather3A_148, %broadcast_in_dim3A_9 : vector<16xi32>
      %select_n3A_152 = arith.select %ge3A_151, %get3A_150, %broadcast_in_dim3A_7 : vector<16xi1>, vector<16xf32>
      %swap3A_153 = arith.constant 32 : index
      %swap3A_154 = tpu.vector_load %arg13[%swap3A_153] {strides = array<i32>} : memref<512xf32, #tpu.memory_space<vmem>>, vector<16xf32>,
      tpu.vector_store %arg13[%swap3A_153], %select_n3A_152 {strides = array<i32>} : memref<512xf32, #tpu.memory_space<vmem>>, vector<16xf32>,
      %add3A_155 = arith.constant 12 : i32
      %add3A_156 = vector.broadcast %add3A_155 : i32 to vector<16xi32>
      %add3A_157 = arith.addi %add3A_156, %shift_right_logical3A_4 : vector<16xi32>
      %gather3A_158 = tpu.vector_load_idx %arg11[%add3A_157] : memref<128xi32, #tpu.memory_space<vmem>>[vector<16xi32>], vector<16xi32>,
      %get3A_159 = arith.constant 48 : index
      %get3A_160 = tpu.vector_load %arg9[%get3A_159] {strides = array<i32>} : memref<512xf32, #tpu.memory_space<vmem>>, vector<16xf32>,
      %ge3A_161 = arith.cmpi sge, %gather3A_158, %broadcast_in_dim3A_9 : vector<16xi32>
      %select_n3A_162 = arith.select %ge3A_161, %get3A_160, %broadcast_in_dim3A_7 : vector<16xi1>, vector<16xf32>
      %swap3A_163 = arith.constant 48 : index
      %swap3A_164 = tpu.vector_load %arg13[%swap3A_163] {strides = array<i32>} : memref<512xf32, #tpu.memory_space<vmem>>, vector<16xf32>,
      tpu.vector_store %arg13[%swap3A_163], %select_n3A_162 {strides = array<i32>} : memref<512xf32, #tpu.memory_space<vmem>>, vector<16xf32>,
      %sub3A_165 = arith.subi %scan3A_122#4, %mul3A_81 : vector<16xi32>
      %gt3A_166 = arith.cmpf ogt, %scan3A_122#3, %broadcast_in_dim3A_7 : vector<16xf32>
      %select_n3A_167 = arith.select %gt3A_166, %sub3A_165, %broadcast_in_dim3A_11 : vector<16xi1>, vector<16xi32>
      %swap3A_168 = arith.constant 16 : index
      %swap3A_169 = tpu.vector_load %arg11[%swap3A_168] {strides = array<i32>} : memref<128xi32, #tpu.memory_space<vmem>>, vector<16xi32>,
      tpu.vector_store %arg11[%swap3A_168], %select_n3A_167 {strides = array<i32>} : memref<128xi32, #tpu.memory_space<vmem>>, vector<16xi32>,
      %all_reduce_population_count3A_170 = tpu.all_reduce %gt3A_166 {dim = 0 : i64, kind = #tpu.reduction_kind<sum>} : vector<16xi1> -> vector<16xi32>
      %add3A_171 = arith.addi %add3A_127, %all_reduce_population_count3A_170 : vector<16xi32>
      %add3A_172 = arith.constant 16 : i32
      %add3A_173 = vector.broadcast %add3A_172 : i32 to vector<16xi32>
      %add3A_174 = arith.addi %add3A_173, %shift_right_logical3A_4 : vector<16xi32>
      %gather3A_175 = tpu.vector_load_idx %arg11[%add3A_174] : memref<128xi32, #tpu.memory_space<vmem>>[vector<16xi32>], vector<16xi32>,
      %get3A_176 = arith.constant 64 : index
      %get3A_177 = tpu.vector_load %arg9[%get3A_176] {strides = array<i32>} : memref<512xf32, #tpu.memory_space<vmem>>, vector<16xf32>,
      %ge3A_178 = arith.cmpi sge, %gather3A_175, %broadcast_in_dim3A_9 : vector<16xi32>
      %select_n3A_179 = arith.select %ge3A_178, %get3A_177, %broadcast_in_dim3A_7 : vector<16xi1>, vector<16xf32>
      %swap3A_180 = arith.constant 64 : index
      %swap3A_181 = tpu.vector_load %arg13[%swap3A_180] {strides = array<i32>} : memref<512xf32, #tpu.memory_space<vmem>>, vector<16xf32>,
      tpu.vector_store %arg13[%swap3A_180], %select_n3A_179 {strides = array<i32>} : memref<512xf32, #tpu.memory_space<vmem>>, vector<16xf32>,
      %add3A_182 = arith.constant 20 : i32
      %add3A_183 = vector.broadcast %add3A_182 : i32 to vector<16xi32>
      %add3A_184 = arith.addi %add3A_183, %shift_right_logical3A_4 : vector<16xi32>
      %gather3A_185 = tpu.vector_load_idx %arg11[%add3A_184] : memref<128xi32, #tpu.memory_space<vmem>>[vector<16xi32>], vector<16xi32>,
      %get3A_186 = arith.constant 80 : index
      %get3A_187 = tpu.vector_load %arg9[%get3A_186] {strides = array<i32>} : memref<512xf32, #tpu.memory_space<vmem>>, vector<16xf32>,
      %ge3A_188 = arith.cmpi sge, %gather3A_185, %broadcast_in_dim3A_9 : vector<16xi32>
      %select_n3A_189 = arith.select %ge3A_188, %get3A_187, %broadcast_in_dim3A_7 : vector<16xi1>, vector<16xf32>
      %swap3A_190 = arith.constant 80 : index
      %swap3A_191 = tpu.vector_load %arg13[%swap3A_190] {strides = array<i32>} : memref<512xf32, #tpu.memory_space<vmem>>, vector<16xf32>,
      tpu.vector_store %arg13[%swap3A_190], %select_n3A_189 {strides = array<i32>} : memref<512xf32, #tpu.memory_space<vmem>>, vector<16xf32>,
      %add3A_192 = arith.constant 24 : i32
      %add3A_193 = vector.broadcast %add3A_192 : i32 to vector<16xi32>
      %add3A_194 = arith.addi %add3A_193, %shift_right_logical3A_4 : vector<16xi32>
      %gather3A_195 = tpu.vector_load_idx %arg11[%add3A_194] : memref<128xi32, #tpu.memory_space<vmem>>[vector<16xi32>], vector<16xi32>,
      %get3A_196 = arith.constant 96 : index
      %get3A_197 = tpu.vector_load %arg9[%get3A_196] {strides = array<i32>} : memref<512xf32, #tpu.memory_space<vmem>>, vector<16xf32>,
      %ge3A_198 = arith.cmpi sge, %gather3A_195, %broadcast_in_dim3A_9 : vector<16xi32>
      %select_n3A_199 = arith.select %ge3A_198, %get3A_197, %broadcast_in_dim3A_7 : vector<16xi1>, vector<16xf32>
      %swap3A_200 = arith.constant 96 : index
      %swap3A_201 = tpu.vector_load %arg13[%swap3A_200] {strides = array<i32>} : memref<512xf32, #tpu.memory_space<vmem>>, vector<16xf32>,
      tpu.vector_store %arg13[%swap3A_200], %select_n3A_199 {strides = array<i32>} : memref<512xf32, #tpu.memory_space<vmem>>, vector<16xf32>,
      %add3A_202 = arith.constant 28 : i32
      %add3A_203 = vector.broadcast %add3A_202 : i32 to vector<16xi32>
      %add3A_204 = arith.addi %add3A_203, %shift_right_logical3A_4 : vector<16xi32>
      %gather3A_205 = tpu.vector_load_idx %arg11[%add3A_204] : memref<128xi32, #tpu.memory_space<vmem>>[vector<16xi32>], vector<16xi32>,
      %get3A_206 = arith.constant 112 : index
      %get3A_207 = tpu.vector_load %arg9[%get3A_206] {strides = array<i32>} : memref<512xf32, #tpu.memory_space<vmem>>, vector<16xf32>,
      %ge3A_208 = arith.cmpi sge, %gather3A_205, %broadcast_in_dim3A_9 : vector<16xi32>
      %select_n3A_209 = arith.select %ge3A_208, %get3A_207, %broadcast_in_dim3A_7 : vector<16xi1>, vector<16xf32>
      %swap3A_210 = arith.constant 112 : index
      %swap3A_211 = tpu.vector_load %arg13[%swap3A_210] {strides = array<i32>} : memref<512xf32, #tpu.memory_space<vmem>>, vector<16xf32>,
      tpu.vector_store %arg13[%swap3A_210], %select_n3A_209 {strides = array<i32>} : memref<512xf32, #tpu.memory_space<vmem>>, vector<16xf32>,
      %sub3A_212 = arith.subi %scan3A_122#7, %mul3A_87 : vector<16xi32>
      %gt3A_213 = arith.cmpf ogt, %scan3A_122#6, %broadcast_in_dim3A_7 : vector<16xf32>
      %select_n3A_214 = arith.select %gt3A_213, %sub3A_212, %broadcast_in_dim3A_11 : vector<16xi1>, vector<16xi32>
      %swap3A_215 = arith.constant 32 : index
      %swap3A_216 = tpu.vector_load %arg11[%swap3A_215] {strides = array<i32>} : memref<128xi32, #tpu.memory_space<vmem>>, vector<16xi32>,
      tpu.vector_store %arg11[%swap3A_215], %select_n3A_214 {strides = array<i32>} : memref<128xi32, #tpu.memory_space<vmem>>, vector<16xi32>,
      %all_reduce_population_count3A_217 = tpu.all_reduce %gt3A_213 {dim = 0 : i64, kind = #tpu.reduction_kind<sum>} : vector<16xi1> -> vector<16xi32>
      %add3A_218 = arith.addi %add3A_171, %all_reduce_population_count3A_217 : vector<16xi32>
      %add3A_219 = arith.constant 32 : i32
      %add3A_220 = vector.broadcast %add3A_219 : i32 to vector<16xi32>
      %add3A_221 = arith.addi %add3A_220, %shift_right_logical3A_4 : vector<16xi32>
      %gather3A_222 = tpu.vector_load_idx %arg11[%add3A_221] : memref<128xi32, #tpu.memory_space<vmem>>[vector<16xi32>], vector<16xi32>,
      %get3A_223 = arith.constant 128 : index
      %get3A_224 = tpu.vector_load %arg9[%get3A_223] {strides = array<i32>} : memref<512xf32, #tpu.memory_space<vmem>>, vector<16xf32>,
      %ge3A_225 = arith.cmpi sge, %gather3A_222, %broadcast_in_dim3A_9 : vector<16xi32>
      %select_n3A_226 = arith.select %ge3A_225, %get3A_224, %broadcast_in_dim3A_7 : vector<16xi1>, vector<16xf32>
      %swap3A_227 = arith.constant 128 : index
      %swap3A_228 = tpu.vector_load %arg13[%swap3A_227] {strides = array<i32>} : memref<512xf32, #tpu.memory_space<vmem>>, vector<16xf32>,
      tpu.vector_store %arg13[%swap3A_227], %select_n3A_226 {strides = array<i32>} : memref<512xf32, #tpu.memory_space<vmem>>, vector<16xf32>,
      %add3A_229 = arith.constant 36 : i32
      %add3A_230 = vector.broadcast %add3A_229 : i32 to vector<16xi32>
      %add3A_231 = arith.addi %add3A_230, %shift_right_logical3A_4 : vector<16xi32>
      %gather3A_232 = tpu.vector_load_idx %arg11[%add3A_231] : memref<128xi32, #tpu.memory_space<vmem>>[vector<16xi32>], vector<16xi32>,
      %get3A_233 = arith.constant 144 : index
      %get3A_234 = tpu.vector_load %arg9[%get3A_233] {strides = array<i32>} : memref<512xf32, #tpu.memory_space<vmem>>, vector<16xf32>,
      %ge3A_235 = arith.cmpi sge, %gather3A_232, %broadcast_in_dim3A_9 : vector<16xi32>
      %select_n3A_236 = arith.select %ge3A_235, %get3A_234, %broadcast_in_dim3A_7 : vector<16xi1>, vector<16xf32>
      %swap3A_237 = arith.constant 144 : index
      %swap3A_238 = tpu.vector_load %arg13[%swap3A_237] {strides = array<i32>} : memref<512xf32, #tpu.memory_space<vmem>>, vector<16xf32>,
      tpu.vector_store %arg13[%swap3A_237], %select_n3A_236 {strides = array<i32>} : memref<512xf32, #tpu.memory_space<vmem>>, vector<16xf32>,
      %add3A_239 = arith.constant 40 : i32
      %add3A_240 = vector.broadcast %add3A_239 : i32 to vector<16xi32>
      %add3A_241 = arith.addi %add3A_240, %shift_right_logical3A_4 : vector<16xi32>
      %gather3A_242 = tpu.vector_load_idx %arg11[%add3A_241] : memref<128xi32, #tpu.memory_space<vmem>>[vector<16xi32>], vector<16xi32>,
      %get3A_243 = arith.constant 160 : index
      %get3A_244 = tpu.vector_load %arg9[%get3A_243] {strides = array<i32>} : memref<512xf32, #tpu.memory_space<vmem>>, vector<16xf32>,
      %ge3A_245 = arith.cmpi sge, %gather3A_242, %broadcast_in_dim3A_9 : vector<16xi32>
      %select_n3A_246 = arith.select %ge3A_245, %get3A_244, %broadcast_in_dim3A_7 : vector<16xi1>, vector<16xf32>
      %swap3A_247 = arith.constant 160 : index
      %swap3A_248 = tpu.vector_load %arg13[%swap3A_247] {strides = array<i32>} : memref<512xf32, #tpu.memory_space<vmem>>, vector<16xf32>,
      tpu.vector_store %arg13[%swap3A_247], %select_n3A_246 {strides = array<i32>} : memref<512xf32, #tpu.memory_space<vmem>>, vector<16xf32>,
      %add3A_249 = arith.constant 44 : i32
      %add3A_250 = vector.broadcast %add3A_249 : i32 to vector<16xi32>
      %add3A_251 = arith.addi %add3A_250, %shift_right_logical3A_4 : vector<16xi32>
      %gather3A_252 = tpu.vector_load_idx %arg11[%add3A_251] : memref<128xi32, #tpu.memory_space<vmem>>[vector<16xi32>], vector<16xi32>,
      %get3A_253 = arith.constant 176 : index
      %get3A_254 = tpu.vector_load %arg9[%get3A_253] {strides = array<i32>} : memref<512xf32, #tpu.memory_space<vmem>>, vector<16xf32>,
      %ge3A_255 = arith.cmpi sge, %gather3A_252, %broadcast_in_dim3A_9 : vector<16xi32>
      %select_n3A_256 = arith.select %ge3A_255, %get3A_254, %broadcast_in_dim3A_7 : vector<16xi1>, vector<16xf32>
      %swap3A_257 = arith.constant 176 : index
      %swap3A_258 = tpu.vector_load %arg13[%swap3A_257] {strides = array<i32>} : memref<512xf32, #tpu.memory_space<vmem>>, vector<16xf32>,
      tpu.vector_store %arg13[%swap3A_257], %select_n3A_256 {strides = array<i32>} : memref<512xf32, #tpu.memory_space<vmem>>, vector<16xf32>,
      %sub3A_259 = arith.subi %scan3A_122#10, %mul3A_93 : vector<16xi32>
      %gt3A_260 = arith.cmpf ogt, %scan3A_122#9, %broadcast_in_dim3A_7 : vector<16xf32>
      %select_n3A_261 = arith.select %gt3A_260, %sub3A_259, %broadcast_in_dim3A_11 : vector<16xi1>, vector<16xi32>
      %swap3A_262 = arith.constant 48 : index
      %swap3A_263 = tpu.vector_load %arg11[%swap3A_262] {strides = array<i32>} : memref<128xi32, #tpu.memory_space<vmem>>, vector<16xi32>,
      tpu.vector_store %arg11[%swap3A_262], %select_n3A_261 {strides = array<i32>} : memref<128xi32, #tpu.memory_space<vmem>>, vector<16xi32>,
      %all_reduce_population_count3A_264 = tpu.all_reduce %gt3A_260 {dim = 0 : i64, kind = #tpu.reduction_kind<sum>} : vector<16xi1> -> vector<16xi32>
      %add3A_265 = arith.addi %add3A_218, %all_reduce_population_count3A_264 : vector<16xi32>
      %add3A_266 = arith.constant 48 : i32
      %add3A_267 = vector.broadcast %add3A_266 : i32 to vector<16xi32>
      %add3A_268 = arith.addi %add3A_267, %shift_right_logical3A_4 : vector<16xi32>
      %gather3A_269 = tpu.vector_load_idx %arg11[%add3A_268] : memref<128xi32, #tpu.memory_space<vmem>>[vector<16xi32>], vector<16xi32>,
      %get3A_270 = arith.constant 192 : index
      %get3A_271 = tpu.vector_load %arg9[%get3A_270] {strides = array<i32>} : memref<512xf32, #tpu.memory_space<vmem>>, vector<16xf32>,
      %ge3A_272 = arith.cmpi sge, %gather3A_269, %broadcast_in_dim3A_9 : vector<16xi32>
      %select_n3A_273 = arith.select %ge3A_272, %get3A_271, %broadcast_in_dim3A_7 : vector<16xi1>, vector<16xf32>
      %swap3A_274 = arith.constant 192 : index
      %swap3A_275 = tpu.vector_load %arg13[%swap3A_274] {strides = array<i32>} : memref<512xf32, #tpu.memory_space<vmem>>, vector<16xf32>,
      tpu.vector_store %arg13[%swap3A_274], %select_n3A_273 {strides = array<i32>} : memref<512xf32, #tpu.memory_space<vmem>>, vector<16xf32>,
      %add3A_276 = arith.constant 52 : i32
      %add3A_277 = vector.broadcast %add3A_276 : i32 to vector<16xi32>
      %add3A_278 = arith.addi %add3A_277, %shift_right_logical3A_4 : vector<16xi32>
      %gather3A_279 = tpu.vector_load_idx %arg11[%add3A_278] : memref<128xi32, #tpu.memory_space<vmem>>[vector<16xi32>], vector<16xi32>,
      %get3A_280 = arith.constant 208 : index
      %get3A_281 = tpu.vector_load %arg9[%get3A_280] {strides = array<i32>} : memref<512xf32, #tpu.memory_space<vmem>>, vector<16xf32>,
      %ge3A_282 = arith.cmpi sge, %gather3A_279, %broadcast_in_dim3A_9 : vector<16xi32>
      %select_n3A_283 = arith.select %ge3A_282, %get3A_281, %broadcast_in_dim3A_7 : vector<16xi1>, vector<16xf32>
      %swap3A_284 = arith.constant 208 : index
      %swap3A_285 = tpu.vector_load %arg13[%swap3A_284] {strides = array<i32>} : memref<512xf32, #tpu.memory_space<vmem>>, vector<16xf32>,
      tpu.vector_store %arg13[%swap3A_284], %select_n3A_283 {strides = array<i32>} : memref<512xf32, #tpu.memory_space<vmem>>, vector<16xf32>,
      %add3A_286 = arith.constant 56 : i32
      %add3A_287 = vector.broadcast %add3A_286 : i32 to vector<16xi32>
      %add3A_288 = arith.addi %add3A_287, %shift_right_logical3A_4 : vector<16xi32>
      %gather3A_289 = tpu.vector_load_idx %arg11[%add3A_288] : memref<128xi32, #tpu.memory_space<vmem>>[vector<16xi32>], vector<16xi32>,
      %get3A_290 = arith.constant 224 : index
      %get3A_291 = tpu.vector_load %arg9[%get3A_290] {strides = array<i32>} : memref<512xf32, #tpu.memory_space<vmem>>, vector<16xf32>,
      %ge3A_292 = arith.cmpi sge, %gather3A_289, %broadcast_in_dim3A_9 : vector<16xi32>
      %select_n3A_293 = arith.select %ge3A_292, %get3A_291, %broadcast_in_dim3A_7 : vector<16xi1>, vector<16xf32>
      %swap3A_294 = arith.constant 224 : index
      %swap3A_295 = tpu.vector_load %arg13[%swap3A_294] {strides = array<i32>} : memref<512xf32, #tpu.memory_space<vmem>>, vector<16xf32>,
      tpu.vector_store %arg13[%swap3A_294], %select_n3A_293 {strides = array<i32>} : memref<512xf32, #tpu.memory_space<vmem>>, vector<16xf32>,
      %add3A_296 = arith.constant 60 : i32
      %add3A_297 = vector.broadcast %add3A_296 : i32 to vector<16xi32>
      %add3A_298 = arith.addi %add3A_297, %shift_right_logical3A_4 : vector<16xi32>
      %gather3A_299 = tpu.vector_load_idx %arg11[%add3A_298] : memref<128xi32, #tpu.memory_space<vmem>>[vector<16xi32>], vector<16xi32>,
      %get3A_300 = arith.constant 240 : index
      %get3A_301 = tpu.vector_load %arg9[%get3A_300] {strides = array<i32>} : memref<512xf32, #tpu.memory_space<vmem>>, vector<16xf32>,
      %ge3A_302 = arith.cmpi sge, %gather3A_299, %broadcast_in_dim3A_9 : vector<16xi32>
      %select_n3A_303 = arith.select %ge3A_302, %get3A_301, %broadcast_in_dim3A_7 : vector<16xi1>, vector<16xf32>
      %swap3A_304 = arith.constant 240 : index
      %swap3A_305 = tpu.vector_load %arg13[%swap3A_304] {strides = array<i32>} : memref<512xf32, #tpu.memory_space<vmem>>, vector<16xf32>,
      tpu.vector_store %arg13[%swap3A_304], %select_n3A_303 {strides = array<i32>} : memref<512xf32, #tpu.memory_space<vmem>>, vector<16xf32>,
      %sub3A_306 = arith.subi %scan3A_122#13, %mul3A_99 : vector<16xi32>
      %gt3A_307 = arith.cmpf ogt, %scan3A_122#12, %broadcast_in_dim3A_7 : vector<16xf32>
      %select_n3A_308 = arith.select %gt3A_307, %sub3A_306, %broadcast_in_dim3A_11 : vector<16xi1>, vector<16xi32>
      %swap3A_309 = arith.constant 64 : index
      %swap3A_310 = tpu.vector_load %arg11[%swap3A_309] {strides = array<i32>} : memref<128xi32, #tpu.memory_space<vmem>>, vector<16xi32>,
      tpu.vector_store %arg11[%swap3A_309], %select_n3A_308 {strides = array<i32>} : memref<128xi32, #tpu.memory_space<vmem>>, vector<16xi32>,
      %all_reduce_population_count3A_311 = tpu.all_reduce %gt3A_307 {dim = 0 : i64, kind = #tpu.reduction_kind<sum>} : vector<16xi1> -> vector<16xi32>
      %add3A_312 = arith.addi %add3A_265, %all_reduce_population_count3A_311 : vector<16xi32>
      %add3A_313 = arith.constant 64 : i32
      %add3A_314 = vector.broadcast %add3A_313 : i32 to vector<16xi32>
      %add3A_315 = arith.addi %add3A_314, %shift_right_logical3A_4 : vector<16xi32>
      %gather3A_316 = tpu.vector_load_idx %arg11[%add3A_315] : memref<128xi32, #tpu.memory_space<vmem>>[vector<16xi32>], vector<16xi32>,
      %get3A_317 = arith.constant 256 : index
      %get3A_318 = tpu.vector_load %arg9[%get3A_317] {strides = array<i32>} : memref<512xf32, #tpu.memory_space<vmem>>, vector<16xf32>,
      %ge3A_319 = arith.cmpi sge, %gather3A_316, %broadcast_in_dim3A_9 : vector<16xi32>
      %select_n3A_320 = arith.select %ge3A_319, %get3A_318, %broadcast_in_dim3A_7 : vector<16xi1>, vector<16xf32>
      %swap3A_321 = arith.constant 256 : index
      %swap3A_322 = tpu.vector_load %arg13[%swap3A_321] {strides = array<i32>} : memref<512xf32, #tpu.memory_space<vmem>>, vector<16xf32>,
      tpu.vector_store %arg13[%swap3A_321], %select_n3A_320 {strides = array<i32>} : memref<512xf32, #tpu.memory_space<vmem>>, vector<16xf32>,
      %add3A_323 = arith.constant 68 : i32
      %add3A_324 = vector.broadcast %add3A_323 : i32 to vector<16xi32>
      %add3A_325 = arith.addi %add3A_324, %shift_right_logical3A_4 : vector<16xi32>
      %gather3A_326 = tpu.vector_load_idx %arg11[%add3A_325] : memref<128xi32, #tpu.memory_space<vmem>>[vector<16xi32>], vector<16xi32>,
      %get3A_327 = arith.constant 272 : index
      %get3A_328 = tpu.vector_load %arg9[%get3A_327] {strides = array<i32>} : memref<512xf32, #tpu.memory_space<vmem>>, vector<16xf32>,
      %ge3A_329 = arith.cmpi sge, %gather3A_326, %broadcast_in_dim3A_9 : vector<16xi32>
      %select_n3A_330 = arith.select %ge3A_329, %get3A_328, %broadcast_in_dim3A_7 : vector<16xi1>, vector<16xf32>
      %swap3A_331 = arith.constant 272 : index
      %swap3A_332 = tpu.vector_load %arg13[%swap3A_331] {strides = array<i32>} : memref<512xf32, #tpu.memory_space<vmem>>, vector<16xf32>,
      tpu.vector_store %arg13[%swap3A_331], %select_n3A_330 {strides = array<i32>} : memref<512xf32, #tpu.memory_space<vmem>>, vector<16xf32>,
      %add3A_333 = arith.constant 72 : i32
      %add3A_334 = vector.broadcast %add3A_333 : i32 to vector<16xi32>
      %add3A_335 = arith.addi %add3A_334, %shift_right_logical3A_4 : vector<16xi32>
      %gather3A_336 = tpu.vector_load_idx %arg11[%add3A_335] : memref<128xi32, #tpu.memory_space<vmem>>[vector<16xi32>], vector<16xi32>,
      %get3A_337 = arith.constant 288 : index
      %get3A_338 = tpu.vector_load %arg9[%get3A_337] {strides = array<i32>} : memref<512xf32, #tpu.memory_space<vmem>>, vector<16xf32>,
      %ge3A_339 = arith.cmpi sge, %gather3A_336, %broadcast_in_dim3A_9 : vector<16xi32>
      %select_n3A_340 = arith.select %ge3A_339, %get3A_338, %broadcast_in_dim3A_7 : vector<16xi1>, vector<16xf32>
      %swap3A_341 = arith.constant 288 : index
      %swap3A_342 = tpu.vector_load %arg13[%swap3A_341] {strides = array<i32>} : memref<512xf32, #tpu.memory_space<vmem>>, vector<16xf32>,
      tpu.vector_store %arg13[%swap3A_341], %select_n3A_340 {strides = array<i32>} : memref<512xf32, #tpu.memory_space<vmem>>, vector<16xf32>,
      %add3A_343 = arith.constant 76 : i32
      %add3A_344 = vector.broadcast %add3A_343 : i32 to vector<16xi32>
      %add3A_345 = arith.addi %add3A_344, %shift_right_logical3A_4 : vector<16xi32>
      %gather3A_346 = tpu.vector_load_idx %arg11[%add3A_345] : memref<128xi32, #tpu.memory_space<vmem>>[vector<16xi32>], vector<16xi32>,
      %get3A_347 = arith.constant 304 : index
      %get3A_348 = tpu.vector_load %arg9[%get3A_347] {strides = array<i32>} : memref<512xf32, #tpu.memory_space<vmem>>, vector<16xf32>,
      %ge3A_349 = arith.cmpi sge, %gather3A_346, %broadcast_in_dim3A_9 : vector<16xi32>
      %select_n3A_350 = arith.select %ge3A_349, %get3A_348, %broadcast_in_dim3A_7 : vector<16xi1>, vector<16xf32>
      %swap3A_351 = arith.constant 304 : index
      %swap3A_352 = tpu.vector_load %arg13[%swap3A_351] {strides = array<i32>} : memref<512xf32, #tpu.memory_space<vmem>>, vector<16xf32>,
      tpu.vector_store %arg13[%swap3A_351], %select_n3A_350 {strides = array<i32>} : memref<512xf32, #tpu.memory_space<vmem>>, vector<16xf32>,
      %sub3A_353 = arith.subi %scan3A_122#16, %mul3A_105 : vector<16xi32>
      %gt3A_354 = arith.cmpf ogt, %scan3A_122#15, %broadcast_in_dim3A_7 : vector<16xf32>
      %select_n3A_355 = arith.select %gt3A_354, %sub3A_353, %broadcast_in_dim3A_11 : vector<16xi1>, vector<16xi32>
      %swap3A_356 = arith.constant 80 : index
      %swap3A_357 = tpu.vector_load %arg11[%swap3A_356] {strides = array<i32>} : memref<128xi32, #tpu.memory_space<vmem>>, vector<16xi32>,
      tpu.vector_store %arg11[%swap3A_356], %select_n3A_355 {strides = array<i32>} : memref<128xi32, #tpu.memory_space<vmem>>, vector<16xi32>,
      %all_reduce_population_count3A_358 = tpu.all_reduce %gt3A_354 {dim = 0 : i64, kind = #tpu.reduction_kind<sum>} : vector<16xi1> -> vector<16xi32>
      %add3A_359 = arith.addi %add3A_312, %all_reduce_population_count3A_358 : vector<16xi32>
      %add3A_360 = arith.constant 80 : i32
      %add3A_361 = vector.broadcast %add3A_360 : i32 to vector<16xi32>
      %add3A_362 = arith.addi %add3A_361, %shift_right_logical3A_4 : vector<16xi32>
      %gather3A_363 = tpu.vector_load_idx %arg11[%add3A_362] : memref<128xi32, #tpu.memory_space<vmem>>[vector<16xi32>], vector<16xi32>,
      %get3A_364 = arith.constant 320 : index
      %get3A_365 = tpu.vector_load %arg9[%get3A_364] {strides = array<i32>} : memref<512xf32, #tpu.memory_space<vmem>>, vector<16xf32>,
      %ge3A_366 = arith.cmpi sge, %gather3A_363, %broadcast_in_dim3A_9 : vector<16xi32>
      %select_n3A_367 = arith.select %ge3A_366, %get3A_365, %broadcast_in_dim3A_7 : vector<16xi1>, vector<16xf32>
      %swap3A_368 = arith.constant 320 : index
      %swap3A_369 = tpu.vector_load %arg13[%swap3A_368] {strides = array<i32>} : memref<512xf32, #tpu.memory_space<vmem>>, vector<16xf32>,
      tpu.vector_store %arg13[%swap3A_368], %select_n3A_367 {strides = array<i32>} : memref<512xf32, #tpu.memory_space<vmem>>, vector<16xf32>,
      %add3A_370 = arith.constant 84 : i32
      %add3A_371 = vector.broadcast %add3A_370 : i32 to vector<16xi32>
      %add3A_372 = arith.addi %add3A_371, %shift_right_logical3A_4 : vector<16xi32>
      %gather3A_373 = tpu.vector_load_idx %arg11[%add3A_372] : memref<128xi32, #tpu.memory_space<vmem>>[vector<16xi32>], vector<16xi32>,
      %get3A_374 = arith.constant 336 : index
      %get3A_375 = tpu.vector_load %arg9[%get3A_374] {strides = array<i32>} : memref<512xf32, #tpu.memory_space<vmem>>, vector<16xf32>,
      %ge3A_376 = arith.cmpi sge, %gather3A_373, %broadcast_in_dim3A_9 : vector<16xi32>
      %select_n3A_377 = arith.select %ge3A_376, %get3A_375, %broadcast_in_dim3A_7 : vector<16xi1>, vector<16xf32>
      %swap3A_378 = arith.constant 336 : index
      %swap3A_379 = tpu.vector_load %arg13[%swap3A_378] {strides = array<i32>} : memref<512xf32, #tpu.memory_space<vmem>>, vector<16xf32>,
      tpu.vector_store %arg13[%swap3A_378], %select_n3A_377 {strides = array<i32>} : memref<512xf32, #tpu.memory_space<vmem>>, vector<16xf32>,
      %add3A_380 = arith.constant 88 : i32
      %add3A_381 = vector.broadcast %add3A_380 : i32 to vector<16xi32>
      %add3A_382 = arith.addi %add3A_381, %shift_right_logical3A_4 : vector<16xi32>
      %gather3A_383 = tpu.vector_load_idx %arg11[%add3A_382] : memref<128xi32, #tpu.memory_space<vmem>>[vector<16xi32>], vector<16xi32>,
      %get3A_384 = arith.constant 352 : index
      %get3A_385 = tpu.vector_load %arg9[%get3A_384] {strides = array<i32>} : memref<512xf32, #tpu.memory_space<vmem>>, vector<16xf32>,
      %ge3A_386 = arith.cmpi sge, %gather3A_383, %broadcast_in_dim3A_9 : vector<16xi32>
      %select_n3A_387 = arith.select %ge3A_386, %get3A_385, %broadcast_in_dim3A_7 : vector<16xi1>, vector<16xf32>
      %swap3A_388 = arith.constant 352 : index
      %swap3A_389 = tpu.vector_load %arg13[%swap3A_388] {strides = array<i32>} : memref<512xf32, #tpu.memory_space<vmem>>, vector<16xf32>,
      tpu.vector_store %arg13[%swap3A_388], %select_n3A_387 {strides = array<i32>} : memref<512xf32, #tpu.memory_space<vmem>>, vector<16xf32>,
      %add3A_390 = arith.constant 92 : i32
      %add3A_391 = vector.broadcast %add3A_390 : i32 to vector<16xi32>
      %add3A_392 = arith.addi %add3A_391, %shift_right_logical3A_4 : vector<16xi32>
      %gather3A_393 = tpu.vector_load_idx %arg11[%add3A_392] : memref<128xi32, #tpu.memory_space<vmem>>[vector<16xi32>], vector<16xi32>,
      %get3A_394 = arith.constant 368 : index
      %get3A_395 = tpu.vector_load %arg9[%get3A_394] {strides = array<i32>} : memref<512xf32, #tpu.memory_space<vmem>>, vector<16xf32>,
      %ge3A_396 = arith.cmpi sge, %gather3A_393, %broadcast_in_dim3A_9 : vector<16xi32>
      %select_n3A_397 = arith.select %ge3A_396, %get3A_395, %broadcast_in_dim3A_7 : vector<16xi1>, vector<16xf32>
      %swap3A_398 = arith.constant 368 : index
      %swap3A_399 = tpu.vector_load %arg13[%swap3A_398] {strides = array<i32>} : memref<512xf32, #tpu.memory_space<vmem>>, vector<16xf32>,
      tpu.vector_store %arg13[%swap3A_398], %select_n3A_397 {strides = array<i32>} : memref<512xf32, #tpu.memory_space<vmem>>, vector<16xf32>,
      %sub3A_400 = arith.subi %scan3A_122#19, %mul3A_111 : vector<16xi32>
      %gt3A_401 = arith.cmpf ogt, %scan3A_122#18, %broadcast_in_dim3A_7 : vector<16xf32>
      %select_n3A_402 = arith.select %gt3A_401, %sub3A_400, %broadcast_in_dim3A_11 : vector<16xi1>, vector<16xi32>
      %swap3A_403 = arith.constant 96 : index
      %swap3A_404 = tpu.vector_load %arg11[%swap3A_403] {strides = array<i32>} : memref<128xi32, #tpu.memory_space<vmem>>, vector<16xi32>,
      tpu.vector_store %arg11[%swap3A_403], %select_n3A_402 {strides = array<i32>} : memref<128xi32, #tpu.memory_space<vmem>>, vector<16xi32>,
      %all_reduce_population_count3A_405 = tpu.all_reduce %gt3A_401 {dim = 0 : i64, kind = #tpu.reduction_kind<sum>} : vector<16xi1> -> vector<16xi32>
      %add3A_406 = arith.addi %add3A_359, %all_reduce_population_count3A_405 : vector<16xi32>
      %add3A_407 = arith.constant 96 : i32
      %add3A_408 = vector.broadcast %add3A_407 : i32 to vector<16xi32>
      %add3A_409 = arith.addi %add3A_408, %shift_right_logical3A_4 : vector<16xi32>
      %gather3A_410 = tpu.vector_load_idx %arg11[%add3A_409] : memref<128xi32, #tpu.memory_space<vmem>>[vector<16xi32>], vector<16xi32>,
      %get3A_411 = arith.constant 384 : index
      %get3A_412 = tpu.vector_load %arg9[%get3A_411] {strides = array<i32>} : memref<512xf32, #tpu.memory_space<vmem>>, vector<16xf32>,
      %ge3A_413 = arith.cmpi sge, %gather3A_410, %broadcast_in_dim3A_9 : vector<16xi32>
      %select_n3A_414 = arith.select %ge3A_413, %get3A_412, %broadcast_in_dim3A_7 : vector<16xi1>, vector<16xf32>
      %swap3A_415 = arith.constant 384 : index
      %swap3A_416 = tpu.vector_load %arg13[%swap3A_415] {strides = array<i32>} : memref<512xf32, #tpu.memory_space<vmem>>, vector<16xf32>,
      tpu.vector_store %arg13[%swap3A_415], %select_n3A_414 {strides = array<i32>} : memref<512xf32, #tpu.memory_space<vmem>>, vector<16xf32>,
      %add3A_417 = arith.constant 100 : i32
      %add3A_418 = vector.broadcast %add3A_417 : i32 to vector<16xi32>
      %add3A_419 = arith.addi %add3A_418, %shift_right_logical3A_4 : vector<16xi32>
      %gather3A_420 = tpu.vector_load_idx %arg11[%add3A_419] : memref<128xi32, #tpu.memory_space<vmem>>[vector<16xi32>], vector<16xi32>,
      %get3A_421 = arith.constant 400 : index
      %get3A_422 = tpu.vector_load %arg9[%get3A_421] {strides = array<i32>} : memref<512xf32, #tpu.memory_space<vmem>>, vector<16xf32>,
      %ge3A_423 = arith.cmpi sge, %gather3A_420, %broadcast_in_dim3A_9 : vector<16xi32>
      %select_n3A_424 = arith.select %ge3A_423, %get3A_422, %broadcast_in_dim3A_7 : vector<16xi1>, vector<16xf32>
      %swap3A_425 = arith.constant 400 : index
      %swap3A_426 = tpu.vector_load %arg13[%swap3A_425] {strides = array<i32>} : memref<512xf32, #tpu.memory_space<vmem>>, vector<16xf32>,
      tpu.vector_store %arg13[%swap3A_425], %select_n3A_424 {strides = array<i32>} : memref<512xf32, #tpu.memory_space<vmem>>, vector<16xf32>,
      %add3A_427 = arith.constant 104 : i32
      %add3A_428 = vector.broadcast %add3A_427 : i32 to vector<16xi32>
      %add3A_429 = arith.addi %add3A_428, %shift_right_logical3A_4 : vector<16xi32>
      %gather3A_430 = tpu.vector_load_idx %arg11[%add3A_429] : memref<128xi32, #tpu.memory_space<vmem>>[vector<16xi32>], vector<16xi32>,
      %get3A_431 = arith.constant 416 : index
      %get3A_432 = tpu.vector_load %arg9[%get3A_431] {strides = array<i32>} : memref<512xf32, #tpu.memory_space<vmem>>, vector<16xf32>,
      %ge3A_433 = arith.cmpi sge, %gather3A_430, %broadcast_in_dim3A_9 : vector<16xi32>
      %select_n3A_434 = arith.select %ge3A_433, %get3A_432, %broadcast_in_dim3A_7 : vector<16xi1>, vector<16xf32>
      %swap3A_435 = arith.constant 416 : index
      %swap3A_436 = tpu.vector_load %arg13[%swap3A_435] {strides = array<i32>} : memref<512xf32, #tpu.memory_space<vmem>>, vector<16xf32>,
      tpu.vector_store %arg13[%swap3A_435], %select_n3A_434 {strides = array<i32>} : memref<512xf32, #tpu.memory_space<vmem>>, vector<16xf32>,
      %add3A_437 = arith.constant 108 : i32
      %add3A_438 = vector.broadcast %add3A_437 : i32 to vector<16xi32>
      %add3A_439 = arith.addi %add3A_438, %shift_right_logical3A_4 : vector<16xi32>
      %gather3A_440 = tpu.vector_load_idx %arg11[%add3A_439] : memref<128xi32, #tpu.memory_space<vmem>>[vector<16xi32>], vector<16xi32>,
      %get3A_441 = arith.constant 432 : index
      %get3A_442 = tpu.vector_load %arg9[%get3A_441] {strides = array<i32>} : memref<512xf32, #tpu.memory_space<vmem>>, vector<16xf32>,
      %ge3A_443 = arith.cmpi sge, %gather3A_440, %broadcast_in_dim3A_9 : vector<16xi32>
      %select_n3A_444 = arith.select %ge3A_443, %get3A_442, %broadcast_in_dim3A_7 : vector<16xi1>, vector<16xf32>
      %swap3A_445 = arith.constant 432 : index
      %swap3A_446 = tpu.vector_load %arg13[%swap3A_445] {strides = array<i32>} : memref<512xf32, #tpu.memory_space<vmem>>, vector<16xf32>,
      tpu.vector_store %arg13[%swap3A_445], %select_n3A_444 {strides = array<i32>} : memref<512xf32, #tpu.memory_space<vmem>>, vector<16xf32>,
      %sub3A_447 = arith.subi %scan3A_122#22, %mul3A_117 : vector<16xi32>
      %gt3A_448 = arith.cmpf ogt, %scan3A_122#21, %broadcast_in_dim3A_7 : vector<16xf32>
      %select_n3A_449 = arith.select %gt3A_448, %sub3A_447, %broadcast_in_dim3A_11 : vector<16xi1>, vector<16xi32>
      %swap3A_450 = arith.constant 112 : index
      %swap3A_451 = tpu.vector_load %arg11[%swap3A_450] {strides = array<i32>} : memref<128xi32, #tpu.memory_space<vmem>>, vector<16xi32>,
      tpu.vector_store %arg11[%swap3A_450], %select_n3A_449 {strides = array<i32>} : memref<128xi32, #tpu.memory_space<vmem>>, vector<16xi32>,
      %all_reduce_population_count3A_452 = tpu.all_reduce %gt3A_448 {dim = 0 : i64, kind = #tpu.reduction_kind<sum>} : vector<16xi1> -> vector<16xi32>
      %add3A_453 = arith.addi %add3A_406, %all_reduce_population_count3A_452 : vector<16xi32>
      %add3A_454 = arith.constant 112 : i32
      %add3A_455 = vector.broadcast %add3A_454 : i32 to vector<16xi32>
      %add3A_456 = arith.addi %add3A_455, %shift_right_logical3A_4 : vector<16xi32>
      %gather3A_457 = tpu.vector_load_idx %arg11[%add3A_456] : memref<128xi32, #tpu.memory_space<vmem>>[vector<16xi32>], vector<16xi32>,
      %get3A_458 = arith.constant 448 : index
      %get3A_459 = tpu.vector_load %arg9[%get3A_458] {strides = array<i32>} : memref<512xf32, #tpu.memory_space<vmem>>, vector<16xf32>,
      %ge3A_460 = arith.cmpi sge, %gather3A_457, %broadcast_in_dim3A_9 : vector<16xi32>
      %select_n3A_461 = arith.select %ge3A_460, %get3A_459, %broadcast_in_dim3A_7 : vector<16xi1>, vector<16xf32>
      %swap3A_462 = arith.constant 448 : index
      %swap3A_463 = tpu.vector_load %arg13[%swap3A_462] {strides = array<i32>} : memref<512xf32, #tpu.memory_space<vmem>>, vector<16xf32>,
      tpu.vector_store %arg13[%swap3A_462], %select_n3A_461 {strides = array<i32>} : memref<512xf32, #tpu.memory_space<vmem>>, vector<16xf32>,
      %add3A_464 = arith.constant 116 : i32
      %add3A_465 = vector.broadcast %add3A_464 : i32 to vector<16xi32>
      %add3A_466 = arith.addi %add3A_465, %shift_right_logical3A_4 : vector<16xi32>
      %gather3A_467 = tpu.vector_load_idx %arg11[%add3A_466] : memref<128xi32, #tpu.memory_space<vmem>>[vector<16xi32>], vector<16xi32>,
      %get3A_468 = arith.constant 464 : index
      %get3A_469 = tpu.vector_load %arg9[%get3A_468] {strides = array<i32>} : memref<512xf32, #tpu.memory_space<vmem>>, vector<16xf32>,
      %ge3A_470 = arith.cmpi sge, %gather3A_467, %broadcast_in_dim3A_9 : vector<16xi32>
      %select_n3A_471 = arith.select %ge3A_470, %get3A_469, %broadcast_in_dim3A_7 : vector<16xi1>, vector<16xf32>
      %swap3A_472 = arith.constant 464 : index
      %swap3A_473 = tpu.vector_load %arg13[%swap3A_472] {strides = array<i32>} : memref<512xf32, #tpu.memory_space<vmem>>, vector<16xf32>,
      tpu.vector_store %arg13[%swap3A_472], %select_n3A_471 {strides = array<i32>} : memref<512xf32, #tpu.memory_space<vmem>>, vector<16xf32>,
      %add3A_474 = arith.constant 120 : i32
      %add3A_475 = vector.broadcast %add3A_474 : i32 to vector<16xi32>
      %add3A_476 = arith.addi %add3A_475, %shift_right_logical3A_4 : vector<16xi32>
      %gather3A_477 = tpu.vector_load_idx %arg11[%add3A_476] : memref<128xi32, #tpu.memory_space<vmem>>[vector<16xi32>], vector<16xi32>,
      %get3A_478 = arith.constant 480 : index
      %get3A_479 = tpu.vector_load %arg9[%get3A_478] {strides = array<i32>} : memref<512xf32, #tpu.memory_space<vmem>>, vector<16xf32>,
      %ge3A_480 = arith.cmpi sge, %gather3A_477, %broadcast_in_dim3A_9 : vector<16xi32>
      %select_n3A_481 = arith.select %ge3A_480, %get3A_479, %broadcast_in_dim3A_7 : vector<16xi1>, vector<16xf32>
      %swap3A_482 = arith.constant 480 : index
      %swap3A_483 = tpu.vector_load %arg13[%swap3A_482] {strides = array<i32>} : memref<512xf32, #tpu.memory_space<vmem>>, vector<16xf32>,
      tpu.vector_store %arg13[%swap3A_482], %select_n3A_481 {strides = array<i32>} : memref<512xf32, #tpu.memory_space<vmem>>, vector<16xf32>,
      %add3A_484 = arith.constant 124 : i32
      %add3A_485 = vector.broadcast %add3A_484 : i32 to vector<16xi32>
      %add3A_486 = arith.addi %add3A_485, %shift_right_logical3A_4 : vector<16xi32>
      %gather3A_487 = tpu.vector_load_idx %arg11[%add3A_486] : memref<128xi32, #tpu.memory_space<vmem>>[vector<16xi32>], vector<16xi32>,
      %get3A_488 = arith.constant 496 : index
      %get3A_489 = tpu.vector_load %arg9[%get3A_488] {strides = array<i32>} : memref<512xf32, #tpu.memory_space<vmem>>, vector<16xf32>,
      %ge3A_490 = arith.cmpi sge, %gather3A_487, %broadcast_in_dim3A_9 : vector<16xi32>
      %select_n3A_491 = arith.select %ge3A_490, %get3A_489, %broadcast_in_dim3A_7 : vector<16xi1>, vector<16xf32>
      %swap3A_492 = arith.constant 496 : index
      %swap3A_493 = tpu.vector_load %arg13[%swap3A_492] {strides = array<i32>} : memref<512xf32, #tpu.memory_space<vmem>>, vector<16xf32>,
      tpu.vector_store %arg13[%swap3A_492], %select_n3A_491 {strides = array<i32>} : memref<512xf32, #tpu.memory_space<vmem>>, vector<16xf32>,
      %mul3A_494 = arith.constant 128 : i32
      %mul3A_495 = arith.muli %add3A_59, %mul3A_494 : i32
      %add3A_496 = arith.addi %mul3A_2, %mul3A_495 : i32
      %dma_start3A_497 = tpu.memref_slice %arg4[%add3A_496] : memref<16384xi32, #tpu.memory_space<hbm>> -> memref<128xi32, #tpu.memory_space<hbm>>
      %dma_start3A_498 = tpu.memref_slice %arg4[%add3A_496] : memref<16384xi32, #tpu.memory_space<hbm>> -> memref<128xi32, #tpu.memory_space<hbm>>
      tpu.enqueue_dma source(%arg11 : memref<128xi32, #tpu.memory_space<vmem>>) target(%dma_start3A_498 : memref<128xi32, #tpu.memory_space<hbm>>) target_semaphore(%arg18 : memref<!tpu.dma_semaphore, #tpu.memory_space<semaphore_mem>>)
      %mul3A_499 = arith.constant 4 : i32
      %mul3A_500 = arith.muli %add3A_496, %mul3A_499 : i32
      %dma_start3A_501 = tpu.memref_slice %arg5[%mul3A_500] : memref<65536xf32, #tpu.memory_space<hbm>> -> memref<512xf32, #tpu.memory_space<hbm>>
      %dma_start3A_502 = tpu.memref_slice %arg5[%mul3A_500] : memref<65536xf32, #tpu.memory_space<hbm>> -> memref<512xf32, #tpu.memory_space<hbm>>
      tpu.enqueue_dma source(%arg13 : memref<512xf32, #tpu.memory_space<vmem>>) target(%dma_start3A_502 : memref<512xf32, #tpu.memory_space<hbm>>) target_semaphore(%arg18 : memref<!tpu.dma_semaphore, #tpu.memory_space<semaphore_mem>>)
      %add3A_503 = arith.constant 2 : i32
      %add3A_504 = arith.addi %add3A_59, %add3A_503 : i32
      %lt3A = arith.constant 4 : i32
      %lt3A_505 = arith.cmpi slt, %add3A_504, %lt3A : i32
      %convert_element_type3A_506 = arith.extui %lt3A_505 : i1 to i32
      %cond3A_507 = arith.constant 0 : i32
      %cond3A_508 = arith.cmpi ne, %convert_element_type3A_506, %cond3A_507 : i32
      scf.if %cond3A_508 {
        %add3A_972 = arith.constant 2 : i32
        %add3A_973 = arith.addi %add3A_59, %add3A_972 : i32
        %mul3A_974 = arith.constant 128 : i32
        %mul3A_975 = arith.muli %add3A_973, %mul3A_974 : i32
        %add3A_976 = arith.addi %mul3A_2, %mul3A_975 : i32
        %mul3A_977 = arith.constant 256 : i32
        %mul3A_978 = arith.muli %add3A_976, %mul3A_977 : i32
        %dma_start3A_979 = tpu.memref_slice %arg2[%mul3A_978] : memref<4194304xf32, #tpu.memory_space<hbm>> -> memref<32768xf32, #tpu.memory_space<hbm>>
        %dma_start3A_980 = tpu.memref_slice %arg2[%mul3A_978] : memref<4194304xf32, #tpu.memory_space<hbm>> -> memref<32768xf32, #tpu.memory_space<hbm>>
        tpu.enqueue_dma source(%dma_start3A_980 : memref<32768xf32, #tpu.memory_space<hbm>>) target(%arg7 : memref<32768xf32, #tpu.memory_space<vmem>>) target_semaphore(%arg16 : memref<!tpu.dma_semaphore, #tpu.memory_space<semaphore_mem>>)
        %mul3A_981 = arith.constant 4 : i32
        %mul3A_982 = arith.muli %add3A_976, %mul3A_981 : i32
        %dma_start3A_983 = tpu.memref_slice %arg3[%mul3A_982] : memref<65536xf32, #tpu.memory_space<hbm>> -> memref<512xf32, #tpu.memory_space<hbm>>
        %dma_start3A_984 = tpu.memref_slice %arg3[%mul3A_982] : memref<65536xf32, #tpu.memory_space<hbm>> -> memref<512xf32, #tpu.memory_space<hbm>>
        tpu.enqueue_dma source(%dma_start3A_984 : memref<512xf32, #tpu.memory_space<hbm>>) target(%arg9 : memref<512xf32, #tpu.memory_space<vmem>>) target_semaphore(%arg16 : memref<!tpu.dma_semaphore, #tpu.memory_space<semaphore_mem>>)
      } else {
      }
      %mul3A_509 = arith.constant 2 : i32
      %mul3A_510 = arith.muli %scan3A_54, %mul3A_509 : i32
      %add3A_511 = arith.constant 1 : i32
      %add3A_512 = arith.addi %mul3A_510, %add3A_511 : i32
      %dma_wait3A_513 = arith.constant 0 : i32
      %dma_wait3A_514 = tpu.memref_slice %arg2[%dma_wait3A_513] : memref<4194304xf32, #tpu.memory_space<hbm>> -> memref<32768xf32, #tpu.memory_space<hbm>>
      %dma_wait3A_515 = arith.constant 0 : i32
      %dma_wait3A_516 = tpu.memref_slice %arg2[%dma_wait3A_515] : memref<4194304xf32, #tpu.memory_space<hbm>> -> memref<32768xf32, #tpu.memory_space<hbm>>
      tpu.wait_dma2 semaphore(%arg17 : memref<!tpu.dma_semaphore, #tpu.memory_space<semaphore_mem>>) src(%dma_wait3A_516 : memref<32768xf32, #tpu.memory_space<hbm>>) dst(%arg8 : memref<32768xf32, #tpu.memory_space<vmem>>)
      %dma_wait3A_517 = arith.constant 0 : i32
      %dma_wait3A_518 = tpu.memref_slice %arg3[%dma_wait3A_517] : memref<65536xf32, #tpu.memory_space<hbm>> -> memref<512xf32, #tpu.memory_space<hbm>>
      %dma_wait3A_519 = arith.constant 0 : i32
      %dma_wait3A_520 = tpu.memref_slice %arg3[%dma_wait3A_519] : memref<65536xf32, #tpu.memory_space<hbm>> -> memref<512xf32, #tpu.memory_space<hbm>>
      tpu.wait_dma2 semaphore(%arg17 : memref<!tpu.dma_semaphore, #tpu.memory_space<semaphore_mem>>) src(%dma_wait3A_520 : memref<512xf32, #tpu.memory_space<hbm>>) dst(%arg10 : memref<512xf32, #tpu.memory_space<vmem>>)
      %gt3A_521 = arith.constant 0 : i32
      %gt3A_522 = arith.cmpi sgt, %scan3A_54, %gt3A_521 : i32
      %convert_element_type3A_523 = arith.extui %gt3A_522 : i1 to i32
      %cond3A_524 = arith.constant 0 : i32
      %cond3A_525 = arith.cmpi ne, %convert_element_type3A_523, %cond3A_524 : i32
      scf.if %cond3A_525 {
        %dma_wait3A_972 = arith.constant 0 : i32
        %dma_wait3A_973 = tpu.memref_slice %arg4[%dma_wait3A_972] : memref<16384xi32, #tpu.memory_space<hbm>> -> memref<128xi32, #tpu.memory_space<hbm>>
        %dma_wait3A_974 = arith.constant 0 : i32
        %dma_wait3A_975 = tpu.memref_slice %arg4[%dma_wait3A_974] : memref<16384xi32, #tpu.memory_space<hbm>> -> memref<128xi32, #tpu.memory_space<hbm>>
        tpu.wait_dma2 semaphore(%arg19 : memref<!tpu.dma_semaphore, #tpu.memory_space<semaphore_mem>>) src(%arg12 : memref<128xi32, #tpu.memory_space<vmem>>) dst(%dma_wait3A_975 : memref<128xi32, #tpu.memory_space<hbm>>)
        %dma_wait3A_976 = arith.constant 0 : i32
        %dma_wait3A_977 = tpu.memref_slice %arg5[%dma_wait3A_976] : memref<65536xf32, #tpu.memory_space<hbm>> -> memref<512xf32, #tpu.memory_space<hbm>>
        %dma_wait3A_978 = arith.constant 0 : i32
        %dma_wait3A_979 = tpu.memref_slice %arg5[%dma_wait3A_978] : memref<65536xf32, #tpu.memory_space<hbm>> -> memref<512xf32, #tpu.memory_space<hbm>>
        tpu.wait_dma2 semaphore(%arg19 : memref<!tpu.dma_semaphore, #tpu.memory_space<semaphore_mem>>) src(%arg14 : memref<512xf32, #tpu.memory_space<vmem>>) dst(%dma_wait3A_979 : memref<512xf32, #tpu.memory_space<hbm>>)
      } else {
      }
      %add3A_526 = arith.constant 0 : i32
      %add3A_527 = vector.broadcast %add3A_526 : i32 to vector<16xi32>
      %add3A_528 = arith.addi %add3A_527, %iota3A : vector<16xi32>
      %mul3A_529 = arith.constant 256 : i32
      %mul3A_530 = vector.broadcast %mul3A_529 : i32 to vector<16xi32>
      %mul3A_531 = arith.muli %add3A_528, %mul3A_530 : vector<16xi32>
      %add3A_532 = arith.constant 16 : i32
      %add3A_533 = vector.broadcast %add3A_532 : i32 to vector<16xi32>
      %add3A_534 = arith.addi %add3A_533, %iota3A : vector<16xi32>
      %mul3A_535 = arith.constant 256 : i32
      %mul3A_536 = vector.broadcast %mul3A_535 : i32 to vector<16xi32>
      %mul3A_537 = arith.muli %add3A_534, %mul3A_536 : vector<16xi32>
      %add3A_538 = arith.constant 32 : i32
      %add3A_539 = vector.broadcast %add3A_538 : i32 to vector<16xi32>
      %add3A_540 = arith.addi %add3A_539, %iota3A : vector<16xi32>
      %mul3A_541 = arith.constant 256 : i32
      %mul3A_542 = vector.broadcast %mul3A_541 : i32 to vector<16xi32>
      %mul3A_543 = arith.muli %add3A_540, %mul3A_542 : vector<16xi32>
      %add3A_544 = arith.constant 48 : i32
      %add3A_545 = vector.broadcast %add3A_544 : i32 to vector<16xi32>
      %add3A_546 = arith.addi %add3A_545, %iota3A : vector<16xi32>
      %mul3A_547 = arith.constant 256 : i32
      %mul3A_548 = vector.broadcast %mul3A_547 : i32 to vector<16xi32>
      %mul3A_549 = arith.muli %add3A_546, %mul3A_548 : vector<16xi32>
      %add3A_550 = arith.constant 64 : i32
      %add3A_551 = vector.broadcast %add3A_550 : i32 to vector<16xi32>
      %add3A_552 = arith.addi %add3A_551, %iota3A : vector<16xi32>
      %mul3A_553 = arith.constant 256 : i32
      %mul3A_554 = vector.broadcast %mul3A_553 : i32 to vector<16xi32>
      %mul3A_555 = arith.muli %add3A_552, %mul3A_554 : vector<16xi32>
      %add3A_556 = arith.constant 80 : i32
      %add3A_557 = vector.broadcast %add3A_556 : i32 to vector<16xi32>
      %add3A_558 = arith.addi %add3A_557, %iota3A : vector<16xi32>
      %mul3A_559 = arith.constant 256 : i32
      %mul3A_560 = vector.broadcast %mul3A_559 : i32 to vector<16xi32>
      %mul3A_561 = arith.muli %add3A_558, %mul3A_560 : vector<16xi32>
      %add3A_562 = arith.constant 96 : i32
      %add3A_563 = vector.broadcast %add3A_562 : i32 to vector<16xi32>
      %add3A_564 = arith.addi %add3A_563, %iota3A : vector<16xi32>
      %mul3A_565 = arith.constant 256 : i32
      %mul3A_566 = vector.broadcast %mul3A_565 : i32 to vector<16xi32>
      %mul3A_567 = arith.muli %add3A_564, %mul3A_566 : vector<16xi32>
      %add3A_568 = arith.constant 112 : i32
      %add3A_569 = vector.broadcast %add3A_568 : i32 to vector<16xi32>
      %add3A_570 = arith.addi %add3A_569, %iota3A : vector<16xi32>
      %mul3A_571 = arith.constant 256 : i32
      %mul3A_572 = vector.broadcast %mul3A_571 : i32 to vector<16xi32>
      %mul3A_573 = arith.muli %add3A_570, %mul3A_572 : vector<16xi32>
      %scan3A_574 = arith.constant 0 : i32
      %scan3A_575 = arith.constant 64 : i32
      %scan3A_576 = arith.addi %scan3A_574, %scan3A_575 : i32
      %scan3A_577 = arith.constant 1 : i32
      %scan3A_578:24 = scf.for %scan3A_972 = %scan3A_574 to %scan3A_576 step %scan3A_577 iter_args(%scan3A_973 = %broadcast_in_dim3A_5, %scan3A_974 = %mul3A_531, %scan3A_975 = %mul3A_531, %scan3A_976 = %broadcast_in_dim3A_5, %scan3A_977 = %mul3A_537, %scan3A_978 = %mul3A_537, %scan3A_979 = %broadcast_in_dim3A_5, %scan3A_980 = %mul3A_543, %scan3A_981 = %mul3A_543, %scan3A_982 = %broadcast_in_dim3A_5, %scan3A_983 = %mul3A_549, %scan3A_984 = %mul3A_549, %scan3A_985 = %broadcast_in_dim3A_5, %scan3A_986 = %mul3A_555, %scan3A_987 = %mul3A_555, %scan3A_988 = %broadcast_in_dim3A_5, %scan3A_989 = %mul3A_561, %scan3A_990 = %mul3A_561, %scan3A_991 = %broadcast_in_dim3A_5, %scan3A_992 = %mul3A_567, %scan3A_993 = %mul3A_567, %scan3A_994 = %broadcast_in_dim3A_5, %scan3A_995 = %mul3A_573, %scan3A_996 = %mul3A_573) -> (vector<16xf32>, vector<16xi32>, vector<16xi32>, vector<16xf32>, vector<16xi32>, vector<16xi32>, vector<16xf32>, vector<16xi32>, vector<16xi32>, vector<16xf32>, vector<16xi32>, vector<16xi32>, vector<16xf32>, vector<16xi32>, vector<16xi32>, vector<16xf32>, vector<16xi32>, vector<16xi32>, vector<16xf32>, vector<16xi32>, vector<16xi32>, vector<16xf32>, vector<16xi32>, vector<16xi32>)  : i32 {
        %gather3A_997 = tpu.vector_load_idx %arg8[%scan3A_975] : memref<32768xf32, #tpu.memory_space<vmem>>[vector<16xi32>], vector<16xf32>,
        %gt3A_998 = arith.cmpf ogt, %gather3A_997, %scan3A_973 : vector<16xf32>
        %select_n3A_999 = arith.select %gt3A_998, %gather3A_997, %scan3A_973 : vector<16xi1>, vector<16xf32>
        %select_n3A_1000 = arith.select %gt3A_998, %scan3A_975, %scan3A_974 : vector<16xi1>, vector<16xi32>
        %add3A_1001 = arith.constant 1 : i32
        %add3A_1002 = vector.broadcast %add3A_1001 : i32 to vector<16xi32>
        %add3A_1003 = arith.addi %scan3A_975, %add3A_1002 : vector<16xi32>
        %gather3A_1004 = tpu.vector_load_idx %arg8[%add3A_1003] : memref<32768xf32, #tpu.memory_space<vmem>>[vector<16xi32>], vector<16xf32>,
        %gt3A_1005 = arith.cmpf ogt, %gather3A_1004, %select_n3A_999 : vector<16xf32>
        %select_n3A_1006 = arith.select %gt3A_1005, %gather3A_1004, %select_n3A_999 : vector<16xi1>, vector<16xf32>
        %select_n3A_1007 = arith.select %gt3A_1005, %add3A_1003, %select_n3A_1000 : vector<16xi1>, vector<16xi32>
        %add3A_1008 = arith.constant 1 : i32
        %add3A_1009 = vector.broadcast %add3A_1008 : i32 to vector<16xi32>
        %add3A_1010 = arith.addi %add3A_1003, %add3A_1009 : vector<16xi32>
        %gather3A_1011 = tpu.vector_load_idx %arg8[%add3A_1010] : memref<32768xf32, #tpu.memory_space<vmem>>[vector<16xi32>], vector<16xf32>,
        %gt3A_1012 = arith.cmpf ogt, %gather3A_1011, %select_n3A_1006 : vector<16xf32>
        %select_n3A_1013 = arith.select %gt3A_1012, %gather3A_1011, %select_n3A_1006 : vector<16xi1>, vector<16xf32>
        %select_n3A_1014 = arith.select %gt3A_1012, %add3A_1010, %select_n3A_1007 : vector<16xi1>, vector<16xi32>
        %add3A_1015 = arith.constant 1 : i32
        %add3A_1016 = vector.broadcast %add3A_1015 : i32 to vector<16xi32>
        %add3A_1017 = arith.addi %add3A_1010, %add3A_1016 : vector<16xi32>
        %gather3A_1018 = tpu.vector_load_idx %arg8[%add3A_1017] : memref<32768xf32, #tpu.memory_space<vmem>>[vector<16xi32>], vector<16xf32>,
        %gt3A_1019 = arith.cmpf ogt, %gather3A_1018, %select_n3A_1013 : vector<16xf32>
        %select_n3A_1020 = arith.select %gt3A_1019, %gather3A_1018, %select_n3A_1013 : vector<16xi1>, vector<16xf32>
        %select_n3A_1021 = arith.select %gt3A_1019, %add3A_1017, %select_n3A_1014 : vector<16xi1>, vector<16xi32>
        %add3A_1022 = arith.constant 1 : i32
        %add3A_1023 = vector.broadcast %add3A_1022 : i32 to vector<16xi32>
        %add3A_1024 = arith.addi %add3A_1017, %add3A_1023 : vector<16xi32>
        %gather3A_1025 = tpu.vector_load_idx %arg8[%scan3A_978] : memref<32768xf32, #tpu.memory_space<vmem>>[vector<16xi32>], vector<16xf32>,
        %gt3A_1026 = arith.cmpf ogt, %gather3A_1025, %scan3A_976 : vector<16xf32>
        %select_n3A_1027 = arith.select %gt3A_1026, %gather3A_1025, %scan3A_976 : vector<16xi1>, vector<16xf32>
        %select_n3A_1028 = arith.select %gt3A_1026, %scan3A_978, %scan3A_977 : vector<16xi1>, vector<16xi32>
        %add3A_1029 = arith.constant 1 : i32
        %add3A_1030 = vector.broadcast %add3A_1029 : i32 to vector<16xi32>
        %add3A_1031 = arith.addi %scan3A_978, %add3A_1030 : vector<16xi32>
        %gather3A_1032 = tpu.vector_load_idx %arg8[%add3A_1031] : memref<32768xf32, #tpu.memory_space<vmem>>[vector<16xi32>], vector<16xf32>,
        %gt3A_1033 = arith.cmpf ogt, %gather3A_1032, %select_n3A_1027 : vector<16xf32>
        %select_n3A_1034 = arith.select %gt3A_1033, %gather3A_1032, %select_n3A_1027 : vector<16xi1>, vector<16xf32>
        %select_n3A_1035 = arith.select %gt3A_1033, %add3A_1031, %select_n3A_1028 : vector<16xi1>, vector<16xi32>
        %add3A_1036 = arith.constant 1 : i32
        %add3A_1037 = vector.broadcast %add3A_1036 : i32 to vector<16xi32>
        %add3A_1038 = arith.addi %add3A_1031, %add3A_1037 : vector<16xi32>
        %gather3A_1039 = tpu.vector_load_idx %arg8[%add3A_1038] : memref<32768xf32, #tpu.memory_space<vmem>>[vector<16xi32>], vector<16xf32>,
        %gt3A_1040 = arith.cmpf ogt, %gather3A_1039, %select_n3A_1034 : vector<16xf32>
        %select_n3A_1041 = arith.select %gt3A_1040, %gather3A_1039, %select_n3A_1034 : vector<16xi1>, vector<16xf32>
        %select_n3A_1042 = arith.select %gt3A_1040, %add3A_1038, %select_n3A_1035 : vector<16xi1>, vector<16xi32>
        %add3A_1043 = arith.constant 1 : i32
        %add3A_1044 = vector.broadcast %add3A_1043 : i32 to vector<16xi32>
        %add3A_1045 = arith.addi %add3A_1038, %add3A_1044 : vector<16xi32>
        %gather3A_1046 = tpu.vector_load_idx %arg8[%add3A_1045] : memref<32768xf32, #tpu.memory_space<vmem>>[vector<16xi32>], vector<16xf32>,
        %gt3A_1047 = arith.cmpf ogt, %gather3A_1046, %select_n3A_1041 : vector<16xf32>
        %select_n3A_1048 = arith.select %gt3A_1047, %gather3A_1046, %select_n3A_1041 : vector<16xi1>, vector<16xf32>
        %select_n3A_1049 = arith.select %gt3A_1047, %add3A_1045, %select_n3A_1042 : vector<16xi1>, vector<16xi32>
        %add3A_1050 = arith.constant 1 : i32
        %add3A_1051 = vector.broadcast %add3A_1050 : i32 to vector<16xi32>
        %add3A_1052 = arith.addi %add3A_1045, %add3A_1051 : vector<16xi32>
        %gather3A_1053 = tpu.vector_load_idx %arg8[%scan3A_981] : memref<32768xf32, #tpu.memory_space<vmem>>[vector<16xi32>], vector<16xf32>,
        %gt3A_1054 = arith.cmpf ogt, %gather3A_1053, %scan3A_979 : vector<16xf32>
        %select_n3A_1055 = arith.select %gt3A_1054, %gather3A_1053, %scan3A_979 : vector<16xi1>, vector<16xf32>
        %select_n3A_1056 = arith.select %gt3A_1054, %scan3A_981, %scan3A_980 : vector<16xi1>, vector<16xi32>
        %add3A_1057 = arith.constant 1 : i32
        %add3A_1058 = vector.broadcast %add3A_1057 : i32 to vector<16xi32>
        %add3A_1059 = arith.addi %scan3A_981, %add3A_1058 : vector<16xi32>
        %gather3A_1060 = tpu.vector_load_idx %arg8[%add3A_1059] : memref<32768xf32, #tpu.memory_space<vmem>>[vector<16xi32>], vector<16xf32>,
        %gt3A_1061 = arith.cmpf ogt, %gather3A_1060, %select_n3A_1055 : vector<16xf32>
        %select_n3A_1062 = arith.select %gt3A_1061, %gather3A_1060, %select_n3A_1055 : vector<16xi1>, vector<16xf32>
        %select_n3A_1063 = arith.select %gt3A_1061, %add3A_1059, %select_n3A_1056 : vector<16xi1>, vector<16xi32>
        %add3A_1064 = arith.constant 1 : i32
        %add3A_1065 = vector.broadcast %add3A_1064 : i32 to vector<16xi32>
        %add3A_1066 = arith.addi %add3A_1059, %add3A_1065 : vector<16xi32>
        %gather3A_1067 = tpu.vector_load_idx %arg8[%add3A_1066] : memref<32768xf32, #tpu.memory_space<vmem>>[vector<16xi32>], vector<16xf32>,
        %gt3A_1068 = arith.cmpf ogt, %gather3A_1067, %select_n3A_1062 : vector<16xf32>
        %select_n3A_1069 = arith.select %gt3A_1068, %gather3A_1067, %select_n3A_1062 : vector<16xi1>, vector<16xf32>
        %select_n3A_1070 = arith.select %gt3A_1068, %add3A_1066, %select_n3A_1063 : vector<16xi1>, vector<16xi32>
        %add3A_1071 = arith.constant 1 : i32
        %add3A_1072 = vector.broadcast %add3A_1071 : i32 to vector<16xi32>
        %add3A_1073 = arith.addi %add3A_1066, %add3A_1072 : vector<16xi32>
        %gather3A_1074 = tpu.vector_load_idx %arg8[%add3A_1073] : memref<32768xf32, #tpu.memory_space<vmem>>[vector<16xi32>], vector<16xf32>,
        %gt3A_1075 = arith.cmpf ogt, %gather3A_1074, %select_n3A_1069 : vector<16xf32>
        %select_n3A_1076 = arith.select %gt3A_1075, %gather3A_1074, %select_n3A_1069 : vector<16xi1>, vector<16xf32>
        %select_n3A_1077 = arith.select %gt3A_1075, %add3A_1073, %select_n3A_1070 : vector<16xi1>, vector<16xi32>
        %add3A_1078 = arith.constant 1 : i32
        %add3A_1079 = vector.broadcast %add3A_1078 : i32 to vector<16xi32>
        %add3A_1080 = arith.addi %add3A_1073, %add3A_1079 : vector<16xi32>
        %gather3A_1081 = tpu.vector_load_idx %arg8[%scan3A_984] : memref<32768xf32, #tpu.memory_space<vmem>>[vector<16xi32>], vector<16xf32>,
        %gt3A_1082 = arith.cmpf ogt, %gather3A_1081, %scan3A_982 : vector<16xf32>
        %select_n3A_1083 = arith.select %gt3A_1082, %gather3A_1081, %scan3A_982 : vector<16xi1>, vector<16xf32>
        %select_n3A_1084 = arith.select %gt3A_1082, %scan3A_984, %scan3A_983 : vector<16xi1>, vector<16xi32>
        %add3A_1085 = arith.constant 1 : i32
        %add3A_1086 = vector.broadcast %add3A_1085 : i32 to vector<16xi32>
        %add3A_1087 = arith.addi %scan3A_984, %add3A_1086 : vector<16xi32>
        %gather3A_1088 = tpu.vector_load_idx %arg8[%add3A_1087] : memref<32768xf32, #tpu.memory_space<vmem>>[vector<16xi32>], vector<16xf32>,
        %gt3A_1089 = arith.cmpf ogt, %gather3A_1088, %select_n3A_1083 : vector<16xf32>
        %select_n3A_1090 = arith.select %gt3A_1089, %gather3A_1088, %select_n3A_1083 : vector<16xi1>, vector<16xf32>
        %select_n3A_1091 = arith.select %gt3A_1089, %add3A_1087, %select_n3A_1084 : vector<16xi1>, vector<16xi32>
        %add3A_1092 = arith.constant 1 : i32
        %add3A_1093 = vector.broadcast %add3A_1092 : i32 to vector<16xi32>
        %add3A_1094 = arith.addi %add3A_1087, %add3A_1093 : vector<16xi32>
        %gather3A_1095 = tpu.vector_load_idx %arg8[%add3A_1094] : memref<32768xf32, #tpu.memory_space<vmem>>[vector<16xi32>], vector<16xf32>,
        %gt3A_1096 = arith.cmpf ogt, %gather3A_1095, %select_n3A_1090 : vector<16xf32>
        %select_n3A_1097 = arith.select %gt3A_1096, %gather3A_1095, %select_n3A_1090 : vector<16xi1>, vector<16xf32>
        %select_n3A_1098 = arith.select %gt3A_1096, %add3A_1094, %select_n3A_1091 : vector<16xi1>, vector<16xi32>
        %add3A_1099 = arith.constant 1 : i32
        %add3A_1100 = vector.broadcast %add3A_1099 : i32 to vector<16xi32>
        %add3A_1101 = arith.addi %add3A_1094, %add3A_1100 : vector<16xi32>
        %gather3A_1102 = tpu.vector_load_idx %arg8[%add3A_1101] : memref<32768xf32, #tpu.memory_space<vmem>>[vector<16xi32>], vector<16xf32>,
        %gt3A_1103 = arith.cmpf ogt, %gather3A_1102, %select_n3A_1097 : vector<16xf32>
        %select_n3A_1104 = arith.select %gt3A_1103, %gather3A_1102, %select_n3A_1097 : vector<16xi1>, vector<16xf32>
        %select_n3A_1105 = arith.select %gt3A_1103, %add3A_1101, %select_n3A_1098 : vector<16xi1>, vector<16xi32>
        %add3A_1106 = arith.constant 1 : i32
        %add3A_1107 = vector.broadcast %add3A_1106 : i32 to vector<16xi32>
        %add3A_1108 = arith.addi %add3A_1101, %add3A_1107 : vector<16xi32>
        %gather3A_1109 = tpu.vector_load_idx %arg8[%scan3A_987] : memref<32768xf32, #tpu.memory_space<vmem>>[vector<16xi32>], vector<16xf32>,
        %gt3A_1110 = arith.cmpf ogt, %gather3A_1109, %scan3A_985 : vector<16xf32>
        %select_n3A_1111 = arith.select %gt3A_1110, %gather3A_1109, %scan3A_985 : vector<16xi1>, vector<16xf32>
        %select_n3A_1112 = arith.select %gt3A_1110, %scan3A_987, %scan3A_986 : vector<16xi1>, vector<16xi32>
        %add3A_1113 = arith.constant 1 : i32
        %add3A_1114 = vector.broadcast %add3A_1113 : i32 to vector<16xi32>
        %add3A_1115 = arith.addi %scan3A_987, %add3A_1114 : vector<16xi32>
        %gather3A_1116 = tpu.vector_load_idx %arg8[%add3A_1115] : memref<32768xf32, #tpu.memory_space<vmem>>[vector<16xi32>], vector<16xf32>,
        %gt3A_1117 = arith.cmpf ogt, %gather3A_1116, %select_n3A_1111 : vector<16xf32>
        %select_n3A_1118 = arith.select %gt3A_1117, %gather3A_1116, %select_n3A_1111 : vector<16xi1>, vector<16xf32>
        %select_n3A_1119 = arith.select %gt3A_1117, %add3A_1115, %select_n3A_1112 : vector<16xi1>, vector<16xi32>
        %add3A_1120 = arith.constant 1 : i32
        %add3A_1121 = vector.broadcast %add3A_1120 : i32 to vector<16xi32>
        %add3A_1122 = arith.addi %add3A_1115, %add3A_1121 : vector<16xi32>
        %gather3A_1123 = tpu.vector_load_idx %arg8[%add3A_1122] : memref<32768xf32, #tpu.memory_space<vmem>>[vector<16xi32>], vector<16xf32>,
        %gt3A_1124 = arith.cmpf ogt, %gather3A_1123, %select_n3A_1118 : vector<16xf32>
        %select_n3A_1125 = arith.select %gt3A_1124, %gather3A_1123, %select_n3A_1118 : vector<16xi1>, vector<16xf32>
        %select_n3A_1126 = arith.select %gt3A_1124, %add3A_1122, %select_n3A_1119 : vector<16xi1>, vector<16xi32>
        %add3A_1127 = arith.constant 1 : i32
        %add3A_1128 = vector.broadcast %add3A_1127 : i32 to vector<16xi32>
        %add3A_1129 = arith.addi %add3A_1122, %add3A_1128 : vector<16xi32>
        %gather3A_1130 = tpu.vector_load_idx %arg8[%add3A_1129] : memref<32768xf32, #tpu.memory_space<vmem>>[vector<16xi32>], vector<16xf32>,
        %gt3A_1131 = arith.cmpf ogt, %gather3A_1130, %select_n3A_1125 : vector<16xf32>
        %select_n3A_1132 = arith.select %gt3A_1131, %gather3A_1130, %select_n3A_1125 : vector<16xi1>, vector<16xf32>
        %select_n3A_1133 = arith.select %gt3A_1131, %add3A_1129, %select_n3A_1126 : vector<16xi1>, vector<16xi32>
        %add3A_1134 = arith.constant 1 : i32
        %add3A_1135 = vector.broadcast %add3A_1134 : i32 to vector<16xi32>
        %add3A_1136 = arith.addi %add3A_1129, %add3A_1135 : vector<16xi32>
        %gather3A_1137 = tpu.vector_load_idx %arg8[%scan3A_990] : memref<32768xf32, #tpu.memory_space<vmem>>[vector<16xi32>], vector<16xf32>,
        %gt3A_1138 = arith.cmpf ogt, %gather3A_1137, %scan3A_988 : vector<16xf32>
        %select_n3A_1139 = arith.select %gt3A_1138, %gather3A_1137, %scan3A_988 : vector<16xi1>, vector<16xf32>
        %select_n3A_1140 = arith.select %gt3A_1138, %scan3A_990, %scan3A_989 : vector<16xi1>, vector<16xi32>
        %add3A_1141 = arith.constant 1 : i32
        %add3A_1142 = vector.broadcast %add3A_1141 : i32 to vector<16xi32>
        %add3A_1143 = arith.addi %scan3A_990, %add3A_1142 : vector<16xi32>
        %gather3A_1144 = tpu.vector_load_idx %arg8[%add3A_1143] : memref<32768xf32, #tpu.memory_space<vmem>>[vector<16xi32>], vector<16xf32>,
        %gt3A_1145 = arith.cmpf ogt, %gather3A_1144, %select_n3A_1139 : vector<16xf32>
        %select_n3A_1146 = arith.select %gt3A_1145, %gather3A_1144, %select_n3A_1139 : vector<16xi1>, vector<16xf32>
        %select_n3A_1147 = arith.select %gt3A_1145, %add3A_1143, %select_n3A_1140 : vector<16xi1>, vector<16xi32>
        %add3A_1148 = arith.constant 1 : i32
        %add3A_1149 = vector.broadcast %add3A_1148 : i32 to vector<16xi32>
        %add3A_1150 = arith.addi %add3A_1143, %add3A_1149 : vector<16xi32>
        %gather3A_1151 = tpu.vector_load_idx %arg8[%add3A_1150] : memref<32768xf32, #tpu.memory_space<vmem>>[vector<16xi32>], vector<16xf32>,
        %gt3A_1152 = arith.cmpf ogt, %gather3A_1151, %select_n3A_1146 : vector<16xf32>
        %select_n3A_1153 = arith.select %gt3A_1152, %gather3A_1151, %select_n3A_1146 : vector<16xi1>, vector<16xf32>
        %select_n3A_1154 = arith.select %gt3A_1152, %add3A_1150, %select_n3A_1147 : vector<16xi1>, vector<16xi32>
        %add3A_1155 = arith.constant 1 : i32
        %add3A_1156 = vector.broadcast %add3A_1155 : i32 to vector<16xi32>
        %add3A_1157 = arith.addi %add3A_1150, %add3A_1156 : vector<16xi32>
        %gather3A_1158 = tpu.vector_load_idx %arg8[%add3A_1157] : memref<32768xf32, #tpu.memory_space<vmem>>[vector<16xi32>], vector<16xf32>,
        %gt3A_1159 = arith.cmpf ogt, %gather3A_1158, %select_n3A_1153 : vector<16xf32>
        %select_n3A_1160 = arith.select %gt3A_1159, %gather3A_1158, %select_n3A_1153 : vector<16xi1>, vector<16xf32>
        %select_n3A_1161 = arith.select %gt3A_1159, %add3A_1157, %select_n3A_1154 : vector<16xi1>, vector<16xi32>
        %add3A_1162 = arith.constant 1 : i32
        %add3A_1163 = vector.broadcast %add3A_1162 : i32 to vector<16xi32>
        %add3A_1164 = arith.addi %add3A_1157, %add3A_1163 : vector<16xi32>
        %gather3A_1165 = tpu.vector_load_idx %arg8[%scan3A_993] : memref<32768xf32, #tpu.memory_space<vmem>>[vector<16xi32>], vector<16xf32>,
        %gt3A_1166 = arith.cmpf ogt, %gather3A_1165, %scan3A_991 : vector<16xf32>
        %select_n3A_1167 = arith.select %gt3A_1166, %gather3A_1165, %scan3A_991 : vector<16xi1>, vector<16xf32>
        %select_n3A_1168 = arith.select %gt3A_1166, %scan3A_993, %scan3A_992 : vector<16xi1>, vector<16xi32>
        %add3A_1169 = arith.constant 1 : i32
        %add3A_1170 = vector.broadcast %add3A_1169 : i32 to vector<16xi32>
        %add3A_1171 = arith.addi %scan3A_993, %add3A_1170 : vector<16xi32>
        %gather3A_1172 = tpu.vector_load_idx %arg8[%add3A_1171] : memref<32768xf32, #tpu.memory_space<vmem>>[vector<16xi32>], vector<16xf32>,
        %gt3A_1173 = arith.cmpf ogt, %gather3A_1172, %select_n3A_1167 : vector<16xf32>
        %select_n3A_1174 = arith.select %gt3A_1173, %gather3A_1172, %select_n3A_1167 : vector<16xi1>, vector<16xf32>
        %select_n3A_1175 = arith.select %gt3A_1173, %add3A_1171, %select_n3A_1168 : vector<16xi1>, vector<16xi32>
        %add3A_1176 = arith.constant 1 : i32
        %add3A_1177 = vector.broadcast %add3A_1176 : i32 to vector<16xi32>
        %add3A_1178 = arith.addi %add3A_1171, %add3A_1177 : vector<16xi32>
        %gather3A_1179 = tpu.vector_load_idx %arg8[%add3A_1178] : memref<32768xf32, #tpu.memory_space<vmem>>[vector<16xi32>], vector<16xf32>,
        %gt3A_1180 = arith.cmpf ogt, %gather3A_1179, %select_n3A_1174 : vector<16xf32>
        %select_n3A_1181 = arith.select %gt3A_1180, %gather3A_1179, %select_n3A_1174 : vector<16xi1>, vector<16xf32>
        %select_n3A_1182 = arith.select %gt3A_1180, %add3A_1178, %select_n3A_1175 : vector<16xi1>, vector<16xi32>
        %add3A_1183 = arith.constant 1 : i32
        %add3A_1184 = vector.broadcast %add3A_1183 : i32 to vector<16xi32>
        %add3A_1185 = arith.addi %add3A_1178, %add3A_1184 : vector<16xi32>
        %gather3A_1186 = tpu.vector_load_idx %arg8[%add3A_1185] : memref<32768xf32, #tpu.memory_space<vmem>>[vector<16xi32>], vector<16xf32>,
        %gt3A_1187 = arith.cmpf ogt, %gather3A_1186, %select_n3A_1181 : vector<16xf32>
        %select_n3A_1188 = arith.select %gt3A_1187, %gather3A_1186, %select_n3A_1181 : vector<16xi1>, vector<16xf32>
        %select_n3A_1189 = arith.select %gt3A_1187, %add3A_1185, %select_n3A_1182 : vector<16xi1>, vector<16xi32>
        %add3A_1190 = arith.constant 1 : i32
        %add3A_1191 = vector.broadcast %add3A_1190 : i32 to vector<16xi32>
        %add3A_1192 = arith.addi %add3A_1185, %add3A_1191 : vector<16xi32>
        %gather3A_1193 = tpu.vector_load_idx %arg8[%scan3A_996] : memref<32768xf32, #tpu.memory_space<vmem>>[vector<16xi32>], vector<16xf32>,
        %gt3A_1194 = arith.cmpf ogt, %gather3A_1193, %scan3A_994 : vector<16xf32>
        %select_n3A_1195 = arith.select %gt3A_1194, %gather3A_1193, %scan3A_994 : vector<16xi1>, vector<16xf32>
        %select_n3A_1196 = arith.select %gt3A_1194, %scan3A_996, %scan3A_995 : vector<16xi1>, vector<16xi32>
        %add3A_1197 = arith.constant 1 : i32
        %add3A_1198 = vector.broadcast %add3A_1197 : i32 to vector<16xi32>
        %add3A_1199 = arith.addi %scan3A_996, %add3A_1198 : vector<16xi32>
        %gather3A_1200 = tpu.vector_load_idx %arg8[%add3A_1199] : memref<32768xf32, #tpu.memory_space<vmem>>[vector<16xi32>], vector<16xf32>,
        %gt3A_1201 = arith.cmpf ogt, %gather3A_1200, %select_n3A_1195 : vector<16xf32>
        %select_n3A_1202 = arith.select %gt3A_1201, %gather3A_1200, %select_n3A_1195 : vector<16xi1>, vector<16xf32>
        %select_n3A_1203 = arith.select %gt3A_1201, %add3A_1199, %select_n3A_1196 : vector<16xi1>, vector<16xi32>
        %add3A_1204 = arith.constant 1 : i32
        %add3A_1205 = vector.broadcast %add3A_1204 : i32 to vector<16xi32>
        %add3A_1206 = arith.addi %add3A_1199, %add3A_1205 : vector<16xi32>
        %gather3A_1207 = tpu.vector_load_idx %arg8[%add3A_1206] : memref<32768xf32, #tpu.memory_space<vmem>>[vector<16xi32>], vector<16xf32>,
        %gt3A_1208 = arith.cmpf ogt, %gather3A_1207, %select_n3A_1202 : vector<16xf32>
        %select_n3A_1209 = arith.select %gt3A_1208, %gather3A_1207, %select_n3A_1202 : vector<16xi1>, vector<16xf32>
        %select_n3A_1210 = arith.select %gt3A_1208, %add3A_1206, %select_n3A_1203 : vector<16xi1>, vector<16xi32>
        %add3A_1211 = arith.constant 1 : i32
        %add3A_1212 = vector.broadcast %add3A_1211 : i32 to vector<16xi32>
        %add3A_1213 = arith.addi %add3A_1206, %add3A_1212 : vector<16xi32>
        %gather3A_1214 = tpu.vector_load_idx %arg8[%add3A_1213] : memref<32768xf32, #tpu.memory_space<vmem>>[vector<16xi32>], vector<16xf32>,
        %gt3A_1215 = arith.cmpf ogt, %gather3A_1214, %select_n3A_1209 : vector<16xf32>
        %select_n3A_1216 = arith.select %gt3A_1215, %gather3A_1214, %select_n3A_1209 : vector<16xi1>, vector<16xf32>
        %select_n3A_1217 = arith.select %gt3A_1215, %add3A_1213, %select_n3A_1210 : vector<16xi1>, vector<16xi32>
        %add3A_1218 = arith.constant 1 : i32
        %add3A_1219 = vector.broadcast %add3A_1218 : i32 to vector<16xi32>
        %add3A_1220 = arith.addi %add3A_1213, %add3A_1219 : vector<16xi32>
        scf.yield %select_n3A_1020, %select_n3A_1021, %add3A_1024, %select_n3A_1048, %select_n3A_1049, %add3A_1052, %select_n3A_1076, %select_n3A_1077, %add3A_1080, %select_n3A_1104, %select_n3A_1105, %add3A_1108, %select_n3A_1132, %select_n3A_1133, %add3A_1136, %select_n3A_1160, %select_n3A_1161, %add3A_1164, %select_n3A_1188, %select_n3A_1189, %add3A_1192, %select_n3A_1216, %select_n3A_1217, %add3A_1220 : vector<16xf32>, vector<16xi32>, vector<16xi32>, vector<16xf32>, vector<16xi32>, vector<16xi32>, vector<16xf32>, vector<16xi32>, vector<16xi32>, vector<16xf32>, vector<16xi32>, vector<16xi32>, vector<16xf32>, vector<16xi32>, vector<16xi32>, vector<16xf32>, vector<16xi32>, vector<16xi32>, vector<16xf32>, vector<16xi32>, vector<16xi32>, vector<16xf32>, vector<16xi32>, vector<16xi32>
      }
      %scan3A_579 = arith.constant 64 : i32
      %sub3A_580 = arith.subi %scan3A_578#1, %mul3A_531 : vector<16xi32>
      %gt3A_581 = arith.cmpf ogt, %scan3A_578#0, %broadcast_in_dim3A_7 : vector<16xf32>
      %select_n3A_582 = arith.select %gt3A_581, %sub3A_580, %broadcast_in_dim3A_11 : vector<16xi1>, vector<16xi32>
      %swap3A_583 = arith.constant 0 : index
      %swap3A_584 = tpu.vector_load %arg12[%swap3A_583] {strides = array<i32>} : memref<128xi32, #tpu.memory_space<vmem>>, vector<16xi32>,
      tpu.vector_store %arg12[%swap3A_583], %select_n3A_582 {strides = array<i32>} : memref<128xi32, #tpu.memory_space<vmem>>, vector<16xi32>,
      %all_reduce_population_count3A_585 = tpu.all_reduce %gt3A_581 {dim = 0 : i64, kind = #tpu.reduction_kind<sum>} : vector<16xi1> -> vector<16xi32>
      %add3A_586 = arith.addi %add3A_453, %all_reduce_population_count3A_585 : vector<16xi32>
      %add3A_587 = arith.constant 0 : i32
      %add3A_588 = vector.broadcast %add3A_587 : i32 to vector<16xi32>
      %add3A_589 = arith.addi %add3A_588, %shift_right_logical3A_4 : vector<16xi32>
      %gather3A_590 = tpu.vector_load_idx %arg12[%add3A_589] : memref<128xi32, #tpu.memory_space<vmem>>[vector<16xi32>], vector<16xi32>,
      %get3A_591 = arith.constant 0 : index
      %get3A_592 = tpu.vector_load %arg10[%get3A_591] {strides = array<i32>} : memref<512xf32, #tpu.memory_space<vmem>>, vector<16xf32>,
      %ge3A_593 = arith.cmpi sge, %gather3A_590, %broadcast_in_dim3A_9 : vector<16xi32>
      %select_n3A_594 = arith.select %ge3A_593, %get3A_592, %broadcast_in_dim3A_7 : vector<16xi1>, vector<16xf32>
      %swap3A_595 = arith.constant 0 : index
      %swap3A_596 = tpu.vector_load %arg14[%swap3A_595] {strides = array<i32>} : memref<512xf32, #tpu.memory_space<vmem>>, vector<16xf32>,
      tpu.vector_store %arg14[%swap3A_595], %select_n3A_594 {strides = array<i32>} : memref<512xf32, #tpu.memory_space<vmem>>, vector<16xf32>,
      %add3A_597 = arith.constant 4 : i32
      %add3A_598 = vector.broadcast %add3A_597 : i32 to vector<16xi32>
      %add3A_599 = arith.addi %add3A_598, %shift_right_logical3A_4 : vector<16xi32>
      %gather3A_600 = tpu.vector_load_idx %arg12[%add3A_599] : memref<128xi32, #tpu.memory_space<vmem>>[vector<16xi32>], vector<16xi32>,
      %get3A_601 = arith.constant 16 : index
      %get3A_602 = tpu.vector_load %arg10[%get3A_601] {strides = array<i32>} : memref<512xf32, #tpu.memory_space<vmem>>, vector<16xf32>,
      %ge3A_603 = arith.cmpi sge, %gather3A_600, %broadcast_in_dim3A_9 : vector<16xi32>
      %select_n3A_604 = arith.select %ge3A_603, %get3A_602, %broadcast_in_dim3A_7 : vector<16xi1>, vector<16xf32>
      %swap3A_605 = arith.constant 16 : index
      %swap3A_606 = tpu.vector_load %arg14[%swap3A_605] {strides = array<i32>} : memref<512xf32, #tpu.memory_space<vmem>>, vector<16xf32>,
      tpu.vector_store %arg14[%swap3A_605], %select_n3A_604 {strides = array<i32>} : memref<512xf32, #tpu.memory_space<vmem>>, vector<16xf32>,
      %add3A_607 = arith.constant 8 : i32
      %add3A_608 = vector.broadcast %add3A_607 : i32 to vector<16xi32>
      %add3A_609 = arith.addi %add3A_608, %shift_right_logical3A_4 : vector<16xi32>
      %gather3A_610 = tpu.vector_load_idx %arg12[%add3A_609] : memref<128xi32, #tpu.memory_space<vmem>>[vector<16xi32>], vector<16xi32>,
      %get3A_611 = arith.constant 32 : index
      %get3A_612 = tpu.vector_load %arg10[%get3A_611] {strides = array<i32>} : memref<512xf32, #tpu.memory_space<vmem>>, vector<16xf32>,
      %ge3A_613 = arith.cmpi sge, %gather3A_610, %broadcast_in_dim3A_9 : vector<16xi32>
      %select_n3A_614 = arith.select %ge3A_613, %get3A_612, %broadcast_in_dim3A_7 : vector<16xi1>, vector<16xf32>
      %swap3A_615 = arith.constant 32 : index
      %swap3A_616 = tpu.vector_load %arg14[%swap3A_615] {strides = array<i32>} : memref<512xf32, #tpu.memory_space<vmem>>, vector<16xf32>,
      tpu.vector_store %arg14[%swap3A_615], %select_n3A_614 {strides = array<i32>} : memref<512xf32, #tpu.memory_space<vmem>>, vector<16xf32>,
      %add3A_617 = arith.constant 12 : i32
      %add3A_618 = vector.broadcast %add3A_617 : i32 to vector<16xi32>
      %add3A_619 = arith.addi %add3A_618, %shift_right_logical3A_4 : vector<16xi32>
      %gather3A_620 = tpu.vector_load_idx %arg12[%add3A_619] : memref<128xi32, #tpu.memory_space<vmem>>[vector<16xi32>], vector<16xi32>,
      %get3A_621 = arith.constant 48 : index
      %get3A_622 = tpu.vector_load %arg10[%get3A_621] {strides = array<i32>} : memref<512xf32, #tpu.memory_space<vmem>>, vector<16xf32>,
      %ge3A_623 = arith.cmpi sge, %gather3A_620, %broadcast_in_dim3A_9 : vector<16xi32>
      %select_n3A_624 = arith.select %ge3A_623, %get3A_622, %broadcast_in_dim3A_7 : vector<16xi1>, vector<16xf32>
      %swap3A_625 = arith.constant 48 : index
      %swap3A_626 = tpu.vector_load %arg14[%swap3A_625] {strides = array<i32>} : memref<512xf32, #tpu.memory_space<vmem>>, vector<16xf32>,
      tpu.vector_store %arg14[%swap3A_625], %select_n3A_624 {strides = array<i32>} : memref<512xf32, #tpu.memory_space<vmem>>, vector<16xf32>,
      %sub3A_627 = arith.subi %scan3A_578#4, %mul3A_537 : vector<16xi32>
      %gt3A_628 = arith.cmpf ogt, %scan3A_578#3, %broadcast_in_dim3A_7 : vector<16xf32>
      %select_n3A_629 = arith.select %gt3A_628, %sub3A_627, %broadcast_in_dim3A_11 : vector<16xi1>, vector<16xi32>
      %swap3A_630 = arith.constant 16 : index
      %swap3A_631 = tpu.vector_load %arg12[%swap3A_630] {strides = array<i32>} : memref<128xi32, #tpu.memory_space<vmem>>, vector<16xi32>,
      tpu.vector_store %arg12[%swap3A_630], %select_n3A_629 {strides = array<i32>} : memref<128xi32, #tpu.memory_space<vmem>>, vector<16xi32>,
      %all_reduce_population_count3A_632 = tpu.all_reduce %gt3A_628 {dim = 0 : i64, kind = #tpu.reduction_kind<sum>} : vector<16xi1> -> vector<16xi32>
      %add3A_633 = arith.addi %add3A_586, %all_reduce_population_count3A_632 : vector<16xi32>
      %add3A_634 = arith.constant 16 : i32
      %add3A_635 = vector.broadcast %add3A_634 : i32 to vector<16xi32>
      %add3A_636 = arith.addi %add3A_635, %shift_right_logical3A_4 : vector<16xi32>
      %gather3A_637 = tpu.vector_load_idx %arg12[%add3A_636] : memref<128xi32, #tpu.memory_space<vmem>>[vector<16xi32>], vector<16xi32>,
      %get3A_638 = arith.constant 64 : index
      %get3A_639 = tpu.vector_load %arg10[%get3A_638] {strides = array<i32>} : memref<512xf32, #tpu.memory_space<vmem>>, vector<16xf32>,
      %ge3A_640 = arith.cmpi sge, %gather3A_637, %broadcast_in_dim3A_9 : vector<16xi32>
      %select_n3A_641 = arith.select %ge3A_640, %get3A_639, %broadcast_in_dim3A_7 : vector<16xi1>, vector<16xf32>
      %swap3A_642 = arith.constant 64 : index
      %swap3A_643 = tpu.vector_load %arg14[%swap3A_642] {strides = array<i32>} : memref<512xf32, #tpu.memory_space<vmem>>, vector<16xf32>,
      tpu.vector_store %arg14[%swap3A_642], %select_n3A_641 {strides = array<i32>} : memref<512xf32, #tpu.memory_space<vmem>>, vector<16xf32>,
      %add3A_644 = arith.constant 20 : i32
      %add3A_645 = vector.broadcast %add3A_644 : i32 to vector<16xi32>
      %add3A_646 = arith.addi %add3A_645, %shift_right_logical3A_4 : vector<16xi32>
      %gather3A_647 = tpu.vector_load_idx %arg12[%add3A_646] : memref<128xi32, #tpu.memory_space<vmem>>[vector<16xi32>], vector<16xi32>,
      %get3A_648 = arith.constant 80 : index
      %get3A_649 = tpu.vector_load %arg10[%get3A_648] {strides = array<i32>} : memref<512xf32, #tpu.memory_space<vmem>>, vector<16xf32>,
      %ge3A_650 = arith.cmpi sge, %gather3A_647, %broadcast_in_dim3A_9 : vector<16xi32>
      %select_n3A_651 = arith.select %ge3A_650, %get3A_649, %broadcast_in_dim3A_7 : vector<16xi1>, vector<16xf32>
      %swap3A_652 = arith.constant 80 : index
      %swap3A_653 = tpu.vector_load %arg14[%swap3A_652] {strides = array<i32>} : memref<512xf32, #tpu.memory_space<vmem>>, vector<16xf32>,
      tpu.vector_store %arg14[%swap3A_652], %select_n3A_651 {strides = array<i32>} : memref<512xf32, #tpu.memory_space<vmem>>, vector<16xf32>,
      %add3A_654 = arith.constant 24 : i32
      %add3A_655 = vector.broadcast %add3A_654 : i32 to vector<16xi32>
      %add3A_656 = arith.addi %add3A_655, %shift_right_logical3A_4 : vector<16xi32>
      %gather3A_657 = tpu.vector_load_idx %arg12[%add3A_656] : memref<128xi32, #tpu.memory_space<vmem>>[vector<16xi32>], vector<16xi32>,
      %get3A_658 = arith.constant 96 : index
      %get3A_659 = tpu.vector_load %arg10[%get3A_658] {strides = array<i32>} : memref<512xf32, #tpu.memory_space<vmem>>, vector<16xf32>,
      %ge3A_660 = arith.cmpi sge, %gather3A_657, %broadcast_in_dim3A_9 : vector<16xi32>
      %select_n3A_661 = arith.select %ge3A_660, %get3A_659, %broadcast_in_dim3A_7 : vector<16xi1>, vector<16xf32>
      %swap3A_662 = arith.constant 96 : index
      %swap3A_663 = tpu.vector_load %arg14[%swap3A_662] {strides = array<i32>} : memref<512xf32, #tpu.memory_space<vmem>>, vector<16xf32>,
      tpu.vector_store %arg14[%swap3A_662], %select_n3A_661 {strides = array<i32>} : memref<512xf32, #tpu.memory_space<vmem>>, vector<16xf32>,
      %add3A_664 = arith.constant 28 : i32
      %add3A_665 = vector.broadcast %add3A_664 : i32 to vector<16xi32>
      %add3A_666 = arith.addi %add3A_665, %shift_right_logical3A_4 : vector<16xi32>
      %gather3A_667 = tpu.vector_load_idx %arg12[%add3A_666] : memref<128xi32, #tpu.memory_space<vmem>>[vector<16xi32>], vector<16xi32>,
      %get3A_668 = arith.constant 112 : index
      %get3A_669 = tpu.vector_load %arg10[%get3A_668] {strides = array<i32>} : memref<512xf32, #tpu.memory_space<vmem>>, vector<16xf32>,
      %ge3A_670 = arith.cmpi sge, %gather3A_667, %broadcast_in_dim3A_9 : vector<16xi32>
      %select_n3A_671 = arith.select %ge3A_670, %get3A_669, %broadcast_in_dim3A_7 : vector<16xi1>, vector<16xf32>
      %swap3A_672 = arith.constant 112 : index
      %swap3A_673 = tpu.vector_load %arg14[%swap3A_672] {strides = array<i32>} : memref<512xf32, #tpu.memory_space<vmem>>, vector<16xf32>,
      tpu.vector_store %arg14[%swap3A_672], %select_n3A_671 {strides = array<i32>} : memref<512xf32, #tpu.memory_space<vmem>>, vector<16xf32>,
      %sub3A_674 = arith.subi %scan3A_578#7, %mul3A_543 : vector<16xi32>
      %gt3A_675 = arith.cmpf ogt, %scan3A_578#6, %broadcast_in_dim3A_7 : vector<16xf32>
      %select_n3A_676 = arith.select %gt3A_675, %sub3A_674, %broadcast_in_dim3A_11 : vector<16xi1>, vector<16xi32>
      %swap3A_677 = arith.constant 32 : index
      %swap3A_678 = tpu.vector_load %arg12[%swap3A_677] {strides = array<i32>} : memref<128xi32, #tpu.memory_space<vmem>>, vector<16xi32>,
      tpu.vector_store %arg12[%swap3A_677], %select_n3A_676 {strides = array<i32>} : memref<128xi32, #tpu.memory_space<vmem>>, vector<16xi32>,
      %all_reduce_population_count3A_679 = tpu.all_reduce %gt3A_675 {dim = 0 : i64, kind = #tpu.reduction_kind<sum>} : vector<16xi1> -> vector<16xi32>
      %add3A_680 = arith.addi %add3A_633, %all_reduce_population_count3A_679 : vector<16xi32>
      %add3A_681 = arith.constant 32 : i32
      %add3A_682 = vector.broadcast %add3A_681 : i32 to vector<16xi32>
      %add3A_683 = arith.addi %add3A_682, %shift_right_logical3A_4 : vector<16xi32>
      %gather3A_684 = tpu.vector_load_idx %arg12[%add3A_683] : memref<128xi32, #tpu.memory_space<vmem>>[vector<16xi32>], vector<16xi32>,
      %get3A_685 = arith.constant 128 : index
      %get3A_686 = tpu.vector_load %arg10[%get3A_685] {strides = array<i32>} : memref<512xf32, #tpu.memory_space<vmem>>, vector<16xf32>,
      %ge3A_687 = arith.cmpi sge, %gather3A_684, %broadcast_in_dim3A_9 : vector<16xi32>
      %select_n3A_688 = arith.select %ge3A_687, %get3A_686, %broadcast_in_dim3A_7 : vector<16xi1>, vector<16xf32>
      %swap3A_689 = arith.constant 128 : index
      %swap3A_690 = tpu.vector_load %arg14[%swap3A_689] {strides = array<i32>} : memref<512xf32, #tpu.memory_space<vmem>>, vector<16xf32>,
      tpu.vector_store %arg14[%swap3A_689], %select_n3A_688 {strides = array<i32>} : memref<512xf32, #tpu.memory_space<vmem>>, vector<16xf32>,
      %add3A_691 = arith.constant 36 : i32
      %add3A_692 = vector.broadcast %add3A_691 : i32 to vector<16xi32>
      %add3A_693 = arith.addi %add3A_692, %shift_right_logical3A_4 : vector<16xi32>
      %gather3A_694 = tpu.vector_load_idx %arg12[%add3A_693] : memref<128xi32, #tpu.memory_space<vmem>>[vector<16xi32>], vector<16xi32>,
      %get3A_695 = arith.constant 144 : index
      %get3A_696 = tpu.vector_load %arg10[%get3A_695] {strides = array<i32>} : memref<512xf32, #tpu.memory_space<vmem>>, vector<16xf32>,
      %ge3A_697 = arith.cmpi sge, %gather3A_694, %broadcast_in_dim3A_9 : vector<16xi32>
      %select_n3A_698 = arith.select %ge3A_697, %get3A_696, %broadcast_in_dim3A_7 : vector<16xi1>, vector<16xf32>
      %swap3A_699 = arith.constant 144 : index
      %swap3A_700 = tpu.vector_load %arg14[%swap3A_699] {strides = array<i32>} : memref<512xf32, #tpu.memory_space<vmem>>, vector<16xf32>,
      tpu.vector_store %arg14[%swap3A_699], %select_n3A_698 {strides = array<i32>} : memref<512xf32, #tpu.memory_space<vmem>>, vector<16xf32>,
      %add3A_701 = arith.constant 40 : i32
      %add3A_702 = vector.broadcast %add3A_701 : i32 to vector<16xi32>
      %add3A_703 = arith.addi %add3A_702, %shift_right_logical3A_4 : vector<16xi32>
      %gather3A_704 = tpu.vector_load_idx %arg12[%add3A_703] : memref<128xi32, #tpu.memory_space<vmem>>[vector<16xi32>], vector<16xi32>,
      %get3A_705 = arith.constant 160 : index
      %get3A_706 = tpu.vector_load %arg10[%get3A_705] {strides = array<i32>} : memref<512xf32, #tpu.memory_space<vmem>>, vector<16xf32>,
      %ge3A_707 = arith.cmpi sge, %gather3A_704, %broadcast_in_dim3A_9 : vector<16xi32>
      %select_n3A_708 = arith.select %ge3A_707, %get3A_706, %broadcast_in_dim3A_7 : vector<16xi1>, vector<16xf32>
      %swap3A_709 = arith.constant 160 : index
      %swap3A_710 = tpu.vector_load %arg14[%swap3A_709] {strides = array<i32>} : memref<512xf32, #tpu.memory_space<vmem>>, vector<16xf32>,
      tpu.vector_store %arg14[%swap3A_709], %select_n3A_708 {strides = array<i32>} : memref<512xf32, #tpu.memory_space<vmem>>, vector<16xf32>,
      %add3A_711 = arith.constant 44 : i32
      %add3A_712 = vector.broadcast %add3A_711 : i32 to vector<16xi32>
      %add3A_713 = arith.addi %add3A_712, %shift_right_logical3A_4 : vector<16xi32>
      %gather3A_714 = tpu.vector_load_idx %arg12[%add3A_713] : memref<128xi32, #tpu.memory_space<vmem>>[vector<16xi32>], vector<16xi32>,
      %get3A_715 = arith.constant 176 : index
      %get3A_716 = tpu.vector_load %arg10[%get3A_715] {strides = array<i32>} : memref<512xf32, #tpu.memory_space<vmem>>, vector<16xf32>,
      %ge3A_717 = arith.cmpi sge, %gather3A_714, %broadcast_in_dim3A_9 : vector<16xi32>
      %select_n3A_718 = arith.select %ge3A_717, %get3A_716, %broadcast_in_dim3A_7 : vector<16xi1>, vector<16xf32>
      %swap3A_719 = arith.constant 176 : index
      %swap3A_720 = tpu.vector_load %arg14[%swap3A_719] {strides = array<i32>} : memref<512xf32, #tpu.memory_space<vmem>>, vector<16xf32>,
      tpu.vector_store %arg14[%swap3A_719], %select_n3A_718 {strides = array<i32>} : memref<512xf32, #tpu.memory_space<vmem>>, vector<16xf32>,
      %sub3A_721 = arith.subi %scan3A_578#10, %mul3A_549 : vector<16xi32>
      %gt3A_722 = arith.cmpf ogt, %scan3A_578#9, %broadcast_in_dim3A_7 : vector<16xf32>
      %select_n3A_723 = arith.select %gt3A_722, %sub3A_721, %broadcast_in_dim3A_11 : vector<16xi1>, vector<16xi32>
      %swap3A_724 = arith.constant 48 : index
      %swap3A_725 = tpu.vector_load %arg12[%swap3A_724] {strides = array<i32>} : memref<128xi32, #tpu.memory_space<vmem>>, vector<16xi32>,
      tpu.vector_store %arg12[%swap3A_724], %select_n3A_723 {strides = array<i32>} : memref<128xi32, #tpu.memory_space<vmem>>, vector<16xi32>,
      %all_reduce_population_count3A_726 = tpu.all_reduce %gt3A_722 {dim = 0 : i64, kind = #tpu.reduction_kind<sum>} : vector<16xi1> -> vector<16xi32>
      %add3A_727 = arith.addi %add3A_680, %all_reduce_population_count3A_726 : vector<16xi32>
      %add3A_728 = arith.constant 48 : i32
      %add3A_729 = vector.broadcast %add3A_728 : i32 to vector<16xi32>
      %add3A_730 = arith.addi %add3A_729, %shift_right_logical3A_4 : vector<16xi32>
      %gather3A_731 = tpu.vector_load_idx %arg12[%add3A_730] : memref<128xi32, #tpu.memory_space<vmem>>[vector<16xi32>], vector<16xi32>,
      %get3A_732 = arith.constant 192 : index
      %get3A_733 = tpu.vector_load %arg10[%get3A_732] {strides = array<i32>} : memref<512xf32, #tpu.memory_space<vmem>>, vector<16xf32>,
      %ge3A_734 = arith.cmpi sge, %gather3A_731, %broadcast_in_dim3A_9 : vector<16xi32>
      %select_n3A_735 = arith.select %ge3A_734, %get3A_733, %broadcast_in_dim3A_7 : vector<16xi1>, vector<16xf32>
      %swap3A_736 = arith.constant 192 : index
      %swap3A_737 = tpu.vector_load %arg14[%swap3A_736] {strides = array<i32>} : memref<512xf32, #tpu.memory_space<vmem>>, vector<16xf32>,
      tpu.vector_store %arg14[%swap3A_736], %select_n3A_735 {strides = array<i32>} : memref<512xf32, #tpu.memory_space<vmem>>, vector<16xf32>,
      %add3A_738 = arith.constant 52 : i32
      %add3A_739 = vector.broadcast %add3A_738 : i32 to vector<16xi32>
      %add3A_740 = arith.addi %add3A_739, %shift_right_logical3A_4 : vector<16xi32>
      %gather3A_741 = tpu.vector_load_idx %arg12[%add3A_740] : memref<128xi32, #tpu.memory_space<vmem>>[vector<16xi32>], vector<16xi32>,
      %get3A_742 = arith.constant 208 : index
      %get3A_743 = tpu.vector_load %arg10[%get3A_742] {strides = array<i32>} : memref<512xf32, #tpu.memory_space<vmem>>, vector<16xf32>,
      %ge3A_744 = arith.cmpi sge, %gather3A_741, %broadcast_in_dim3A_9 : vector<16xi32>
      %select_n3A_745 = arith.select %ge3A_744, %get3A_743, %broadcast_in_dim3A_7 : vector<16xi1>, vector<16xf32>
      %swap3A_746 = arith.constant 208 : index
      %swap3A_747 = tpu.vector_load %arg14[%swap3A_746] {strides = array<i32>} : memref<512xf32, #tpu.memory_space<vmem>>, vector<16xf32>,
      tpu.vector_store %arg14[%swap3A_746], %select_n3A_745 {strides = array<i32>} : memref<512xf32, #tpu.memory_space<vmem>>, vector<16xf32>,
      %add3A_748 = arith.constant 56 : i32
      %add3A_749 = vector.broadcast %add3A_748 : i32 to vector<16xi32>
      %add3A_750 = arith.addi %add3A_749, %shift_right_logical3A_4 : vector<16xi32>
      %gather3A_751 = tpu.vector_load_idx %arg12[%add3A_750] : memref<128xi32, #tpu.memory_space<vmem>>[vector<16xi32>], vector<16xi32>,
      %get3A_752 = arith.constant 224 : index
      %get3A_753 = tpu.vector_load %arg10[%get3A_752] {strides = array<i32>} : memref<512xf32, #tpu.memory_space<vmem>>, vector<16xf32>,
      %ge3A_754 = arith.cmpi sge, %gather3A_751, %broadcast_in_dim3A_9 : vector<16xi32>
      %select_n3A_755 = arith.select %ge3A_754, %get3A_753, %broadcast_in_dim3A_7 : vector<16xi1>, vector<16xf32>
      %swap3A_756 = arith.constant 224 : index
      %swap3A_757 = tpu.vector_load %arg14[%swap3A_756] {strides = array<i32>} : memref<512xf32, #tpu.memory_space<vmem>>, vector<16xf32>,
      tpu.vector_store %arg14[%swap3A_756], %select_n3A_755 {strides = array<i32>} : memref<512xf32, #tpu.memory_space<vmem>>, vector<16xf32>,
      %add3A_758 = arith.constant 60 : i32
      %add3A_759 = vector.broadcast %add3A_758 : i32 to vector<16xi32>
      %add3A_760 = arith.addi %add3A_759, %shift_right_logical3A_4 : vector<16xi32>
      %gather3A_761 = tpu.vector_load_idx %arg12[%add3A_760] : memref<128xi32, #tpu.memory_space<vmem>>[vector<16xi32>], vector<16xi32>,
      %get3A_762 = arith.constant 240 : index
      %get3A_763 = tpu.vector_load %arg10[%get3A_762] {strides = array<i32>} : memref<512xf32, #tpu.memory_space<vmem>>, vector<16xf32>,
      %ge3A_764 = arith.cmpi sge, %gather3A_761, %broadcast_in_dim3A_9 : vector<16xi32>
      %select_n3A_765 = arith.select %ge3A_764, %get3A_763, %broadcast_in_dim3A_7 : vector<16xi1>, vector<16xf32>
      %swap3A_766 = arith.constant 240 : index
      %swap3A_767 = tpu.vector_load %arg14[%swap3A_766] {strides = array<i32>} : memref<512xf32, #tpu.memory_space<vmem>>, vector<16xf32>,
      tpu.vector_store %arg14[%swap3A_766], %select_n3A_765 {strides = array<i32>} : memref<512xf32, #tpu.memory_space<vmem>>, vector<16xf32>,
      %sub3A_768 = arith.subi %scan3A_578#13, %mul3A_555 : vector<16xi32>
      %gt3A_769 = arith.cmpf ogt, %scan3A_578#12, %broadcast_in_dim3A_7 : vector<16xf32>
      %select_n3A_770 = arith.select %gt3A_769, %sub3A_768, %broadcast_in_dim3A_11 : vector<16xi1>, vector<16xi32>
      %swap3A_771 = arith.constant 64 : index
      %swap3A_772 = tpu.vector_load %arg12[%swap3A_771] {strides = array<i32>} : memref<128xi32, #tpu.memory_space<vmem>>, vector<16xi32>,
      tpu.vector_store %arg12[%swap3A_771], %select_n3A_770 {strides = array<i32>} : memref<128xi32, #tpu.memory_space<vmem>>, vector<16xi32>,
      %all_reduce_population_count3A_773 = tpu.all_reduce %gt3A_769 {dim = 0 : i64, kind = #tpu.reduction_kind<sum>} : vector<16xi1> -> vector<16xi32>
      %add3A_774 = arith.addi %add3A_727, %all_reduce_population_count3A_773 : vector<16xi32>
      %add3A_775 = arith.constant 64 : i32
      %add3A_776 = vector.broadcast %add3A_775 : i32 to vector<16xi32>
      %add3A_777 = arith.addi %add3A_776, %shift_right_logical3A_4 : vector<16xi32>
      %gather3A_778 = tpu.vector_load_idx %arg12[%add3A_777] : memref<128xi32, #tpu.memory_space<vmem>>[vector<16xi32>], vector<16xi32>,
      %get3A_779 = arith.constant 256 : index
      %get3A_780 = tpu.vector_load %arg10[%get3A_779] {strides = array<i32>} : memref<512xf32, #tpu.memory_space<vmem>>, vector<16xf32>,
      %ge3A_781 = arith.cmpi sge, %gather3A_778, %broadcast_in_dim3A_9 : vector<16xi32>
      %select_n3A_782 = arith.select %ge3A_781, %get3A_780, %broadcast_in_dim3A_7 : vector<16xi1>, vector<16xf32>
      %swap3A_783 = arith.constant 256 : index
      %swap3A_784 = tpu.vector_load %arg14[%swap3A_783] {strides = array<i32>} : memref<512xf32, #tpu.memory_space<vmem>>, vector<16xf32>,
      tpu.vector_store %arg14[%swap3A_783], %select_n3A_782 {strides = array<i32>} : memref<512xf32, #tpu.memory_space<vmem>>, vector<16xf32>,
      %add3A_785 = arith.constant 68 : i32
      %add3A_786 = vector.broadcast %add3A_785 : i32 to vector<16xi32>
      %add3A_787 = arith.addi %add3A_786, %shift_right_logical3A_4 : vector<16xi32>
      %gather3A_788 = tpu.vector_load_idx %arg12[%add3A_787] : memref<128xi32, #tpu.memory_space<vmem>>[vector<16xi32>], vector<16xi32>,
      %get3A_789 = arith.constant 272 : index
      %get3A_790 = tpu.vector_load %arg10[%get3A_789] {strides = array<i32>} : memref<512xf32, #tpu.memory_space<vmem>>, vector<16xf32>,
      %ge3A_791 = arith.cmpi sge, %gather3A_788, %broadcast_in_dim3A_9 : vector<16xi32>
      %select_n3A_792 = arith.select %ge3A_791, %get3A_790, %broadcast_in_dim3A_7 : vector<16xi1>, vector<16xf32>
      %swap3A_793 = arith.constant 272 : index
      %swap3A_794 = tpu.vector_load %arg14[%swap3A_793] {strides = array<i32>} : memref<512xf32, #tpu.memory_space<vmem>>, vector<16xf32>,
      tpu.vector_store %arg14[%swap3A_793], %select_n3A_792 {strides = array<i32>} : memref<512xf32, #tpu.memory_space<vmem>>, vector<16xf32>,
      %add3A_795 = arith.constant 72 : i32
      %add3A_796 = vector.broadcast %add3A_795 : i32 to vector<16xi32>
      %add3A_797 = arith.addi %add3A_796, %shift_right_logical3A_4 : vector<16xi32>
      %gather3A_798 = tpu.vector_load_idx %arg12[%add3A_797] : memref<128xi32, #tpu.memory_space<vmem>>[vector<16xi32>], vector<16xi32>,
      %get3A_799 = arith.constant 288 : index
      %get3A_800 = tpu.vector_load %arg10[%get3A_799] {strides = array<i32>} : memref<512xf32, #tpu.memory_space<vmem>>, vector<16xf32>,
      %ge3A_801 = arith.cmpi sge, %gather3A_798, %broadcast_in_dim3A_9 : vector<16xi32>
      %select_n3A_802 = arith.select %ge3A_801, %get3A_800, %broadcast_in_dim3A_7 : vector<16xi1>, vector<16xf32>
      %swap3A_803 = arith.constant 288 : index
      %swap3A_804 = tpu.vector_load %arg14[%swap3A_803] {strides = array<i32>} : memref<512xf32, #tpu.memory_space<vmem>>, vector<16xf32>,
      tpu.vector_store %arg14[%swap3A_803], %select_n3A_802 {strides = array<i32>} : memref<512xf32, #tpu.memory_space<vmem>>, vector<16xf32>,
      %add3A_805 = arith.constant 76 : i32
      %add3A_806 = vector.broadcast %add3A_805 : i32 to vector<16xi32>
      %add3A_807 = arith.addi %add3A_806, %shift_right_logical3A_4 : vector<16xi32>
      %gather3A_808 = tpu.vector_load_idx %arg12[%add3A_807] : memref<128xi32, #tpu.memory_space<vmem>>[vector<16xi32>], vector<16xi32>,
      %get3A_809 = arith.constant 304 : index
      %get3A_810 = tpu.vector_load %arg10[%get3A_809] {strides = array<i32>} : memref<512xf32, #tpu.memory_space<vmem>>, vector<16xf32>,
      %ge3A_811 = arith.cmpi sge, %gather3A_808, %broadcast_in_dim3A_9 : vector<16xi32>
      %select_n3A_812 = arith.select %ge3A_811, %get3A_810, %broadcast_in_dim3A_7 : vector<16xi1>, vector<16xf32>
      %swap3A_813 = arith.constant 304 : index
      %swap3A_814 = tpu.vector_load %arg14[%swap3A_813] {strides = array<i32>} : memref<512xf32, #tpu.memory_space<vmem>>, vector<16xf32>,
      tpu.vector_store %arg14[%swap3A_813], %select_n3A_812 {strides = array<i32>} : memref<512xf32, #tpu.memory_space<vmem>>, vector<16xf32>,
      %sub3A_815 = arith.subi %scan3A_578#16, %mul3A_561 : vector<16xi32>
      %gt3A_816 = arith.cmpf ogt, %scan3A_578#15, %broadcast_in_dim3A_7 : vector<16xf32>
      %select_n3A_817 = arith.select %gt3A_816, %sub3A_815, %broadcast_in_dim3A_11 : vector<16xi1>, vector<16xi32>
      %swap3A_818 = arith.constant 80 : index
      %swap3A_819 = tpu.vector_load %arg12[%swap3A_818] {strides = array<i32>} : memref<128xi32, #tpu.memory_space<vmem>>, vector<16xi32>,
      tpu.vector_store %arg12[%swap3A_818], %select_n3A_817 {strides = array<i32>} : memref<128xi32, #tpu.memory_space<vmem>>, vector<16xi32>,
      %all_reduce_population_count3A_820 = tpu.all_reduce %gt3A_816 {dim = 0 : i64, kind = #tpu.reduction_kind<sum>} : vector<16xi1> -> vector<16xi32>
      %add3A_821 = arith.addi %add3A_774, %all_reduce_population_count3A_820 : vector<16xi32>
      %add3A_822 = arith.constant 80 : i32
      %add3A_823 = vector.broadcast %add3A_822 : i32 to vector<16xi32>
      %add3A_824 = arith.addi %add3A_823, %shift_right_logical3A_4 : vector<16xi32>
      %gather3A_825 = tpu.vector_load_idx %arg12[%add3A_824] : memref<128xi32, #tpu.memory_space<vmem>>[vector<16xi32>], vector<16xi32>,
      %get3A_826 = arith.constant 320 : index
      %get3A_827 = tpu.vector_load %arg10[%get3A_826] {strides = array<i32>} : memref<512xf32, #tpu.memory_space<vmem>>, vector<16xf32>,
      %ge3A_828 = arith.cmpi sge, %gather3A_825, %broadcast_in_dim3A_9 : vector<16xi32>
      %select_n3A_829 = arith.select %ge3A_828, %get3A_827, %broadcast_in_dim3A_7 : vector<16xi1>, vector<16xf32>
      %swap3A_830 = arith.constant 320 : index
      %swap3A_831 = tpu.vector_load %arg14[%swap3A_830] {strides = array<i32>} : memref<512xf32, #tpu.memory_space<vmem>>, vector<16xf32>,
      tpu.vector_store %arg14[%swap3A_830], %select_n3A_829 {strides = array<i32>} : memref<512xf32, #tpu.memory_space<vmem>>, vector<16xf32>,
      %add3A_832 = arith.constant 84 : i32
      %add3A_833 = vector.broadcast %add3A_832 : i32 to vector<16xi32>
      %add3A_834 = arith.addi %add3A_833, %shift_right_logical3A_4 : vector<16xi32>
      %gather3A_835 = tpu.vector_load_idx %arg12[%add3A_834] : memref<128xi32, #tpu.memory_space<vmem>>[vector<16xi32>], vector<16xi32>,
      %get3A_836 = arith.constant 336 : index
      %get3A_837 = tpu.vector_load %arg10[%get3A_836] {strides = array<i32>} : memref<512xf32, #tpu.memory_space<vmem>>, vector<16xf32>,
      %ge3A_838 = arith.cmpi sge, %gather3A_835, %broadcast_in_dim3A_9 : vector<16xi32>
      %select_n3A_839 = arith.select %ge3A_838, %get3A_837, %broadcast_in_dim3A_7 : vector<16xi1>, vector<16xf32>
      %swap3A_840 = arith.constant 336 : index
      %swap3A_841 = tpu.vector_load %arg14[%swap3A_840] {strides = array<i32>} : memref<512xf32, #tpu.memory_space<vmem>>, vector<16xf32>,
      tpu.vector_store %arg14[%swap3A_840], %select_n3A_839 {strides = array<i32>} : memref<512xf32, #tpu.memory_space<vmem>>, vector<16xf32>,
      %add3A_842 = arith.constant 88 : i32
      %add3A_843 = vector.broadcast %add3A_842 : i32 to vector<16xi32>
      %add3A_844 = arith.addi %add3A_843, %shift_right_logical3A_4 : vector<16xi32>
      %gather3A_845 = tpu.vector_load_idx %arg12[%add3A_844] : memref<128xi32, #tpu.memory_space<vmem>>[vector<16xi32>], vector<16xi32>,
      %get3A_846 = arith.constant 352 : index
      %get3A_847 = tpu.vector_load %arg10[%get3A_846] {strides = array<i32>} : memref<512xf32, #tpu.memory_space<vmem>>, vector<16xf32>,
      %ge3A_848 = arith.cmpi sge, %gather3A_845, %broadcast_in_dim3A_9 : vector<16xi32>
      %select_n3A_849 = arith.select %ge3A_848, %get3A_847, %broadcast_in_dim3A_7 : vector<16xi1>, vector<16xf32>
      %swap3A_850 = arith.constant 352 : index
      %swap3A_851 = tpu.vector_load %arg14[%swap3A_850] {strides = array<i32>} : memref<512xf32, #tpu.memory_space<vmem>>, vector<16xf32>,
      tpu.vector_store %arg14[%swap3A_850], %select_n3A_849 {strides = array<i32>} : memref<512xf32, #tpu.memory_space<vmem>>, vector<16xf32>,
      %add3A_852 = arith.constant 92 : i32
      %add3A_853 = vector.broadcast %add3A_852 : i32 to vector<16xi32>
      %add3A_854 = arith.addi %add3A_853, %shift_right_logical3A_4 : vector<16xi32>
      %gather3A_855 = tpu.vector_load_idx %arg12[%add3A_854] : memref<128xi32, #tpu.memory_space<vmem>>[vector<16xi32>], vector<16xi32>,
      %get3A_856 = arith.constant 368 : index
      %get3A_857 = tpu.vector_load %arg10[%get3A_856] {strides = array<i32>} : memref<512xf32, #tpu.memory_space<vmem>>, vector<16xf32>,
      %ge3A_858 = arith.cmpi sge, %gather3A_855, %broadcast_in_dim3A_9 : vector<16xi32>
      %select_n3A_859 = arith.select %ge3A_858, %get3A_857, %broadcast_in_dim3A_7 : vector<16xi1>, vector<16xf32>
      %swap3A_860 = arith.constant 368 : index
      %swap3A_861 = tpu.vector_load %arg14[%swap3A_860] {strides = array<i32>} : memref<512xf32, #tpu.memory_space<vmem>>, vector<16xf32>,
      tpu.vector_store %arg14[%swap3A_860], %select_n3A_859 {strides = array<i32>} : memref<512xf32, #tpu.memory_space<vmem>>, vector<16xf32>,
      %sub3A_862 = arith.subi %scan3A_578#19, %mul3A_567 : vector<16xi32>
      %gt3A_863 = arith.cmpf ogt, %scan3A_578#18, %broadcast_in_dim3A_7 : vector<16xf32>
      %select_n3A_864 = arith.select %gt3A_863, %sub3A_862, %broadcast_in_dim3A_11 : vector<16xi1>, vector<16xi32>
      %swap3A_865 = arith.constant 96 : index
      %swap3A_866 = tpu.vector_load %arg12[%swap3A_865] {strides = array<i32>} : memref<128xi32, #tpu.memory_space<vmem>>, vector<16xi32>,
      tpu.vector_store %arg12[%swap3A_865], %select_n3A_864 {strides = array<i32>} : memref<128xi32, #tpu.memory_space<vmem>>, vector<16xi32>,
      %all_reduce_population_count3A_867 = tpu.all_reduce %gt3A_863 {dim = 0 : i64, kind = #tpu.reduction_kind<sum>} : vector<16xi1> -> vector<16xi32>
      %add3A_868 = arith.addi %add3A_821, %all_reduce_population_count3A_867 : vector<16xi32>
      %add3A_869 = arith.constant 96 : i32
      %add3A_870 = vector.broadcast %add3A_869 : i32 to vector<16xi32>
      %add3A_871 = arith.addi %add3A_870, %shift_right_logical3A_4 : vector<16xi32>
      %gather3A_872 = tpu.vector_load_idx %arg12[%add3A_871] : memref<128xi32, #tpu.memory_space<vmem>>[vector<16xi32>], vector<16xi32>,
      %get3A_873 = arith.constant 384 : index
      %get3A_874 = tpu.vector_load %arg10[%get3A_873] {strides = array<i32>} : memref<512xf32, #tpu.memory_space<vmem>>, vector<16xf32>,
      %ge3A_875 = arith.cmpi sge, %gather3A_872, %broadcast_in_dim3A_9 : vector<16xi32>
      %select_n3A_876 = arith.select %ge3A_875, %get3A_874, %broadcast_in_dim3A_7 : vector<16xi1>, vector<16xf32>
      %swap3A_877 = arith.constant 384 : index
      %swap3A_878 = tpu.vector_load %arg14[%swap3A_877] {strides = array<i32>} : memref<512xf32, #tpu.memory_space<vmem>>, vector<16xf32>,
      tpu.vector_store %arg14[%swap3A_877], %select_n3A_876 {strides = array<i32>} : memref<512xf32, #tpu.memory_space<vmem>>, vector<16xf32>,
      %add3A_879 = arith.constant 100 : i32
      %add3A_880 = vector.broadcast %add3A_879 : i32 to vector<16xi32>
      %add3A_881 = arith.addi %add3A_880, %shift_right_logical3A_4 : vector<16xi32>
      %gather3A_882 = tpu.vector_load_idx %arg12[%add3A_881] : memref<128xi32, #tpu.memory_space<vmem>>[vector<16xi32>], vector<16xi32>,
      %get3A_883 = arith.constant 400 : index
      %get3A_884 = tpu.vector_load %arg10[%get3A_883] {strides = array<i32>} : memref<512xf32, #tpu.memory_space<vmem>>, vector<16xf32>,
      %ge3A_885 = arith.cmpi sge, %gather3A_882, %broadcast_in_dim3A_9 : vector<16xi32>
      %select_n3A_886 = arith.select %ge3A_885, %get3A_884, %broadcast_in_dim3A_7 : vector<16xi1>, vector<16xf32>
      %swap3A_887 = arith.constant 400 : index
      %swap3A_888 = tpu.vector_load %arg14[%swap3A_887] {strides = array<i32>} : memref<512xf32, #tpu.memory_space<vmem>>, vector<16xf32>,
      tpu.vector_store %arg14[%swap3A_887], %select_n3A_886 {strides = array<i32>} : memref<512xf32, #tpu.memory_space<vmem>>, vector<16xf32>,
      %add3A_889 = arith.constant 104 : i32
      %add3A_890 = vector.broadcast %add3A_889 : i32 to vector<16xi32>
      %add3A_891 = arith.addi %add3A_890, %shift_right_logical3A_4 : vector<16xi32>
      %gather3A_892 = tpu.vector_load_idx %arg12[%add3A_891] : memref<128xi32, #tpu.memory_space<vmem>>[vector<16xi32>], vector<16xi32>,
      %get3A_893 = arith.constant 416 : index
      %get3A_894 = tpu.vector_load %arg10[%get3A_893] {strides = array<i32>} : memref<512xf32, #tpu.memory_space<vmem>>, vector<16xf32>,
      %ge3A_895 = arith.cmpi sge, %gather3A_892, %broadcast_in_dim3A_9 : vector<16xi32>
      %select_n3A_896 = arith.select %ge3A_895, %get3A_894, %broadcast_in_dim3A_7 : vector<16xi1>, vector<16xf32>
      %swap3A_897 = arith.constant 416 : index
      %swap3A_898 = tpu.vector_load %arg14[%swap3A_897] {strides = array<i32>} : memref<512xf32, #tpu.memory_space<vmem>>, vector<16xf32>,
      tpu.vector_store %arg14[%swap3A_897], %select_n3A_896 {strides = array<i32>} : memref<512xf32, #tpu.memory_space<vmem>>, vector<16xf32>,
      %add3A_899 = arith.constant 108 : i32
      %add3A_900 = vector.broadcast %add3A_899 : i32 to vector<16xi32>
      %add3A_901 = arith.addi %add3A_900, %shift_right_logical3A_4 : vector<16xi32>
      %gather3A_902 = tpu.vector_load_idx %arg12[%add3A_901] : memref<128xi32, #tpu.memory_space<vmem>>[vector<16xi32>], vector<16xi32>,
      %get3A_903 = arith.constant 432 : index
      %get3A_904 = tpu.vector_load %arg10[%get3A_903] {strides = array<i32>} : memref<512xf32, #tpu.memory_space<vmem>>, vector<16xf32>,
      %ge3A_905 = arith.cmpi sge, %gather3A_902, %broadcast_in_dim3A_9 : vector<16xi32>
      %select_n3A_906 = arith.select %ge3A_905, %get3A_904, %broadcast_in_dim3A_7 : vector<16xi1>, vector<16xf32>
      %swap3A_907 = arith.constant 432 : index
      %swap3A_908 = tpu.vector_load %arg14[%swap3A_907] {strides = array<i32>} : memref<512xf32, #tpu.memory_space<vmem>>, vector<16xf32>,
      tpu.vector_store %arg14[%swap3A_907], %select_n3A_906 {strides = array<i32>} : memref<512xf32, #tpu.memory_space<vmem>>, vector<16xf32>,
      %sub3A_909 = arith.subi %scan3A_578#22, %mul3A_573 : vector<16xi32>
      %gt3A_910 = arith.cmpf ogt, %scan3A_578#21, %broadcast_in_dim3A_7 : vector<16xf32>
      %select_n3A_911 = arith.select %gt3A_910, %sub3A_909, %broadcast_in_dim3A_11 : vector<16xi1>, vector<16xi32>
      %swap3A_912 = arith.constant 112 : index
      %swap3A_913 = tpu.vector_load %arg12[%swap3A_912] {strides = array<i32>} : memref<128xi32, #tpu.memory_space<vmem>>, vector<16xi32>,
      tpu.vector_store %arg12[%swap3A_912], %select_n3A_911 {strides = array<i32>} : memref<128xi32, #tpu.memory_space<vmem>>, vector<16xi32>,
      %all_reduce_population_count3A_914 = tpu.all_reduce %gt3A_910 {dim = 0 : i64, kind = #tpu.reduction_kind<sum>} : vector<16xi1> -> vector<16xi32>
      %add3A_915 = arith.addi %add3A_868, %all_reduce_population_count3A_914 : vector<16xi32>
      %add3A_916 = arith.constant 112 : i32
      %add3A_917 = vector.broadcast %add3A_916 : i32 to vector<16xi32>
      %add3A_918 = arith.addi %add3A_917, %shift_right_logical3A_4 : vector<16xi32>
      %gather3A_919 = tpu.vector_load_idx %arg12[%add3A_918] : memref<128xi32, #tpu.memory_space<vmem>>[vector<16xi32>], vector<16xi32>,
      %get3A_920 = arith.constant 448 : index
      %get3A_921 = tpu.vector_load %arg10[%get3A_920] {strides = array<i32>} : memref<512xf32, #tpu.memory_space<vmem>>, vector<16xf32>,
      %ge3A_922 = arith.cmpi sge, %gather3A_919, %broadcast_in_dim3A_9 : vector<16xi32>
      %select_n3A_923 = arith.select %ge3A_922, %get3A_921, %broadcast_in_dim3A_7 : vector<16xi1>, vector<16xf32>
      %swap3A_924 = arith.constant 448 : index
      %swap3A_925 = tpu.vector_load %arg14[%swap3A_924] {strides = array<i32>} : memref<512xf32, #tpu.memory_space<vmem>>, vector<16xf32>,
      tpu.vector_store %arg14[%swap3A_924], %select_n3A_923 {strides = array<i32>} : memref<512xf32, #tpu.memory_space<vmem>>, vector<16xf32>,
      %add3A_926 = arith.constant 116 : i32
      %add3A_927 = vector.broadcast %add3A_926 : i32 to vector<16xi32>
      %add3A_928 = arith.addi %add3A_927, %shift_right_logical3A_4 : vector<16xi32>
      %gather3A_929 = tpu.vector_load_idx %arg12[%add3A_928] : memref<128xi32, #tpu.memory_space<vmem>>[vector<16xi32>], vector<16xi32>,
      %get3A_930 = arith.constant 464 : index
      %get3A_931 = tpu.vector_load %arg10[%get3A_930] {strides = array<i32>} : memref<512xf32, #tpu.memory_space<vmem>>, vector<16xf32>,
      %ge3A_932 = arith.cmpi sge, %gather3A_929, %broadcast_in_dim3A_9 : vector<16xi32>
      %select_n3A_933 = arith.select %ge3A_932, %get3A_931, %broadcast_in_dim3A_7 : vector<16xi1>, vector<16xf32>
      %swap3A_934 = arith.constant 464 : index
      %swap3A_935 = tpu.vector_load %arg14[%swap3A_934] {strides = array<i32>} : memref<512xf32, #tpu.memory_space<vmem>>, vector<16xf32>,
      tpu.vector_store %arg14[%swap3A_934], %select_n3A_933 {strides = array<i32>} : memref<512xf32, #tpu.memory_space<vmem>>, vector<16xf32>,
      %add3A_936 = arith.constant 120 : i32
      %add3A_937 = vector.broadcast %add3A_936 : i32 to vector<16xi32>
      %add3A_938 = arith.addi %add3A_937, %shift_right_logical3A_4 : vector<16xi32>
      %gather3A_939 = tpu.vector_load_idx %arg12[%add3A_938] : memref<128xi32, #tpu.memory_space<vmem>>[vector<16xi32>], vector<16xi32>,
      %get3A_940 = arith.constant 480 : index
      %get3A_941 = tpu.vector_load %arg10[%get3A_940] {strides = array<i32>} : memref<512xf32, #tpu.memory_space<vmem>>, vector<16xf32>,
      %ge3A_942 = arith.cmpi sge, %gather3A_939, %broadcast_in_dim3A_9 : vector<16xi32>
      %select_n3A_943 = arith.select %ge3A_942, %get3A_941, %broadcast_in_dim3A_7 : vector<16xi1>, vector<16xf32>
      %swap3A_944 = arith.constant 480 : index
      %swap3A_945 = tpu.vector_load %arg14[%swap3A_944] {strides = array<i32>} : memref<512xf32, #tpu.memory_space<vmem>>, vector<16xf32>,
      tpu.vector_store %arg14[%swap3A_944], %select_n3A_943 {strides = array<i32>} : memref<512xf32, #tpu.memory_space<vmem>>, vector<16xf32>,
      %add3A_946 = arith.constant 124 : i32
      %add3A_947 = vector.broadcast %add3A_946 : i32 to vector<16xi32>
      %add3A_948 = arith.addi %add3A_947, %shift_right_logical3A_4 : vector<16xi32>
      %gather3A_949 = tpu.vector_load_idx %arg12[%add3A_948] : memref<128xi32, #tpu.memory_space<vmem>>[vector<16xi32>], vector<16xi32>,
      %get3A_950 = arith.constant 496 : index
      %get3A_951 = tpu.vector_load %arg10[%get3A_950] {strides = array<i32>} : memref<512xf32, #tpu.memory_space<vmem>>, vector<16xf32>,
      %ge3A_952 = arith.cmpi sge, %gather3A_949, %broadcast_in_dim3A_9 : vector<16xi32>
      %select_n3A_953 = arith.select %ge3A_952, %get3A_951, %broadcast_in_dim3A_7 : vector<16xi1>, vector<16xf32>
      %swap3A_954 = arith.constant 496 : index
      %swap3A_955 = tpu.vector_load %arg14[%swap3A_954] {strides = array<i32>} : memref<512xf32, #tpu.memory_space<vmem>>, vector<16xf32>,
      tpu.vector_store %arg14[%swap3A_954], %select_n3A_953 {strides = array<i32>} : memref<512xf32, #tpu.memory_space<vmem>>, vector<16xf32>,
      %mul3A_956 = arith.constant 128 : i32
      %mul3A_957 = arith.muli %add3A_512, %mul3A_956 : i32
      %add3A_958 = arith.addi %mul3A_2, %mul3A_957 : i32
      %dma_start3A_959 = tpu.memref_slice %arg4[%add3A_958] : memref<16384xi32, #tpu.memory_space<hbm>> -> memref<128xi32, #tpu.memory_space<hbm>>
      %dma_start3A_960 = tpu.memref_slice %arg4[%add3A_958] : memref<16384xi32, #tpu.memory_space<hbm>> -> memref<128xi32, #tpu.memory_space<hbm>>
      tpu.enqueue_dma source(%arg12 : memref<128xi32, #tpu.memory_space<vmem>>) target(%dma_start3A_960 : memref<128xi32, #tpu.memory_space<hbm>>) target_semaphore(%arg19 : memref<!tpu.dma_semaphore, #tpu.memory_space<semaphore_mem>>)
      %mul3A_961 = arith.constant 4 : i32
      %mul3A_962 = arith.muli %add3A_958, %mul3A_961 : i32
      %dma_start3A_963 = tpu.memref_slice %arg5[%mul3A_962] : memref<65536xf32, #tpu.memory_space<hbm>> -> memref<512xf32, #tpu.memory_space<hbm>>
      %dma_start3A_964 = tpu.memref_slice %arg5[%mul3A_962] : memref<65536xf32, #tpu.memory_space<hbm>> -> memref<512xf32, #tpu.memory_space<hbm>>
      tpu.enqueue_dma source(%arg14 : memref<512xf32, #tpu.memory_space<vmem>>) target(%dma_start3A_964 : memref<512xf32, #tpu.memory_space<hbm>>) target_semaphore(%arg19 : memref<!tpu.dma_semaphore, #tpu.memory_space<semaphore_mem>>)
      %add3A_965 = arith.constant 2 : i32
      %add3A_966 = arith.addi %add3A_512, %add3A_965 : i32
      %lt3A_967 = arith.constant 4 : i32
      %lt3A_968 = arith.cmpi slt, %add3A_966, %lt3A_967 : i32
      %convert_element_type3A_969 = arith.extui %lt3A_968 : i1 to i32
      %cond3A_970 = arith.constant 0 : i32
      %cond3A_971 = arith.cmpi ne, %convert_element_type3A_969, %cond3A_970 : i32
      scf.if %cond3A_971 {
        %add3A_972 = arith.constant 2 : i32
        %add3A_973 = arith.addi %add3A_512, %add3A_972 : i32
        %mul3A_974 = arith.constant 128 : i32
        %mul3A_975 = arith.muli %add3A_973, %mul3A_974 : i32
        %add3A_976 = arith.addi %mul3A_2, %mul3A_975 : i32
        %mul3A_977 = arith.constant 256 : i32
        %mul3A_978 = arith.muli %add3A_976, %mul3A_977 : i32
        %dma_start3A_979 = tpu.memref_slice %arg2[%mul3A_978] : memref<4194304xf32, #tpu.memory_space<hbm>> -> memref<32768xf32, #tpu.memory_space<hbm>>
        %dma_start3A_980 = tpu.memref_slice %arg2[%mul3A_978] : memref<4194304xf32, #tpu.memory_space<hbm>> -> memref<32768xf32, #tpu.memory_space<hbm>>
        tpu.enqueue_dma source(%dma_start3A_980 : memref<32768xf32, #tpu.memory_space<hbm>>) target(%arg8 : memref<32768xf32, #tpu.memory_space<vmem>>) target_semaphore(%arg17 : memref<!tpu.dma_semaphore, #tpu.memory_space<semaphore_mem>>)
        %mul3A_981 = arith.constant 4 : i32
        %mul3A_982 = arith.muli %add3A_976, %mul3A_981 : i32
        %dma_start3A_983 = tpu.memref_slice %arg3[%mul3A_982] : memref<65536xf32, #tpu.memory_space<hbm>> -> memref<512xf32, #tpu.memory_space<hbm>>
        %dma_start3A_984 = tpu.memref_slice %arg3[%mul3A_982] : memref<65536xf32, #tpu.memory_space<hbm>> -> memref<512xf32, #tpu.memory_space<hbm>>
        tpu.enqueue_dma source(%dma_start3A_984 : memref<512xf32, #tpu.memory_space<hbm>>) target(%arg10 : memref<512xf32, #tpu.memory_space<vmem>>) target_semaphore(%arg17 : memref<!tpu.dma_semaphore, #tpu.memory_space<semaphore_mem>>)
      } else {
      }
      scf.yield %add3A_915 : vector<16xi32>
    }
    %scan3A_37 = arith.constant 2 : i32
    %dma_wait3A = arith.constant 0 : i32
    %dma_wait3A_38 = tpu.memref_slice %arg4[%dma_wait3A] : memref<16384xi32, #tpu.memory_space<hbm>> -> memref<128xi32, #tpu.memory_space<hbm>>
    %dma_wait3A_39 = arith.constant 0 : i32
    %dma_wait3A_40 = tpu.memref_slice %arg4[%dma_wait3A_39] : memref<16384xi32, #tpu.memory_space<hbm>> -> memref<128xi32, #tpu.memory_space<hbm>>
    tpu.wait_dma2 semaphore(%arg18 : memref<!tpu.dma_semaphore, #tpu.memory_space<semaphore_mem>>) src(%arg11 : memref<128xi32, #tpu.memory_space<vmem>>) dst(%dma_wait3A_40 : memref<128xi32, #tpu.memory_space<hbm>>)
    %dma_wait3A_41 = arith.constant 0 : i32
    %dma_wait3A_42 = tpu.memref_slice %arg5[%dma_wait3A_41] : memref<65536xf32, #tpu.memory_space<hbm>> -> memref<512xf32, #tpu.memory_space<hbm>>
    %dma_wait3A_43 = arith.constant 0 : i32
    %dma_wait3A_44 = tpu.memref_slice %arg5[%dma_wait3A_43] : memref<65536xf32, #tpu.memory_space<hbm>> -> memref<512xf32, #tpu.memory_space<hbm>>
    tpu.wait_dma2 semaphore(%arg18 : memref<!tpu.dma_semaphore, #tpu.memory_space<semaphore_mem>>) src(%arg13 : memref<512xf32, #tpu.memory_space<vmem>>) dst(%dma_wait3A_44 : memref<512xf32, #tpu.memory_space<hbm>>)
    %dma_wait3A_45 = arith.constant 0 : i32
    %dma_wait3A_46 = tpu.memref_slice %arg4[%dma_wait3A_45] : memref<16384xi32, #tpu.memory_space<hbm>> -> memref<128xi32, #tpu.memory_space<hbm>>
    %dma_wait3A_47 = arith.constant 0 : i32
    %dma_wait3A_48 = tpu.memref_slice %arg4[%dma_wait3A_47] : memref<16384xi32, #tpu.memory_space<hbm>> -> memref<128xi32, #tpu.memory_space<hbm>>
    tpu.wait_dma2 semaphore(%arg19 : memref<!tpu.dma_semaphore, #tpu.memory_space<semaphore_mem>>) src(%arg12 : memref<128xi32, #tpu.memory_space<vmem>>) dst(%dma_wait3A_48 : memref<128xi32, #tpu.memory_space<hbm>>)
    %dma_wait3A_49 = arith.constant 0 : i32
    %dma_wait3A_50 = tpu.memref_slice %arg5[%dma_wait3A_49] : memref<65536xf32, #tpu.memory_space<hbm>> -> memref<512xf32, #tpu.memory_space<hbm>>
    %dma_wait3A_51 = arith.constant 0 : i32
    %dma_wait3A_52 = tpu.memref_slice %arg5[%dma_wait3A_51] : memref<65536xf32, #tpu.memory_space<hbm>> -> memref<512xf32, #tpu.memory_space<hbm>>
    tpu.wait_dma2 semaphore(%arg19 : memref<!tpu.dma_semaphore, #tpu.memory_space<semaphore_mem>>) src(%arg14 : memref<512xf32, #tpu.memory_space<vmem>>) dst(%dma_wait3A_52 : memref<512xf32, #tpu.memory_space<hbm>>)
    %swap3A = arith.constant 0 : index
    %swap3A_53 = tpu.vector_load %arg15[%swap3A] {strides = array<i32>} : memref<16xi32, #tpu.memory_space<vmem>>, vector<16xi32>,
    tpu.vector_store %arg15[%swap3A], %scan3A_36 {strides = array<i32>} : memref<16xi32, #tpu.memory_space<vmem>>, vector<16xi32>,
    "tpu.region"() ({
      %run_scoped3A = tpu.sem_alloc : memref<!tpu.dma_semaphore, #tpu.memory_space<semaphore_mem>>
      %dma_start3A_54 = arith.constant 0 : i32
      %dma_start3A_55 = tpu.memref_slice %arg6[%add3A, %dma_start3A_54] : memref<32x16xi32, #tpu.memory_space<hbm>> -> memref<1x16xi32, #tpu.memory_space<hbm>>
      %dma_start3A_56 = tpu.memref_squeeze %dma_start3A_55 : memref<1x16xi32, #tpu.memory_space<hbm>> -> memref<16xi32, #tpu.memory_space<hbm>>
      %dma_start3A_57 = arith.constant 0 : i32
      %dma_start3A_58 = tpu.memref_slice %arg6[%add3A, %dma_start3A_57] : memref<32x16xi32, #tpu.memory_space<hbm>> -> memref<1x16xi32, #tpu.memory_space<hbm>>
      %dma_start3A_59 = tpu.memref_squeeze %dma_start3A_58 : memref<1x16xi32, #tpu.memory_space<hbm>> -> memref<16xi32, #tpu.memory_space<hbm>>
      tpu.enqueue_dma source(%arg15 : memref<16xi32, #tpu.memory_space<vmem>>) target(%dma_start3A_59 : memref<16xi32, #tpu.memory_space<hbm>>) target_semaphore(%run_scoped3A : memref<!tpu.dma_semaphore, #tpu.memory_space<semaphore_mem>>)
      %dma_wait3A_60 = arith.constant 0 : i32
      %dma_wait3A_61 = tpu.memref_slice %arg6[%add3A, %dma_wait3A_60] : memref<32x16xi32, #tpu.memory_space<hbm>> -> memref<1x16xi32, #tpu.memory_space<hbm>>
      %dma_wait3A_62 = tpu.memref_squeeze %dma_wait3A_61 : memref<1x16xi32, #tpu.memory_space<hbm>> -> memref<16xi32, #tpu.memory_space<hbm>>
      %dma_wait3A_63 = arith.constant 0 : i32
      %dma_wait3A_64 = tpu.memref_slice %arg6[%add3A, %dma_wait3A_63] : memref<32x16xi32, #tpu.memory_space<hbm>> -> memref<1x16xi32, #tpu.memory_space<hbm>>
      %dma_wait3A_65 = tpu.memref_squeeze %dma_wait3A_64 : memref<1x16xi32, #tpu.memory_space<hbm>> -> memref<16xi32, #tpu.memory_space<hbm>>
      tpu.wait_dma2 semaphore(%run_scoped3A : memref<!tpu.dma_semaphore, #tpu.memory_space<semaphore_mem>>) src(%arg15 : memref<16xi32, #tpu.memory_space<vmem>>) dst(%dma_wait3A_65 : memref<16xi32, #tpu.memory_space<hbm>>)
      tpu.yield
    }) : () -> ()
    return
  }
}

module attributes {stable_mosaic.version = 14 : i64} {
  func.func @_tc_body(%arg0: i32, %arg1: memref<2048x256xf32, #tpu.memory_space<vmem>>, %arg2: memref<2048x4xf32, #tpu.memory_space<vmem>>, %arg3: memref<1x1x2048xi32, #tpu.memory_space<vmem>>, %arg4: memref<2048x4xf32, #tpu.memory_space<vmem>>, %arg5: memref<1x1x128xi32, #tpu.memory_space<vmem>>) attributes {dimension_semantics = [#tpu.dimension_semantics<arbitrary>], iteration_bounds = array<i64: 56>, scalar_prefetch = 0 : i64, scratch_operands = 0 : i64, tpu.core_type = #tpu.core_type<tc>, window_params = [{transform_indices = @transform_0, window_bounds = array<i64: 2048, 256>}, {transform_indices = @transform_1, window_bounds = array<i64: 2048, 4>}, {transform_indices = @transform_2, window_bounds = array<i64: 1, 1, 2048>}, {transform_indices = @transform_3, window_bounds = array<i64: 2048, 4>}, {transform_indices = @transform_4, window_bounds = array<i64: 1, 1, 128>}]} {
    %get3A = arith.constant 0 : index
    %get3A_0 = arith.constant 0 : index
    %get3A_1 = vector.load %arg1[%get3A, %get3A_0] : memref<2048x256xf32, #tpu.memory_space<vmem>>, vector<2048x128xf32>
    %get3A_2 = arith.constant 0 : index
    %get3A_3 = arith.constant 128 : index
    %get3A_4 = vector.load %arg1[%get3A_2, %get3A_3] : memref<2048x256xf32, #tpu.memory_space<vmem>>, vector<2048x128xf32>
    %gt3A = arith.cmpf ogt, %get3A_4, %get3A_1 : vector<2048x128xf32>
    %max3A = arith.maximumf %get3A_1, %get3A_4 : vector<2048x128xf32>
    %iota3A = tpu.iota {dimensions = array<i32: 1>} : vector<2048x128xi32>
    %add3A = arith.constant 128 : i32
    %add3A_5 = vector.broadcast %add3A : i32 to vector<2048x128xi32>
    %add3A_6 = arith.addi %iota3A, %add3A_5 : vector<2048x128xi32>
    %select_n3A = arith.select %gt3A, %add3A_6, %iota3A : vector<2048x128xi1>, vector<2048x128xi32>
    %reduce_max3A = arith.constant dense<0xFF800000> : vector<2048xf32>
    %reduce_max3A_7 = vector.multi_reduction <maximumf>, %max3A, %reduce_max3A [1] : vector<2048x128xf32> to vector<2048xf32>
    %broadcast_in_dim3A = vector.shape_cast %reduce_max3A_7 : vector<2048xf32> to vector<2048x1xf32>
    %ge3A = vector.broadcast %broadcast_in_dim3A : vector<2048x1xf32> to vector<2048x128xf32>
    %ge3A_8 = arith.cmpf oge, %max3A, %ge3A : vector<2048x128xf32>
    %jit3A = arith.constant 256 : i32
    %broadcast_in_dim3A_9 = vector.broadcast %jit3A : i32 to vector<2048x128xi32>
    %select_n3A_10 = arith.select %ge3A_8, %select_n3A, %broadcast_in_dim3A_9 : vector<2048x128xi1>, vector<2048x128xi32>
    %reduce_min3A = arith.constant dense<2147483647> : vector<2048xi32>
    %reduce_min3A_11 = vector.multi_reduction <minsi>, %select_n3A_10, %reduce_min3A [1] : vector<2048x128xi32> to vector<2048xi32>
    %squeeze3A = vector.shape_cast %broadcast_in_dim3A : vector<2048x1xf32> to vector<2048xf32>
    %gt3A_12 = arith.constant 0.000000e+00 : f32
    %gt3A_13 = vector.broadcast %gt3A_12 : f32 to vector<2048xf32>
    %gt3A_14 = arith.cmpf ogt, %squeeze3A, %gt3A_13 : vector<2048xf32>
    %jit3A_15 = arith.constant -1 : i32
    %broadcast_in_dim3A_16 = vector.broadcast %jit3A_15 : i32 to vector<2048xi32>
    %select_n3A_17 = arith.select %gt3A_14, %reduce_min3A_11, %broadcast_in_dim3A_16 : vector<2048xi1>, vector<2048xi32>
    %reshape3A = vector.shape_cast %select_n3A_17 : vector<2048xi32> to vector<1x1x2048xi32>
    %swap3A = arith.constant 0 : index
    %swap3A_18 = arith.constant 0 : index
    %swap3A_19 = arith.constant 0 : index
    %swap3A_20 = vector.load %arg3[%swap3A, %swap3A_18, %swap3A_19] : memref<1x1x2048xi32, #tpu.memory_space<vmem>>, vector<1x1x2048xi32>
    tpu.vector_store %arg3[%swap3A, %swap3A_18, %swap3A_19], %reshape3A {strides = array<i32>} : memref<1x1x2048xi32, #tpu.memory_space<vmem>>, vector<1x1x2048xi32>,
    %convert_element_type3A = arith.extui %gt3A_14 : vector<2048xi1> to vector<2048xi32>
    %reduce_sum3A = vector.shape_cast %convert_element_type3A : vector<2048xi32> to vector<1x2048xi32>
    %reduce_sum3A_21 = arith.constant dense<0> : vector<1xi32>
    %reduce_sum3A_22 = vector.multi_reduction <add>, %reduce_sum3A, %reduce_sum3A_21 [1] : vector<1x2048xi32> to vector<1xi32>
    %reduce_sum3A_23 = vector.shape_cast %reduce_sum3A_22 : vector<1xi32> to vector<1x1xi32>
    %reduce_sum3A_24 = vector.extract %reduce_sum3A_23[0, 0] : i32 from vector<1x1xi32>
    %broadcast_in_dim3A_25 = vector.broadcast %reduce_sum3A_24 : i32 to vector<1x1x128xi32>
    %swap3A_26 = arith.constant 0 : index
    %swap3A_27 = arith.constant 0 : index
    %swap3A_28 = arith.constant 0 : index
    %swap3A_29 = vector.load %arg5[%swap3A_26, %swap3A_27, %swap3A_28] : memref<1x1x128xi32, #tpu.memory_space<vmem>>, vector<1x1x128xi32>
    tpu.vector_store %arg5[%swap3A_26, %swap3A_27, %swap3A_28], %broadcast_in_dim3A_25 {strides = array<i32>} : memref<1x1x128xi32, #tpu.memory_space<vmem>>, vector<1x1x128xi32>,
    %broadcast_in_dim3A_30 = vector.shape_cast %gt3A_14 : vector<2048xi1> to vector<2048x1xi1>
    %get3A_31 = arith.constant 0 : index
    %get3A_32 = arith.constant 0 : index
    %get3A_33 = vector.load %arg2[%get3A_31, %get3A_32] : memref<2048x4xf32, #tpu.memory_space<vmem>>, vector<2048x4xf32>
    %jit3A_34 = arith.constant 0.000000e+00 : f32
    %broadcast_in_dim3A_35 = vector.shape_cast %broadcast_in_dim3A_30 : vector<2048x1xi1> to vector<2048x1xi1>
    %broadcast_in_dim3A_36 = vector.broadcast %broadcast_in_dim3A_35 : vector<2048x1xi1> to vector<2048x4xi1>
    %broadcast_in_dim3A_37 = vector.broadcast %jit3A_34 : f32 to vector<2048x4xf32>
    %select_n3A_38 = arith.select %broadcast_in_dim3A_36, %get3A_33, %broadcast_in_dim3A_37 : vector<2048x4xi1>, vector<2048x4xf32>
    %swap3A_39 = arith.constant 0 : index
    %swap3A_40 = arith.constant 0 : index
    %swap3A_41 = vector.load %arg4[%swap3A_39, %swap3A_40] : memref<2048x4xf32, #tpu.memory_space<vmem>>, vector<2048x4xf32>
    tpu.vector_store %arg4[%swap3A_39, %swap3A_40], %select_n3A_38 {strides = array<i32>} : memref<2048x4xf32, #tpu.memory_space<vmem>>, vector<2048x4xf32>,
    return
  }
  func.func @transform_0(%arg0: i32) -> (i32, i32) {
    %c0_i32 = arith.constant 0 : i32
    %c0_i32_0 = arith.constant 0 : i32
    return %arg0, %c0_i32 : i32, i32
  }
  func.func @transform_1(%arg0: i32) -> (i32, i32) {
    %c0_i32 = arith.constant 0 : i32
    %c0_i32_0 = arith.constant 0 : i32
    return %arg0, %c0_i32 : i32, i32
  }
  func.func @transform_2(%arg0: i32) -> (i32, i32, i32) {
    %c0_i32 = arith.constant 0 : i32
    %c0_i32_0 = arith.constant 0 : i32
    %c0_i32_1 = arith.constant 0 : i32
    return %arg0, %c0_i32, %c0_i32_0 : i32, i32, i32
  }
  func.func @transform_3(%arg0: i32) -> (i32, i32) {
    %c0_i32 = arith.constant 0 : i32
    %c0_i32_0 = arith.constant 0 : i32
    return %arg0, %c0_i32 : i32, i32
  }
  func.func @transform_4(%arg0: i32) -> (i32, i32, i32) {
    %c0_i32 = arith.constant 0 : i32
    %c0_i32_0 = arith.constant 0 : i32
    %c0_i32_1 = arith.constant 0 : i32
    return %arg0, %c0_i32, %c0_i32_0 : i32, i32, i32
  }
}

</mosaic_0001>

<sc_bundles>
// kernel: kernel.4.cloned.1.call-start
scs
__scs_entry_jumppad:
0x0: {  	(pc) =	sbr.rel $0x88, $3  }
0x1: {  	(tag) =	ssettag $0x0;
	lr =	simm.s32 $0x1  }
0x2: {  	[smem:$0x3F9F] =	sst lr;
	_ =	strace $0xD0000000  }
0x3: {  	_ = 	snop  }
0x4: {  	_ = 	snop  }
0x5: {  	_ = 	snop  }
0x6: {  	_ = 	snop  }
0x7: {  	_ = 	snop  }
__scs_overlays_trampoline_lowered:
0x8: {  	[smem:$0x3FAE] =	sst s0  }
0x9: {  	[smem:$0x3FAF] =	sst s1  }
0xa: {  	[smem:$0x3FB0] =	sst s2  }
0xb: {  	[smem:$0x3FB1] =	sst s3  }
0xc: {  	[smem:$0x3FB2] =	sst s4  }
0xd: {  	[smem:$0x3FB3] =	sst s5  }
0xe: {  	[smem:$0x3FB4] =	sst s6  }
0xf: {  	[smem:$0x3FB5] =	sst s7  }
0x10: {  	[smem:$0x3FB6] =	sst s8  }
0x11: {  	[smem:$0x3FB7] =	sst s9;
	s0 =	simm.s32 @!p0 $0x0  }
0x12: {  	s1 =	sld [smem:$0x3F9D];
	s0 =	simm.s32 @p0 $0x1  }
0x13: {  	[smem:$0x3FB8] =	sst s0;
	s0 =	simm.s32 @!p1 $0x0  }
0x14: {  	s2 =	sld [smem:$0x3F9C];
	s0 =	simm.s32 @p1 $0x1  }
0x15: {  	[smem:$0x3FB9] =	sst s0;
	s0 =	simm.s32 @!p2 $0x0  }
0x16: {  	s3 =	sld [smem:$0x3FDB];
	s0 =	simm.s32 @p2 $0x1  }
0x17: {  	s4 =	simm.s32 $0x1BF5;
	[smem:$0x3FBB] =	sst s0  }
0x18: {  	s0 =	sld [smem:$0x3F9E];
	_ =	swait.ge [sflag:s4], $0x0  }
0x19: {  	s7 =	sld [smem:$0x3F9F]  }
0x1a: {  	s8 =	sadd.s32 $0xFFFFE003, lr  }
0x1b: {  	s9 =	sadd.s32 $0xFFFFFEF7, lr;
	s5 =	simm.s32 $0xFFFFFFFF;
	p2 =	slt.u32 s8, $0xFFFFF086  }
0x1c: {  	p1 =	slt.u32 s9, $0xF7A;
	s5 =	simm.s32 @!p2 $0x0  }
0x1d: {  	s5 =	simm.s32 @p1 $0x1;
	p0 =	seq.s32 s7, s2  }
0x1e: {  	s7 =	smul.u32 @!p0 $0xF7A, s2;
	p2 =	seq.s32 @!p0 s5, $0x0  }
0x1f: {  	s9 =	smul.u32 $0xF7A, s1;
	s8 =	simm.s32 @!p0 $0x1BF5;
	p2 =	por !p2, p0  }
0x20: {  	[sflag:s8] =	ssyncset.s32 @!p0 $0xFFFFF086;
	s6 =	sadd.s32 @!p0 s3, s7;
	s7 =	simm.s32 @!p0 $0x108  }
0x21: {  	s3 =	sadd.s32 s3, s9;
	s6 =	sadd.s32 @!p0 $0x88, s6;
	s7 =	simm.s32 @p2 $0x1082  }
0x22: {  	[simem:s7], [sflag:s8] =	dma.local @!p0 [hbm:s6], $0xF7A  }
0x23: {  	s9 =	sor.u32 $0xD0000000, s2;
	s6 =	simm.s32 $0x108;
	_ =	swait.ge @!p0 [sflag:s8], $0x0  }
0x24: {  	s3 =	sadd.s32 $0x88, s3;
	s6 =	simm.s32 @!p1 $0x1082;
	[sflag:s4] =	ssyncset.s32 $0xFFFFF086  }
0x25: {  	[simem:s6], [sflag:s4] =	dma.local [hbm:s3], $0xF7A  }
0x26: {  	[smem:$0x3F9F] =	sst s1;
	(tag) =	ssettag s2;
	_ =	strace s9  }
0x27: {  	s1 =	sld [smem:$0x3FAF]  }
0x28: {  	s2 =	sld [smem:$0x3FB0]  }
0x29: {  	s4 =	sld [smem:$0x3FB2]  }
0x2a: {  	p0 =	seq.s32 s5, $0x0;
	s5 =	sld [smem:$0x3FB3]  }
0x2b: {  	s6 =	sld [smem:$0x3FB4]  }
0x2c: {  	s7 =	sld [smem:$0x3FB5]  }
0x2d: {  	s3 =	simm.s32 $0x108;
	s8 =	sld [smem:$0x3FB6]  }
0x2e: {  	s3 =	simm.s32 @!p0 $0x1082;
	s9 =	sld [smem:$0x3FB7]  }
0x2f: {  	lr =	sadd.s32 s0, s3;
	s0 =	sld [smem:$0x3FAE]  }
0x30: {  	s3 =	sld [smem:$0x3FB1]  }
0x31: {  	[smem:$0x3FBA] =	sst s10  }
0x32: {  	s10 =	sld [smem:$0x3FB8];
	_ =	sdelay $0x3  }
0x33: {  	p0 =	seq.s32 s10, $0x1;
	s10 =	sld [smem:$0x3FBA];
	_ =	sdelay $0x3  }
0x34: {  	[smem:$0x3FBA] =	sst s10  }
0x35: {  	s10 =	sld [smem:$0x3FB9];
	_ =	sdelay $0x3  }
0x36: {  	p1 =	seq.s32 s10, $0x1;
	s10 =	sld [smem:$0x3FBA];
	_ =	sdelay $0x3  }
0x37: {  	[smem:$0x3FBA] =	sst s10  }
0x38: {  	s10 =	sld [smem:$0x3FBB]  }
0x39: {  	_ = 	snop;
	(pc) =	sbr.ind lr, $3  }
0x3a: {  	_ = 	snop  }
0x3b: {  	_ = 	snop  }
0x3c: {  	p2 =	seq.s32 s10, $0x1;
	s10 =	sld [smem:$0x3FBA]  }
0x3d: {  	_ =	shalt  }
0x3e: {  	_ =	shalt  }
0x3f: {  	_ =	shalt  }
0x40: {  	_ =	shalt  }
0x41: {  	_ =	shalt  }
0x42: {  	_ =	shalt  }
0x43: {  	_ =	shalt  }
0x44: {  	_ =	shalt  }
0x45: {  	_ =	shalt  }
0x46: {  	_ =	shalt  }
0x47: {  	_ =	shalt  }
0x48: {  	_ =	shalt  }
0x49: {  	_ =	shalt  }
0x4a: {  	_ =	shalt  }
0x4b: {  	_ =	shalt  }
0x4c: {  	_ =	shalt  }
0x4d: {  	_ =	shalt  }
0x4e: {  	_ =	shalt  }
0x4f: {  	_ =	shalt  }
0x50: {  	_ =	shalt  }
0x51: {  	_ =	shalt  }
0x52: {  	_ =	shalt  }
0x53: {  	_ =	shalt  }
0x54: {  	_ =	shalt  }
0x55: {  	_ =	shalt  }
0x56: {  	_ =	shalt  }
0x57: {  	_ =	shalt  }
0x58: {  	_ =	shalt  }
0x59: {  	_ =	shalt  }
0x5a: {  	_ =	shalt  }
0x5b: {  	_ =	shalt  }
0x5c: {  	_ =	shalt  }
0x5d: {  	_ =	shalt  }
0x5e: {  	_ =	shalt  }
0x5f: {  	_ =	shalt  }
0x60: {  	_ =	shalt  }
0x61: {  	_ =	shalt  }
0x62: {  	_ =	shalt  }
0x63: {  	_ =	shalt  }
0x64: {  	_ =	shalt  }
0x65: {  	_ =	shalt  }
0x66: {  	_ =	shalt  }
0x67: {  	_ =	shalt  }
0x68: {  	_ =	shalt  }
0x69: {  	_ =	shalt  }
0x6a: {  	_ =	shalt  }
0x6b: {  	_ =	shalt  }
0x6c: {  	_ =	shalt  }
0x6d: {  	_ =	shalt  }
0x6e: {  	_ =	shalt  }
0x6f: {  	_ =	shalt  }
0x70: {  	_ =	shalt  }
0x71: {  	_ =	shalt  }
0x72: {  	_ =	shalt  }
0x73: {  	_ =	shalt  }
0x74: {  	_ =	shalt  }
0x75: {  	_ =	shalt  }
0x76: {  	_ =	shalt  }
0x77: {  	_ =	shalt  }
0x78: {  	_ =	shalt  }
0x79: {  	_ =	shalt  }
0x7a: {  	_ =	shalt  }
0x7b: {  	_ =	shalt  }
0x7c: {  	_ =	shalt  }
0x7d: {  	_ =	shalt  }
0x7e: {  	_ =	shalt  }
0x7f: {  	_ =	shalt  }
0x80: {  	_ =	shalt  }
0x81: {  	_ =	shalt  }
0x82: {  	_ =	shalt  }
0x83: {  	_ =	shalt  }
0x84: {  	_ =	shalt  }
0x85: {  	_ =	shalt  }
0x86: {  	_ =	shalt  }
0x87: {  	_ =	shalt  }
.Lfunc_end0:
.L_simem_size_0:
called_computation_lowered:
.L_overlay_start_0:
0x88: {  	s2 =	sld [smem:$0x3FD9]  }
0x89: {  	s3 =	sld [smem:$0x3FFE];
	_ =	sdelay $0x1  }
0x8a: {  	s1 =	srdreg.scid  }
0x8b: {  	s0 =	sand.u32 $0x1, s1  }
0x8c: {  	s14 =	sshll.u32 s0, $0xA;
	s2 =	sadd.s32 s3, s2  }
0x8d: {  	s2 =	sadd.s32 s2, s14  }
0x8e: {  	[smem:$0x3FC6] =	sst s2  }
0x8f: {  	_ = 	snop  }
0x90: {  	s2 =	sld [smem:$0x3FD0];
	_ =	sdelay $0x2  }
0x91: {  	s15 =	simm.s32 $0xA;
	s4 =	simm.s32 $0x10  }
0x92: {  	[smem:s4], [sflag:s15] =	dma.local [hbm:s2], $0x1  }
0x93: {  	_ =	swait.eq [sflag:s15], $0x1  }
0x94: {  	[sflag:s15] =	ssyncset.done $0x0  }
0x95: {  	s16 =	sld [smem:$0x10];
	[sflag:s15] =	ssyncadd.s32 $0xFFFFFFFF  }
0x96: {  	s17 =	sld [smem:$0x11];
	(tm) =	ssettm $0x1  }
0x97: {  	s18 =	sld [smem:$0x3FFB];
	_ =	sdelay $0x3  }
0x98: {  	_ =	strace s18  }
0x99: {  	s4 =	sld [smem:$0x3FFC];
	_ =	sdelay $0x3  }
0x9a: {  	_ =	strace s4  }
0x9b: {  	s4 =	sld [smem:$0x3FFD];
	_ =	sdelay $0x3  }
0x9c: {  	_ =	strace s4  }
0x9d: {  	_ =	strace $0x8FFFFFFF  }
0x9e: {  	s19 =	sld [smem:$0x3FDB];
	_ =	sdelay $0x1  }
0x9f: {  	s5 =	simm.s32 $_scs_section_size  }
0xa0: {  	s6 =	simm.s32 $_size__tile_overlayer_lowered;
	s7 =	simm.s32 $_tile_overlayer_lowered  }
0xa1: {  	s22 =	simm.s32 $0x1BFF;
	s21 =	sshll.u32 s7, $0x1;
	s4 =	sadd.s32 s5, s19  }
0xa2: {  	s8 =	simm.s32 $0x0;
	s20 =	sshll.u32 s6, $0x1;
	s6 =	sadd.s32 s21, s4  }
0xa3: {  	[timem:s8], [sflag:s22] =	dma.local [hbm:s6], s20  }
0xa4: {  	_ =	swait.ge [sflag:s22], s20  }
0xa5: {  	s5 =	ssub.s32 $0x0, s20;
	[sflag:s22] =	ssyncset.done $0x0  }
0xa6: {  	[sflag:s22] =	ssyncadd.s32 s5;
	_ =	sdelay $0x1  }
0xa7: {  	s23 =	simm.s32 $0x1B8B  }
0xa8: {  	_ =	swait.ge [sflag:s23], $0x1  }
0xa9: {  	[sflag:s23] =	ssyncset.done $0x0  }
0xaa: {  	s25 =	simm.s32 $0x1B8E;
	s24 =	sld [smem:$0x3FFE];
	[sflag:s23] =	ssyncadd.s32 $0xFFFFFFFF  }
0xab: {  	s26 =	simm.s32 $execute0_lowered;
	[smem:$0x3FD2] =	sst s25  }
0xac: {  	s6 =	sshll.u32 s26, $0x1;
	_ =	strace $0x80000046;
	[dreg:$0x1] =	wrdreg $0xFFFFFFFF  }
0xad: {  	s28 =	simm.s32 $_size_execute0_lowered;
	s4 =	sadd.s32 s4, s6;
	[dreg:$0x0] =	wrdreg $0x0  }
0xae: {  	s6 =	sshll.u32 s28, $0x1;
	[dreg:$0x2] =	wrdreg s4  }
0xaf: {  	[dreg:$0x3] =	wrdreg s6  }
0xb0: {  	[dreg:$0x4] =	wrdreg $0xC0  }
0xb1: {  	_ =	task [dreg:s8], $0x5FFFF  }
0xb2: {  	[dreg:$0x1] =	wrdreg $0xFFFFFFFF  }
0xb3: {  	[dreg:$0x0] =	wrdreg $0x60  }
0xb4: {  	[dreg:$0x2] =	wrdreg s24  }
0xb5: {  	[dreg:$0x3] =	wrdreg s16  }
0xb6: {  	[dreg:$0x4] =	wrdreg s17  }
0xb7: {  	[dreg:$0x5] =	wrdreg $0x9  }
0xb8: {  	_ =	task.clear_ibuf [dreg:s8], $0x6FFFF;
	_ =	strace $0x90000046  }
0xb9: {  	s29 =	simm.s32 $0x9;
	_ =	strace $0x80000048  }
0xba: {  	_ =	swait.ge [sflag:s29], $0x1  }
0xbb: {  	[sflag:s29] =	ssyncadd.s32 $0xFFFFFFFF  }
0xbc: {  	_ =	strace $0x90000048  }
0xbd: {  	_ =	sfence  }
0xbe: {  	s30 =	sld [smem:$0x0];
	_ =	sdelay $0x2  }
0xbf: {  	s31 =	sshll.u32 s1, $0xD;
	s1 =	sshrl.u32 s1, $0x2  }
0xc0: {  	s3 =	sand.u32 $0x4000, s31;
	s1 =	sadd.s32 s1, s30  }
0xc1: {  	s0 =	sor.u32 s3, s0;
	s1 =	sshll.u32 s1, $0x11  }
0xc2: {  	s0 =	sor.u32 s1, s0  }
0xc3: {  	s0 =	sadd.s32 $0x8F2B, s0  }
0xc4: {  	[sflag:s0] =	ssyncadd.remote.s32 $0x1  }
0xc5: {  	_ =	sfence.sel $0xFFFF  }
0xc6: {  	[dreg:$0x0] =	wrdreg $0xFFFFFFFF;
	(pc) =	sbr.abs _section_cstart, $3  }
0xc7: {  	[dreg:$0x1] =	wrdreg $0xFFFFFFFF  }
0xc8: {  	_ =	task.clear_ibuf [dreg:s8], $0x2FFFF;
	_ =	strace $0x9FFFFFFF  }
0xc9: {  	(tm) =	ssettm $0x7FFFFFFF  }
tec
execute0_lowered:
.L_overlay_start_1:
0x0: {  	(tag) =	ssettag $0x1  }
0x1: {  	s0 =	rddreg [dreg:$0x0]  }
0x2: {  	s13 =	rddreg [dreg:$0x1]  }
0x3: {  	s2 =	rddreg [dreg:$0x2];
	s3 =	simm.s32 $0x0  }
0x4: {  	s4 =	srdreg.scid;
	s1 =	stileid.u32;
	s17 =	simm.s32 $0x8000  }
0x5: {  	s18 =	simm.s32 $0x10200;
	s19 =	simm.s32 $0x1;
	s20 =	simm.s32 $0x10400  }
0x6: {  	s21 =	simm.s32 $0x10500;
	s22 =	simm.s32 $0x2;
	s28 =	simm.s32 $0x10900  }
0x7: {  	s29 =	simm.s32 $0x5;
	s30 =	simm.s32 $0x0;
	[smem:$0x7FF] =	sst s3  }
0x8: {  	s4 =	sand.u32 $0x1, s4;
	s5 =	sshll.u32 s1, $0x1;
	s12 =	sadd.s32 $0xE00, s0  }
0x9: {  	_ =	strace $0x80000047;
	s6 =	sor.u32 s4, s5;
	s23 =	ssub.s32 $0x2, s4  }
0xa: {  	v0 =	vlaneseq.u32;
	s4 =	sadd.s32 $0x80E00, s0;
	s7 =	sshll.u32 s6, $0x4;
	s8 =	sshrl.u32 s23, $0x1  }
0xb: {  	v0 =	vmul.u32 $0x100, v0;
	s5 =	sshll.u32 s6, $0x9;
	s24 =	sshll.u32 s6, $0xE;
	s25 =	sshll.u32 s6, $0x8  }
0xc: {  	s0 =	sadd.s32 s7, s0;
	s15 =	ssub.s32 s23, s8;
	s6 =	sadd.s32 s12, s24  }
0xd: {  	v1 =	vor.u32 $0x1000, v0;
	[tilespmem:$0x1FFE0] =	vst v0;
	s7 =	sadd.s32 s13, s25;
	s26 =	sor.u32 $0x80, s5;
	s11 =	sor.u32 $0x100, s5  }
0xe: {  	v59 =	vor.u32 $0x2000, v0;
	s14 =	sor.u32 $0x180, s5;
	[tilespmem:$0x1FF80] =	vst v1;
	s23 =	simm.s32 $0x10480;
	s24 =	simm.s32 $0x10700  }
0xf: {  	v60 =	vor.u32 $0x3000, v0;
	[tilespmem:$0x1FF90] =	vst v59;
	s25 =	simm.s32 $0x3;
	s9 =	sshll.u32 s26, $0x5;
	s10 =	sshrl.u32 s26, $0x1  }
.Ltmp0:
0x10: {  	v61 =	vor.u32 $0x4000, v0;
	[tilespmem:$0x1FFA0] =	vst v60;
	s31 =	sshll.u32 s11, $0x5;
	s11 =	sshrl.u32 s11, $0x1;
	(pc) =	sbr.rel .LBB2_1-.Ltmp0, $4  }
0x11: {  	v62 =	vor.u32 $0x5000, v0;
	[tilespmem:$0x1FFB0] =	vst v61;
	s16 =	sshll.u32 s14, $0x5;
	s14 =	sshrl.u32 s14, $0x1;
	s15 =	smax.u32 s15, $0x1  }
0x12: {  	v63 =	vor.u32 $0x6000, v0;
	[tilespmem:$0x1FFC0] =	vst v62;
	s26 =	simm.s32 $0x4;
	s8 =	sadd.s32 s12, s9;
	s9 =	sadd.s32 s13, s10  }
0x13: {  	v0 =	vor.u32 $0x7000, v0;
	[tilespmem:$0x1FFD0] =	vst v63;
	s10 =	sadd.s32 s12, s31;
	s11 =	sadd.s32 s13, s11;
	s12 =	sadd.s32 s12, s16  }
0x14: {  	[tilespmem:$0x1FFF0] =	vst v0;
	s13 =	sadd.s32 s13, s14;
	s14 =	sadd.s32 $0x81600, s0;
	s16 =	simm.s32 $0x10000  }
.LBB2_8:
0x15: {  	_ =	swait.ge [sflag:s25], $0x80  }
0x16: {  	[sflag:s25] =	ssyncset.done $0x0  }
0x17: {  	[sflag:s25] =	ssyncadd.s32 $0xFFFFFF80  }
0x18: {  	_ =	swait.ge [sflag:s25], $0x200  }
0x19: {  	[sflag:s25] =	ssyncset.done $0x0  }
0x1a: {  	[sflag:s25] =	ssyncadd.s32 $0xFFFFFE00  }
0x1b: {  	_ =	swait.ge [sflag:s26], $0x80  }
0x1c: {  	[sflag:s26] =	ssyncset.done $0x0  }
0x1d: {  	[sflag:s26] =	ssyncadd.s32 $0xFFFFFF80  }
0x1e: {  	_ =	swait.ge [sflag:s26], $0x200  }
0x1f: {  	s30 =	sadd.s32 $0x1, s30;
	[sflag:s26] =	ssyncset.done $0x0  }
0x20: {  	p0 =	sne.s32 s30, s15;
	[sflag:s26] =	ssyncadd.s32 $0xFFFFFE00  }
.Ltmp1:
0x21: {  	[tilespmem:$0x10900] =	vst v0;
	(pc) =	sbr.rel @!p0 .LBB2_9-.Ltmp1, $4  }
0x22: {  	[hbm4b:s14+s3] =	stream.linear.scatter [tilespmem:s28], [sflag:$0x5], $0x80, $0x38;
	[tilespmem:$0x10980] =	vst v63  }
0x23: {  	_ =	swait.ge [sflag:s29], $0x80  }
0x24: {  	[sflag:s29] =	ssyncset.done $0x0  }
0x25: {  	[sflag:s29] =	ssyncadd.s32 $0xFFFFFF80  }
.LBB2_1:
0x26: {  	[tilespmem:s3], [sflag:$0x1] =	stream.linear.gather [hbm4b:s6+s3], $0x8000, $0x38;
	[tilespmem:$0x10980] =	vst v63  }
0x27: {  	p0 =	por $0x1, $0x1  }
0x28: {  	v0 =	vimm.s32 $0x0;
	[tilespmem:s16], [sflag:$0x1] =	stream.linear.gather [hbm4b:s7+s3], $0x200, $0x38;
	[tilespmem:$0x10980] =	vst v63  }
0x29: {  	p1 =	por $0x0, $0x0;
	s0 =	smov.u32 s9;
	s31 =	simm.s32 $0x0;
	[tilespmem:$0x1FF70] =	vst v0  }
0x2a: {  	[tilespmem:s17], [sflag:$0x2] =	stream.linear.gather [hbm4b:s8+s3], $0x8000, $0x38;
	[tilespmem:$0x10980] =	vst v63  }
.LBB2_2:
0x2b: {  	[tilespmem:s18], [sflag:$0x2] =	stream.linear.gather [hbm4b:s0+s3], $0x200, $0x38;
	[tilespmem:$0x10980] =	vst v63  }
0x2c: {  	_ =	swait.ge [sflag:s19], $0x8000  }
0x2d: {  	[sflag:s19] =	ssyncset.done $0x0  }
0x2e: {  	[sflag:s19] =	ssyncadd.s32 $0xFFFF8000  }
0x2f: {  	_ =	swait.ge [sflag:s19], $0x200  }
0x30: {  	[sflag:s19] =	ssyncset.done $0x0  }
0x31: {  	s0 =	simm.s32 @p1 $0x3;
	[sflag:s19] =	ssyncadd.s32 $0xFFFFFE00  }
0x32: {  	_ =	swait.ge @p1 [sflag:s0], $0x80  }
0x33: {  	[sflag:s0] =	ssyncset.done @p1 $0x0  }
0x34: {  	[sflag:s0] =	ssyncadd.s32 @p1 $0xFFFFFF80  }
0x35: {  	_ =	swait.ge @p1 [sflag:s0], $0x200  }
0x36: {  	v1 =	vld [tilespmem:$0x1FFE0]  }
0x37: {  	v13 =	vld [tilespmem:$0x1FFD0]  }
0x38: {  	v9 =	vld [tilespmem:$0x1FFC0]  }
0x39: {  	v6 =	vld [tilespmem:$0x1FFA0]  }
0x3a: {  	v15 =	vld [tilespmem:$0x1FFF0]  }
0x3b: {  	v4 =	vld [tilespmem:$0x1FF90]  }
0x3c: {  	[sflag:s0] =	ssyncset.done @p1 $0x0;
	v3 =	vld [tilespmem:$0x1FF80]  }
0x3d: {  	v7 =	vld [tilespmem:$0x1FFB0];
	[sflag:s0] =	ssyncadd.s32 @p1 $0xFFFFFE00  }
0x3e: {  	v0 =	vld.idx.msk [tilespmem:v1+s3+$0x0], $0xffff  }
0x3f: {  	v26 =	vimm.f32 $-Inf;
	v11 =	vor.u32 $0x3, v1;
	v5 =	vld.idx.msk [tilespmem:v13+s3+$0x0], $0xffff  }
0x40: {  	v10 =	vor.u32 $0x2, v4;
	v16 =	vadd.s32 $0x4, v13;
	v35 =	vor.u32 $0x3, v6;
	v8 =	vld.idx.msk [tilespmem:v9+s3+$0x0], $0xffff  }
0x41: {  	v17 =	vadd.s32 $0x4, v9;
	v18 =	vor.u32 $0x2, v3;
	v55 =	vor.u32 $0x1, v9;
	v12 =	vld.idx.msk [tilespmem:v6+s3+$0x0], $0xffff  }
0x42: {  	v48 =	vor.u32 $0x1, v13;
	v30 =	vor.u32 $0x1, v15;
	v36 =	vor.u32 $0x1, v6;
	v19 =	vld.idx.msk [tilespmem:v15+s3+$0x0], $0xffff  }
0x43: {  	v32 =	vor.u32 $0x1, v7;
	v59 =	vor.u32 $0x1, v1;
	v25 =	vor.u32 $0x1, v3;
	v24 =	vld.idx.msk [tilespmem:v4+s3+$0x0], $0xffff  }
0x44: {  	v29 =	vor.u32 $0x1, v4;
	v20 =	vadd.s32 $0x4, v4;
	v21 =	vadd.s32 $0x4, v6;
	[tilespmem:$0x1FF30] =	vst v48;
	v2 =	vld.idx.msk [tilespmem:v3+s3+$0x0], $0xffff  }
0x45: {  	v33 =	vor.u32 $0x2, v15;
	v56 =	vor.u32 $0x2, v1;
	v23 =	vadd.s32 $0x4, v3;
	[tilespmem:$0x1FF40] =	vst v55;
	v28 =	vld.idx.msk [tilespmem:v7+s3+$0x0], $0xffff  }
0x46: {  	v42 =	vor.u32 $0x2, v13;
	v27 =	vor.u32 $0x2, v6;
	v37 =	vor.u32 $0x2, v9;
	[tilespmem:$0x1FF50] =	vst v36;
	v22 =	vld.idx.msk [tilespmem:v10+s3+$0x0], $0xffff  }
0x47: {  	v47 =	vor.u32 $0x3, v13;
	v52 =	vor.u32 $0x3, v15;
	v58 =	vor.u32 $0x3, v4;
	[tilespmem:$0x1FF60] =	vst v35;
	v34 =	vld.idx.msk [tilespmem:v48+s3+$0x0], $0xffff  }
0x48: {  	v40 =	vld.idx.msk [tilespmem:v30+s3+$0x0], $0xffff;
	vm1 =	vgt.f32 v8, v26;
	vm5 =	vgt.f32 v0, v26;
	vm2 =	vgt.f32 v5, v26  }
0x49: {  	v43 =	vld.idx.msk [tilespmem:v55+s3+$0x0], $0xffff;
	vm4 =	vgt.f32 v19, v26;
	vm0 =	vgt.f32 v24, v26;
	vm3 =	vgt.f32 v12, v26  }
0x4a: {  	v53 =	vld.idx.msk [tilespmem:v33+s3+$0x0], $0xffff;
	vm6 =	vgt.f32 v2, v26;
	vm7 =	vgt.f32 v28, v26;
	v46 =	vsel vm5, v0, v26  }
0x4b: {  	v62 =	vld.idx.msk [tilespmem:v56+s3+$0x0], $0xffff;
	v14 =	vsel vm5, v1, v1;
	v38 =	vsel vm7, v7, v7;
	v41 =	vsel vm4, v15, v15  }
0x4c: {  	v61 =	vld.idx.msk [tilespmem:v29+s3+$0x0], $0xffff;
	v2 =	vsel vm6, v2, v26;
	v31 =	vsel vm6, v3, v3;
	v19 =	vsel vm4, v19, v26  }
0x4d: {  	v50 =	vld.idx.msk [tilespmem:v42+s3+$0x0], $0xffff;
	v45 =	vsel vm0, v4, v4;
	v5 =	vsel vm2, v5, v26;
	v44 =	vsel vm2, v13, v13  }
0x4e: {  	v51 =	vld.idx.msk [tilespmem:v47+s3+$0x0], $0xffff;
	v57 =	vsel vm3, v12, v26;
	v60 =	vsel vm3, v6, v6;
	v39 =	vsel vm7, v28, v26  }
0x4f: {  	v28 =	vld.idx.msk [tilespmem:v36+s3+$0x0], $0xffff;
	v8 =	vsel vm1, v8, v26;
	v54 =	vsel vm1, v9, v9;
	v63 =	vsel vm0, v24, v26  }
0x50: {  	v12 =	vld.idx.msk [tilespmem:v59+s3+$0x0], $0xffff;
	vm11 =	vgt.f32 v34, v5;
	vm12 =	vgt.f32 v40, v19;
	vm13 =	vgt.f32 v43, v8  }
0x51: {  	v24 =	vld.idx.msk [tilespmem:v37+s3+$0x0], $0xffff;
	v49 =	vsel vm11, v34, v5;
	v48 =	vsel vm11, v48, v44;
	v5 =	vsel vm12, v40, v19  }
0x52: {  	v30 =	vsel vm12, v30, v41;
	v44 =	vsel vm13, v43, v8;
	v19 =	vsel vm13, v55, v54;
	v41 =	vmovc v11  }
0x53: {  	v0 =	vadd.s32 $0x4, v7;
	v43 =	vor.u32 $0x3, v9;
	v55 =	vld.idx.msk [tilespmem:v52+s3+$0x0], $0xffff;
	v40 =	vmovc v15;
	vm14 =	vgt.f32 v53, v5;
	v8 =	vmovc v7  }
0x54: {  	v53 =	vsel vm14, v53, v5;
	v54 =	vsel vm14, v33, v30;
	v33 =	vmovc v35;
	vm15 =	vgt.f32 v28, v57  }
0x55: {  	s0 =	simm.s32 $0x3F;
	v30 =	vadd.s32 $0x4, v1;
	v5 =	vmovc v3;
	v34 =	vsel vm15, v28, v57;
	v26 =	vsel vm15, v36, v60;
	v28 =	vmovc v10  }
.LBB2_3:
0x56: {  	p2 =	sne.s32 s0, $0x1;
	s0 =	sadd.s32 $0xFFFFFFFF, s0;
	vm1 =	vgt.f32 v61, v63;
	vm0 =	vgt.f32 v50, v49;
	v40 =	vadd.s32 $0x4, v40;
	v60 =	vmovc v16;
	v57 =	vmovc v17  }
0x57: {  	vm2 =	vgt.f32 v12, v46;
	v13 =	vld.idx.msk [tilespmem:v41+s3+$0x0], $0xffff;
	v61 =	vsel vm1, v61, v63;
	v49 =	vsel vm0, v50, v49  }
0x58: {  	v14 =	vsel vm2, v59, v14;
	v42 =	vsel vm0, v42, v48;
	v59 =	vld.idx.msk [tilespmem:v58+s3+$0x0], $0xffff;
	vm3 =	vgt.f32 v51, v49  }
0x59: {  	v12 =	vsel vm2, v12, v46;
	vm2 =	vgt.f32 v24, v44;
	v46 =	vld.idx.msk [tilespmem:v33+s3+$0x0], $0xffff;
	v48 =	vsel vm3, v51, v49  }
0x5a: {  	vm0 =	vgt.f32 v62, v12;
	v49 =	vsel vm3, v47, v42;
	vm3 =	vgt.f32 v55, v53;
	v63 =	vld.idx.msk [tilespmem:v43+s3+$0x0], $0xffff  }
0x5b: {  	v42 =	vor.u32 $0x3, v30;
	v51 =	vsel vm3, v55, v53;
	v54 =	vsel vm3, v52, v54;
	v53 =	vmovc v20;
	v47 =	vld.idx.msk [tilespmem:v32+s3+$0x0], $0xffff  }
0x5c: {  	v29 =	vsel vm1, v29, v45;
	v50 =	vmovc v21;
	vm1 =	vgt.f32 v22, v61;
	v52 =	vor.u32 $0x2, v20;
	v55 =	vld.idx.msk [tilespmem:v25+s3+$0x0], $0xffff  }
0x5d: {  	v22 =	vsel vm1, v22, v61;
	v29 =	vsel vm1, v28, v29;
	v24 =	vsel vm2, v24, v44;
	v45 =	vld.idx.msk [tilespmem:v18+s3+$0x0], $0xffff  }
0x5e: {  	v61 =	vor.u32 $0x2, v8;
	v37 =	vsel vm2, v37, v19;
	v28 =	vmovc v52;
	vm1 =	vgt.f32 v59, v22;
	v44 =	vld.idx.msk [tilespmem:v27+s3+$0x0], $0xffff  }
0x5f: {  	v12 =	vsel vm0, v62, v12;
	v19 =	vsel vm1, v59, v22;
	v58 =	vsel vm1, v58, v29;
	v52 =	vld.idx.msk [tilespmem:v30+s3+$0x0], $0xffff  }
0x60: {  	v14 =	vsel vm0, v56, v14;
	v29 =	vor.u32 $0x3, v5;
	v5 =	vmovc v23;
	v15 =	vld.idx.msk [tilespmem:v16+s3+$0x0], $0xffff;
	v16 =	vadd.s32 $0x4, v16  }
0x61: {  	v56 =	vor.u32 $0x3, v8;
	v8 =	vmov v0;
	vm0 =	vgt.f32 v13, v12;
	v4 =	vld.idx.msk [tilespmem:v17+s3+$0x0], $0xffff  }
0x62: {  	v59 =	vor.u32 $0x3, v21;
	vm1 =	vgt.f32 v47, v39;
	vm2 =	vgt.f32 v55, v2;
	v35 =	vld.idx.msk [tilespmem:v21+s3+$0x0], $0xffff  }
0x63: {  	v12 =	vsel vm0, v13, v12;
	v13 =	vsel vm0, v41, v14;
	v14 =	vsel vm2, v25, v31;
	v25 =	vld.idx.msk [tilespmem:v61+s3+$0x0], $0xffff  }
0x64: {  	v2 =	vsel vm2, v55, v2;
	vm2 =	vgt.f32 v63, v24;
	vm0 =	vgt.f32 v44, v34;
	v62 =	vld.idx.msk [tilespmem:v40+s3+$0x0], $0xffff  }
0x65: {  	v32 =	vsel vm1, v32, v38;
	v43 =	vsel vm2, v43, v37;
	v34 =	vsel vm0, v44, v34;
	v31 =	vld.idx.msk [tilespmem:v29+s3+$0x0], $0xffff  }
0x66: {  	vm3 =	vgt.f32 v45, v2;
	v24 =	vsel vm2, v63, v24;
	v26 =	vsel vm0, v27, v26;
	v22 =	vld.idx.msk [tilespmem:v28+s3+$0x0], $0xffff  }
0x67: {  	v41 =	vmovc v42;
	v17 =	vadd.s32 $0x4, v17;
	vm2 =	vgt.f32 v46, v34;
	vm0 =	vgt.f32 v4, v24;
	v44 =	vld.idx.msk [tilespmem:v20+s3+$0x0], $0xffff  }
0x68: {  	v2 =	vsel vm3, v45, v2;
	v34 =	vsel vm2, v46, v34;
	v26 =	vsel vm2, v33, v26;
	v27 =	vld.idx.msk [tilespmem:v56+s3+$0x0], $0xffff  }
0x69: {  	v37 =	vsel vm1, v47, v39;
	v14 =	vsel vm3, v18, v14;
	vm2 =	vgt.f32 v15, v48;
	v33 =	vmovc v59  }
0x6a: {  	vm5 =	vgt.f32 v52, v12;
	vm6 =	vgt.f32 v25, v37;
	vm3 =	vgt.f32 v62, v51  }
0x6b: {  	v18 =	vor.u32 $0x2, v23;
	v46 =	vsel vm5, v52, v12;
	vm1 =	vgt.f32 v31, v2  }
0x6c: {  	v2 =	vsel vm1, v31, v2;
	v12 =	vsel vm1, v29, v14;
	v14 =	vsel vm6, v25, v37  }
0x6d: {  	vm4 =	vgt.f32 v35, v34;
	v25 =	vsel vm6, v61, v32;
	vm1 =	vgt.f32 v44, v19  }
0x6e: {  	v0 =	vadd.s32 $0x4, v0;
	v55 =	vor.u32 $0x1, v57;
	vm6 =	vgt.f32 v27, v14;
	v31 =	vld.idx.msk [tilespmem:v23+s3+$0x0], $0xffff  }
0x6f: {  	v3 =	vor.u32 $0x1, v40;
	v63 =	vor.u32 $0x1, v60;
	v61 =	vsel vm6, v27, v14;
	v39 =	vld.idx.msk [tilespmem:v8+s3+$0x0], $0xffff  }
0x70: {  	v6 =	vor.u32 $0x1, v21;
	v32 =	vor.u32 $0x1, v8;
	v38 =	vsel vm6, v56, v25  }
0x71: {  	v59 =	vor.u32 $0x1, v30;
	v29 =	vor.u32 $0x1, v20;
	v25 =	vor.u32 $0x1, v23  }
0x72: {  	v7 =	vor.u32 $0x2, v40;
	v21 =	vadd.s32 $0x4, v21;
	v20 =	vadd.s32 $0x4, v20  }
0x73: {  	v42 =	vor.u32 $0x2, v60;
	v56 =	vor.u32 $0x2, v30;
	v23 =	vadd.s32 $0x4, v23  }
0x74: {  	v47 =	vor.u32 $0x3, v60;
	v37 =	vor.u32 $0x2, v57;
	v27 =	vor.u32 $0x2, v50;
	v1 =	vld.idx.msk [tilespmem:v63+s3+$0x0], $0xffff  }
0x75: {  	v52 =	vor.u32 $0x3, v40;
	vm6 =	vgt.f32 v31, v2;
	vm7 =	vgt.f32 v39, v61;
	v36 =	vld.idx.msk [tilespmem:v3+s3+$0x0], $0xffff  }
0x76: {  	v54 =	vsel vm3, v40, v54;
	v14 =	vsel vm5, v30, v13;
	v38 =	vsel vm7, v8, v38;
	v13 =	vld.idx.msk [tilespmem:v55+s3+$0x0], $0xffff  }
0x77: {  	v51 =	vsel vm3, v62, v51;
	v2 =	vsel vm6, v31, v2;
	v31 =	vsel vm6, v5, v12;
	v9 =	vld.idx.msk [tilespmem:v7+s3+$0x0], $0xffff  }
0x78: {  	v45 =	vsel vm1, v53, v58;
	v12 =	vsel vm2, v15, v48;
	v15 =	vsel vm2, v60, v49;
	v62 =	vld.idx.msk [tilespmem:v56+s3+$0x0], $0xffff  }
0x79: {  	v34 =	vsel vm4, v35, v34;
	v26 =	vsel vm4, v50, v26;
	v39 =	vsel vm7, v39, v61;
	v35 =	vld.idx.msk [tilespmem:v6+s3+$0x0], $0xffff  }
0x7a: {  	v4 =	vsel vm0, v4, v24;
	v24 =	vsel vm0, v57, v43;
	vm0 =	vgt.f32 v1, v12;
	v61 =	vld.idx.msk [tilespmem:v29+s3+$0x0], $0xffff  }
0x7b: {  	v49 =	vsel vm0, v1, v12;
	v48 =	vsel vm0, v63, v15;
	vm0 =	vgt.f32 v36, v51;
	v50 =	vld.idx.msk [tilespmem:v42+s3+$0x0], $0xffff  }
.Ltmp2:
0x7c: {  	vm2 =	vgt.f32 v13, v4;
	v1 =	vsel vm0, v36, v51;
	v3 =	vsel vm0, v3, v54;
	v12 =	vld.idx.msk [tilespmem:v59+s3+$0x0], $0xffff;
	(pc) =	sbr.rel @p2 .LBB2_3-.Ltmp2, $4  }
0x7d: {  	v63 =	vsel vm1, v44, v19;
	v44 =	vsel vm2, v13, v4;
	vm0 =	vgt.f32 v9, v1;
	v51 =	vld.idx.msk [tilespmem:v47+s3+$0x0], $0xffff  }
0x7e: {  	v58 =	vor.u32 $0x3, v53;
	v19 =	vsel vm2, v55, v24;
	v53 =	vsel vm0, v9, v1;
	v24 =	vld.idx.msk [tilespmem:v37+s3+$0x0], $0xffff  }
0x7f: {  	v43 =	vor.u32 $0x3, v57;
	v54 =	vsel vm0, v7, v3;
	vm1 =	vgt.f32 v35, v34;
	v55 =	vld.idx.msk [tilespmem:v52+s3+$0x0], $0xffff  }
0x80: {  	v30 =	vadd.s32 $0x4, v30;
	v34 =	vsel vm1, v35, v34;
	v26 =	vsel vm1, v6, v26  }
0x81: {  	_ =	sdelay $0x3  }
0x82: {  	v1 =	vld.idx.msk [tilespmem:v41+s3+$0x0], $0xffff  }
0x83: {  	v3 =	vld.idx.msk [tilespmem:v58+s3+$0x0], $0xffff  }
0x84: {  	v4 =	vld.idx.msk [tilespmem:v33+s3+$0x0], $0xffff;
	vm0 =	vgt.f32 v12, v46  }
0x85: {  	v0 =	vld.idx.msk [tilespmem:v43+s3+$0x0], $0xffff;
	v7 =	vor.u32 $0x3, v5;
	v5 =	vor.u32 $0x3, v8;
	v6 =	vsel vm0, v12, v46  }
0x86: {  	v21 =	vld.idx.msk [tilespmem:v32+s3+$0x0], $0xffff;
	v9 =	vsel vm0, v59, v14;
	v14 =	vlaneseq.u32;
	vm11 =	vgt.f32 v62, v6  }
0x87: {  	v20 =	vor.u32 $0x2, v8;
	v13 =	vld.idx.msk [tilespmem:v18+s3+$0x0], $0xffff;
	v16 =	vmul.u32 $0xFFFFFF00, v14;
	v6 =	vsel vm11, v62, v6  }
0x88: {  	v12 =	vld.idx.msk [tilespmem:v25+s3+$0x0], $0xffff;
	v15 =	vshrl.u32 v14, $0x2;
	v8 =	vsel vm11, v56, v9;
	vm12 =	vgt.f32 v1, v6  }
0x89: {  	v9 =	vld.idx.msk [tilespmem:v27+s3+$0x0], $0xffff;
	v1 =	vsel vm12, v1, v6;
	v6 =	vsel vm12, v41, v8  }
0x8a: {  	v14 =	vld.idx.msk [tilespmem:v7+s3+$0x0], $0xffff;
	v6 =	vadd.s32 v16, v6;
	vm0 =	vgt.f32 v1, $0.0e+00  }
0x8b: {  	v23 =	vld.idx.msk [tilespmem:v5+s3+$0x0], $0xffff;
	v1 =	vnsel vm0, $0xFFFFFFFF, v6  }
0x8c: {  	v8 =	vld.idx.msk [tilespmem:v20+s3+$0x0], $0xffff;
	[tilespmem:$0x10400] =	vst v1  }
0x8d: {  	v1 =	vld.idx.msk [tilespmem:v15+s20+$0x0], $0xffff  }
0x8e: {  	v6 =	vld [tilespmem:$0x10000];
	_ =	sdelay $0x1  }
0x8f: {  	v17 =	vor.u32 $0x4, v15;
	_ =	sdelay $0x1  }
0x90: {  	vm1 =	vgt.s32 v1, $0xFFFFFFFF  }
0x91: {  	v1 =	vnsel vm1, $0x0, v6  }
0x92: {  	[tilespmem:$0x10500] =	vst v1  }
0x93: {  	v1 =	vld.idx.msk [tilespmem:v17+s20+$0x0], $0xffff  }
0x94: {  	v6 =	vld [tilespmem:$0x10010];
	_ =	sdelay $0x1  }
0x95: {  	[tilespmem:$0x1FCA0] =	vst v17;
	v17 =	vor.u32 $0x8, v15;
	_ =	sdelay $0x1  }
0x96: {  	vm13 =	vgt.s32 v1, $0xFFFFFFFF  }
0x97: {  	v1 =	vnsel vm13, $0x0, v6  }
0x98: {  	[tilespmem:$0x10510] =	vst v1  }
0x99: {  	v1 =	vld.idx.msk [tilespmem:v17+s20+$0x0], $0xffff  }
0x9a: {  	v6 =	vld [tilespmem:$0x10020];
	_ =	sdelay $0x1  }
0x9b: {  	[tilespmem:$0x1FCB0] =	vst v17;
	v17 =	vor.u32 $0xC, v15;
	_ =	sdelay $0x1  }
0x9c: {  	vm14 =	vgt.s32 v1, $0xFFFFFFFF  }
0x9d: {  	v1 =	vnsel vm14, $0x0, v6  }
0x9e: {  	vm15 =	vgt.f32 v12, v2;
	[tilespmem:$0x10520] =	vst v1  }
0x9f: {  	v1 =	vsel vm15, v12, v2;
	v2 =	vld.idx.msk [tilespmem:v17+s20+$0x0], $0xffff  }
0xa0: {  	v6 =	vld [tilespmem:$0x10030];
	vm2 =	vgt.f32 v13, v1  }
0xa1: {  	v1 =	vsel vm2, v13, v1  }
0xa2: {  	v12 =	vsel vm15, v25, v31;
	vm4 =	vgt.f32 v14, v1  }
0xa3: {  	v12 =	vsel vm2, v18, v12;
	v13 =	vor.u32 $0x10, v15;
	v1 =	vsel vm4, v14, v1  }
0xa4: {  	v7 =	vsel vm4, v7, v12;
	v12 =	vadd.s32 $0xFFFFF000, v16;
	vm5 =	vgt.s32 v2, $0xFFFFFFFF  }
0xa5: {  	vm1 =	vgt.f32 v1, $0.0e+00;
	v2 =	vnsel vm5, $0x0, v6;
	v6 =	vadd.s32 v12, v7  }
0xa6: {  	[tilespmem:$0x10530] =	vst v2;
	v1 =	vnsel vm1, $0xFFFFFFFF, v6  }
0xa7: {  	[tilespmem:$0x10410] =	vst v1  }
0xa8: {  	v1 =	vld.idx.msk [tilespmem:v13+s20+$0x0], $0xffff  }
0xa9: {  	v2 =	vld [tilespmem:$0x10040];
	_ =	sdelay $0x1  }
0xaa: {  	v6 =	vor.u32 $0x14, v15;
	_ =	sdelay $0x1  }
0xab: {  	vm6 =	vgt.s32 v1, $0xFFFFFFFF  }
0xac: {  	v1 =	vnsel vm6, $0x0, v2  }
0xad: {  	[tilespmem:$0x10540] =	vst v1  }
0xae: {  	v1 =	vld.idx.msk [tilespmem:v6+s20+$0x0], $0xffff  }
0xaf: {  	v2 =	vld [tilespmem:$0x10050];
	_ =	sdelay $0x1  }
0xb0: {  	[tilespmem:$0x1FCF0] =	vst v6;
	v6 =	vor.u32 $0x18, v15;
	_ =	sdelay $0x1  }
0xb1: {  	vm7 =	vgt.s32 v1, $0xFFFFFFFF  }
0xb2: {  	v1 =	vnsel vm7, $0x0, v2  }
0xb3: {  	[tilespmem:$0x10550] =	vst v1  }
0xb4: {  	v1 =	vld.idx.msk [tilespmem:v6+s20+$0x0], $0xffff  }
0xb5: {  	v2 =	vld [tilespmem:$0x10060];
	_ =	sdelay $0x1  }
0xb6: {  	[tilespmem:$0x1FD00] =	vst v6;
	v6 =	vor.u32 $0x1C, v15;
	_ =	sdelay $0x1  }
0xb7: {  	vm8 =	vgt.s32 v1, $0xFFFFFFFF  }
0xb8: {  	vm9 =	vgt.f32 v61, v63;
	v1 =	vnsel vm8, $0x0, v2  }
0xb9: {  	[tilespmem:$0x10560] =	vst v1;
	v1 =	vsel vm9, v61, v63  }
0xba: {  	v2 =	vld.idx.msk [tilespmem:v6+s20+$0x0], $0xffff;
	vm3 =	vgt.f32 v22, v1  }
0xbb: {  	v7 =	vsel vm9, v29, v45;
	[tilespmem:$0x1FD10] =	vst v6;
	v6 =	vld [tilespmem:$0x10070];
	v1 =	vsel vm3, v22, v1  }
0xbc: {  	[tilespmem:$0x1FCD0] =	vst v12;
	v12 =	vor.u32 $0x20, v15;
	v7 =	vsel vm3, v28, v7;
	vm10 =	vgt.f32 v3, v1  }
0xbd: {  	v1 =	vsel vm10, v3, v1;
	v3 =	vsel vm10, v58, v7;
	v7 =	vadd.s32 $0xFFFFE000, v16  }
0xbe: {  	v3 =	vadd.s32 v7, v3;
	vm2 =	vgt.f32 v1, $0.0e+00  }
0xbf: {  	vm11 =	vgt.s32 v2, $0xFFFFFFFF;
	v1 =	vnsel vm2, $0xFFFFFFFF, v3  }
0xc0: {  	v2 =	vnsel vm11, $0x0, v6;
	[tilespmem:$0x10420] =	vst v1  }
0xc1: {  	[tilespmem:$0x10570] =	vst v2  }
0xc2: {  	v1 =	vld.idx.msk [tilespmem:v12+s20+$0x0], $0xffff  }
0xc3: {  	v2 =	vld [tilespmem:$0x10080];
	_ =	sdelay $0x1  }
0xc4: {  	v3 =	vor.u32 $0x24, v15;
	_ =	sdelay $0x1  }
0xc5: {  	vm12 =	vgt.s32 v1, $0xFFFFFFFF  }
0xc6: {  	v1 =	vnsel vm12, $0x0, v2  }
0xc7: {  	[tilespmem:$0x10580] =	vst v1  }
0xc8: {  	v1 =	vld.idx.msk [tilespmem:v3+s20+$0x0], $0xffff  }
0xc9: {  	v2 =	vld [tilespmem:$0x10090];
	_ =	sdelay $0x1  }
0xca: {  	[tilespmem:$0x1FD40] =	vst v3;
	v3 =	vor.u32 $0x28, v15;
	_ =	sdelay $0x1  }
0xcb: {  	vm13 =	vgt.s32 v1, $0xFFFFFFFF  }
0xcc: {  	v1 =	vnsel vm13, $0x0, v2  }
0xcd: {  	[tilespmem:$0x10590] =	vst v1  }
0xce: {  	v1 =	vld.idx.msk [tilespmem:v3+s20+$0x0], $0xffff  }
0xcf: {  	v2 =	vld [tilespmem:$0x100A0];
	_ =	sdelay $0x1  }
0xd0: {  	[tilespmem:$0x1FD50] =	vst v3;
	v3 =	vor.u32 $0x2C, v15;
	_ =	sdelay $0x1  }
0xd1: {  	vm14 =	vgt.s32 v1, $0xFFFFFFFF  }
0xd2: {  	v1 =	vnsel vm14, $0x0, v2  }
0xd3: {  	[tilespmem:$0x105A0] =	vst v1  }
0xd4: {  	v1 =	vld.idx.msk [tilespmem:v3+s20+$0x0], $0xffff  }
0xd5: {  	vm15 =	vgt.f32 v9, v34;
	v2 =	vld [tilespmem:$0x100B0]  }
0xd6: {  	[tilespmem:$0x1FD60] =	vst v3;
	v3 =	vsel vm15, v9, v34  }
0xd7: {  	vm4 =	vgt.f32 v4, v3  }
0xd8: {  	[tilespmem:$0x1FD20] =	vst v7;
	v7 =	vor.u32 $0x30, v15;
	v6 =	vsel vm15, v27, v26;
	v3 =	vsel vm4, v4, v3  }
0xd9: {  	v4 =	vsel vm4, v33, v6;
	v6 =	vadd.s32 $0xFFFFD000, v16;
	vm7 =	vgt.s32 v1, $0xFFFFFFFF  }
0xda: {  	vm3 =	vgt.f32 v3, $0.0e+00;
	v1 =	vnsel vm7, $0x0, v2;
	v2 =	vadd.s32 v6, v4  }
0xdb: {  	[tilespmem:$0x105B0] =	vst v1;
	v1 =	vnsel vm3, $0xFFFFFFFF, v2  }
0xdc: {  	[tilespmem:$0x10430] =	vst v1  }
0xdd: {  	v1 =	vld.idx.msk [tilespmem:v7+s20+$0x0], $0xffff  }
0xde: {  	v2 =	vld [tilespmem:$0x100C0];
	_ =	sdelay $0x1  }
0xdf: {  	v3 =	vor.u32 $0x34, v15;
	_ =	sdelay $0x1  }
0xe0: {  	vm8 =	vgt.s32 v1, $0xFFFFFFFF  }
0xe1: {  	v1 =	vnsel vm8, $0x0, v2  }
0xe2: {  	[tilespmem:$0x105C0] =	vst v1  }
0xe3: {  	v1 =	vld.idx.msk [tilespmem:v3+s20+$0x0], $0xffff  }
0xe4: {  	v2 =	vld [tilespmem:$0x100D0];
	_ =	sdelay $0x1  }
0xe5: {  	[tilespmem:$0x1FD90] =	vst v3;
	v3 =	vor.u32 $0x38, v15;
	_ =	sdelay $0x1  }
0xe6: {  	vm9 =	vgt.s32 v1, $0xFFFFFFFF  }
0xe7: {  	v1 =	vnsel vm9, $0x0, v2  }
0xe8: {  	[tilespmem:$0x105D0] =	vst v1  }
0xe9: {  	v1 =	vld.idx.msk [tilespmem:v3+s20+$0x0], $0xffff  }
0xea: {  	v2 =	vld [tilespmem:$0x100E0];
	_ =	sdelay $0x1  }
0xeb: {  	[tilespmem:$0x1FDA0] =	vst v3;
	v3 =	vor.u32 $0x3C, v15;
	_ =	sdelay $0x1  }
0xec: {  	vm10 =	vgt.s32 v1, $0xFFFFFFFF  }
0xed: {  	v1 =	vnsel vm10, $0x0, v2  }
0xee: {  	vm11 =	vgt.f32 v21, v39;
	[tilespmem:$0x105E0] =	vst v1  }
0xef: {  	v1 =	vsel vm11, v21, v39;
	v2 =	vld.idx.msk [tilespmem:v3+s20+$0x0], $0xffff  }
0xf0: {  	[tilespmem:$0x1FDB0] =	vst v3;
	vm5 =	vgt.f32 v8, v1;
	v3 =	vld [tilespmem:$0x100F0]  }
0xf1: {  	v1 =	vsel vm5, v8, v1  }
0xf2: {  	v4 =	vsel vm11, v32, v38;
	vm12 =	vgt.f32 v23, v1  }
0xf3: {  	[tilespmem:$0x1FD70] =	vst v6;
	v6 =	vor.u32 $0x40, v15;
	v4 =	vsel vm5, v20, v4;
	v1 =	vsel vm12, v23, v1  }
0xf4: {  	v4 =	vsel vm12, v5, v4;
	v5 =	vadd.s32 $0xFFFFC000, v16;
	vm13 =	vgt.s32 v2, $0xFFFFFFFF  }
0xf5: {  	vm4 =	vgt.f32 v1, $0.0e+00;
	v2 =	vnsel vm13, $0x0, v3;
	v3 =	vadd.s32 v5, v4  }
0xf6: {  	[tilespmem:$0x105F0] =	vst v2;
	v1 =	vnsel vm4, $0xFFFFFFFF, v3  }
0xf7: {  	[tilespmem:$0x10440] =	vst v1  }
0xf8: {  	v1 =	vld.idx.msk [tilespmem:v6+s20+$0x0], $0xffff  }
0xf9: {  	v2 =	vld [tilespmem:$0x10100];
	_ =	sdelay $0x1  }
0xfa: {  	v3 =	vor.u32 $0x44, v15;
	_ =	sdelay $0x1  }
0xfb: {  	vm14 =	vgt.s32 v1, $0xFFFFFFFF  }
0xfc: {  	v1 =	vnsel vm14, $0x0, v2  }
0xfd: {  	[tilespmem:$0x10600] =	vst v1  }
0xfe: {  	v1 =	vld.idx.msk [tilespmem:v3+s20+$0x0], $0xffff  }
0xff: {  	v2 =	vld [tilespmem:$0x10110];
	_ =	sdelay $0x1  }
0x100: {  	[tilespmem:$0x1FDE0] =	vst v3;
	v3 =	vor.u32 $0x48, v15;
	_ =	sdelay $0x1  }
0x101: {  	vm15 =	vgt.s32 v1, $0xFFFFFFFF  }
0x102: {  	v1 =	vnsel vm15, $0x0, v2  }
0x103: {  	[tilespmem:$0x10610] =	vst v1  }
0x104: {  	v1 =	vld.idx.msk [tilespmem:v3+s20+$0x0], $0xffff  }
0x105: {  	v2 =	vld [tilespmem:$0x10120];
	_ =	sdelay $0x1  }
0x106: {  	[tilespmem:$0x1FDF0] =	vst v3;
	v3 =	vor.u32 $0x4C, v15;
	_ =	sdelay $0x1  }
0x107: {  	vm8 =	vgt.s32 v1, $0xFFFFFFFF  }
0x108: {  	v1 =	vnsel vm8, $0x0, v2  }
0x109: {  	[tilespmem:$0x10620] =	vst v1  }
0x10a: {  	v1 =	vld.idx.msk [tilespmem:v3+s20+$0x0], $0xffff  }
0x10b: {  	vm9 =	vgt.f32 v24, v44;
	v2 =	vld [tilespmem:$0x10130]  }
0x10c: {  	[tilespmem:$0x1FE00] =	vst v3;
	v3 =	vsel vm9, v24, v44  }
0x10d: {  	v4 =	vsel vm9, v37, v19;
	vm10 =	vgt.f32 v0, v3  }
0x10e: {  	[tilespmem:$0x1FDC0] =	vst v5;
	v5 =	vor.u32 $0x50, v15;
	v4 =	vsel vm10, v43, v4  }
0x10f: {  	v0 =	vsel vm10, v0, v3;
	v3 =	vadd.s32 $0xFFFFB000, v16;
	vm11 =	vgt.s32 v1, $0xFFFFFFFF  }
0x110: {  	vm5 =	vgt.f32 v0, $0.0e+00;
	v1 =	vnsel vm11, $0x0, v2;
	v2 =	vadd.s32 v3, v4  }
0x111: {  	[tilespmem:$0x10630] =	vst v1;
	v0 =	vnsel vm5, $0xFFFFFFFF, v2  }
0x112: {  	[tilespmem:$0x10450] =	vst v0  }
0x113: {  	v0 =	vld.idx.msk [tilespmem:v5+s20+$0x0], $0xffff  }
0x114: {  	v1 =	vld [tilespmem:$0x10140];
	_ =	sdelay $0x1  }
0x115: {  	v2 =	vor.u32 $0x54, v15;
	_ =	sdelay $0x1  }
0x116: {  	vm6 =	vgt.s32 v0, $0xFFFFFFFF  }
0x117: {  	v0 =	vnsel vm6, $0x0, v1  }
0x118: {  	[tilespmem:$0x10640] =	vst v0  }
0x119: {  	v0 =	vld.idx.msk [tilespmem:v2+s20+$0x0], $0xffff  }
0x11a: {  	v1 =	vld [tilespmem:$0x10150];
	_ =	sdelay $0x1  }
0x11b: {  	[tilespmem:$0x1FE30] =	vst v2;
	v2 =	vor.u32 $0x58, v15;
	_ =	sdelay $0x1  }
0x11c: {  	vm12 =	vgt.s32 v0, $0xFFFFFFFF  }
0x11d: {  	v0 =	vnsel vm12, $0x0, v1  }
0x11e: {  	[tilespmem:$0x10650] =	vst v0  }
0x11f: {  	v0 =	vld.idx.msk [tilespmem:v2+s20+$0x0], $0xffff  }
0x120: {  	v1 =	vld [tilespmem:$0x10160];
	_ =	sdelay $0x1  }
0x121: {  	[tilespmem:$0x1FE40] =	vst v2;
	v2 =	vor.u32 $0x5C, v15;
	_ =	sdelay $0x1  }
0x122: {  	vm13 =	vgt.s32 v0, $0xFFFFFFFF  }
0x123: {  	v0 =	vnsel vm13, $0x0, v1  }
0x124: {  	[tilespmem:$0x10660] =	vst v0  }
0x125: {  	v0 =	vld.idx.msk [tilespmem:v2+s20+$0x0], $0xffff  }
0x126: {  	v1 =	vld [tilespmem:$0x10170]  }
0x127: {  	vm14 =	vgt.f32 v50, v49;
	[tilespmem:$0x1FE10] =	vst v3  }
0x128: {  	v3 =	vsel vm14, v42, v48;
	[tilespmem:$0x1FE50] =	vst v2;
	v2 =	vsel vm14, v50, v49  }
0x129: {  	[tilespmem:$0x1FE20] =	vst v5;
	v4 =	vor.u32 $0x60, v15;
	v5 =	vadd.s32 $0xFFFFA000, v16;
	vm7 =	vgt.f32 v51, v2  }
0x12a: {  	v2 =	vsel vm7, v51, v2;
	v3 =	vsel vm7, v47, v3;
	vm15 =	vgt.s32 v0, $0xFFFFFFFF  }
0x12b: {  	vm6 =	vgt.f32 v2, $0.0e+00;
	v0 =	vnsel vm15, $0x0, v1;
	v1 =	vadd.s32 v5, v3  }
0x12c: {  	[tilespmem:$0x10670] =	vst v0;
	v0 =	vnsel vm6, $0xFFFFFFFF, v1  }
0x12d: {  	[tilespmem:$0x10460] =	vst v0  }
0x12e: {  	v0 =	vld.idx.msk [tilespmem:v4+s20+$0x0], $0xffff  }
0x12f: {  	v1 =	vld [tilespmem:$0x10180];
	_ =	sdelay $0x1  }
0x130: {  	v2 =	vor.u32 $0x64, v15;
	_ =	sdelay $0x1  }
0x131: {  	vm9 =	vgt.s32 v0, $0xFFFFFFFF  }
0x132: {  	v0 =	vnsel vm9, $0x0, v1  }
0x133: {  	[tilespmem:$0x10680] =	vst v0  }
0x134: {  	v0 =	vld.idx.msk [tilespmem:v2+s20+$0x0], $0xffff  }
0x135: {  	v1 =	vld [tilespmem:$0x10190];
	_ =	sdelay $0x1  }
0x136: {  	[tilespmem:$0x1FE80] =	vst v2;
	v2 =	vor.u32 $0x68, v15;
	_ =	sdelay $0x1  }
0x137: {  	vm10 =	vgt.s32 v0, $0xFFFFFFFF  }
0x138: {  	v0 =	vnsel vm10, $0x0, v1  }
0x139: {  	[tilespmem:$0x10690] =	vst v0  }
0x13a: {  	v0 =	vld.idx.msk [tilespmem:v2+s20+$0x0], $0xffff  }
0x13b: {  	v1 =	vld [tilespmem:$0x101A0];
	_ =	sdelay $0x1  }
0x13c: {  	[tilespmem:$0x1FE90] =	vst v2;
	v2 =	vor.u32 $0x6C, v15;
	_ =	sdelay $0x1  }
0x13d: {  	vm11 =	vgt.s32 v0, $0xFFFFFFFF  }
0x13e: {  	v0 =	vnsel vm11, $0x0, v1  }
0x13f: {  	[tilespmem:$0x106A0] =	vst v0  }
0x140: {  	v0 =	vld.idx.msk [tilespmem:v2+s20+$0x0], $0xffff  }
0x141: {  	v1 =	vld [tilespmem:$0x101B0];
	_ =	sdelay $0x1  }
0x142: {  	[tilespmem:$0x1FE70] =	vst v4;
	vm12 =	vgt.f32 v55, v53  }
0x143: {  	[tilespmem:$0x1FE60] =	vst v5;
	v3 =	vsel vm12, v52, v54;
	v4 =	vor.u32 $0x70, v15  }
0x144: {  	v5 =	vadd.s32 $0xFFFF9000, v16;
	[tilespmem:$0x1FEA0] =	vst v2;
	v2 =	vsel vm12, v55, v53;
	vm13 =	vgt.s32 v0, $0xFFFFFFFF  }
0x145: {  	vm14 =	vgt.f32 v2, $0.0e+00;
	v0 =	vnsel vm13, $0x0, v1;
	v1 =	vadd.s32 v5, v3  }
0x146: {  	[tilespmem:$0x106B0] =	vst v0;
	v0 =	vnsel vm14, $0xFFFFFFFF, v1  }
0x147: {  	[tilespmem:$0x10470] =	vst v0  }
0x148: {  	v0 =	vld.idx.msk [tilespmem:v4+s20+$0x0], $0xffff  }
0x149: {  	v1 =	vld [tilespmem:$0x101C0];
	_ =	sdelay $0x1  }
0x14a: {  	v2 =	vor.u32 $0x74, v15;
	_ =	sdelay $0x1  }
0x14b: {  	vm8 =	vgt.s32 v0, $0xFFFFFFFF  }
0x14c: {  	v0 =	vnsel vm8, $0x0, v1  }
0x14d: {  	[tilespmem:$0x106C0] =	vst v0  }
0x14e: {  	v0 =	vld.idx.msk [tilespmem:v2+s20+$0x0], $0xffff  }
0x14f: {  	v1 =	vld [tilespmem:$0x101D0];
	_ =	sdelay $0x1  }
0x150: {  	[tilespmem:$0x1FEE0] =	vst v2;
	v2 =	vor.u32 $0x78, v15;
	_ =	sdelay $0x1  }
0x151: {  	vm15 =	vgt.s32 v0, $0xFFFFFFFF  }
0x152: {  	v0 =	vnsel vm15, $0x0, v1  }
0x153: {  	[tilespmem:$0x106D0] =	vst v0  }
0x154: {  	v0 =	vld.idx.msk [tilespmem:v2+s20+$0x0], $0xffff  }
0x155: {  	v1 =	vld [tilespmem:$0x101E0];
	_ =	sdelay $0x1  }
0x156: {  	[tilespmem:$0x1FEF0] =	vst v2;
	v2 =	vor.u32 $0x7C, v15;
	_ =	sdelay $0x1  }
0x157: {  	vm12 =	vgt.s32 v0, $0xFFFFFFFF  }
0x158: {  	v0 =	vnsel vm12, $0x0, v1  }
0x159: {  	[tilespmem:$0x106E0] =	vst v0  }
0x15a: {  	[tilespmem:$0x1FF00] =	vst v15;
	v0 =	vld.idx.msk [tilespmem:v2+s20+$0x0], $0xffff  }
0x15b: {  	[tilespmem:$0x1FEB0] =	vst v16;
	v1 =	vld [tilespmem:$0x101F0]  }
0x15c: {  	[tilespmem:$0x1FCC0] =	vst v17  }
0x15d: {  	[tilespmem:$0x1FCE0] =	vst v13  }
0x15e: {  	[tilespmem:$0x1FD30] =	vst v12  }
0x15f: {  	s31 =	sor.u32 s5, s31;
	[tilespmem:$0x1FD80] =	vst v7;
	vm13 =	vgt.s32 v0, $0xFFFFFFFF  }
0x160: {  	s0 =	sshrl.u32 s31, $0x3;
	[tilespmem:$0x1FDD0] =	vst v6;
	v0 =	vnsel vm13, $0x0, v1  }
0x161: {  	s1 =	sshrl.u32 s31, $0x1;
	s0 =	sadd.s32 s4, s0;
	[tilespmem:$0x106F0] =	vst v0  }
0x162: {  	[hbm4b:s0+s3] =	stream.linear.scatter [tilespmem:s20], [sflag:$0x3], $0x80, $0x38;
	[tilespmem:$0x10980] =	vst v63  }
0x163: {  	[tilespmem:$0x1FEC0] =	vst v5;
	s0 =	sadd.s32 s2, s1  }
0x164: {  	[hbm4b:s0+s3] =	stream.linear.scatter [tilespmem:s21], [sflag:$0x3], $0x200, $0x38;
	[tilespmem:$0x10980] =	vst v63  }
0x165: {  	[tilespmem:$0x1FED0] =	vst v4;
	s0 =	simm.s32 @p0 $0x0  }
0x166: {  	[tilespmem:s0], [sflag:$0x1] =	stream.linear.gather @p0 [hbm4b:s10+s0], $0x8000, $0x38;
	[tilespmem:$0x10980] =	vst v63  }
0x167: {  	[tilespmem:$0x1FF10] =	vst v2;
	s1 =	simm.s32 @p0 $0x10000  }
0x168: {  	[tilespmem:s1], [sflag:$0x1] =	stream.linear.gather @p0 [hbm4b:s11+s0], $0x200, $0x38;
	[tilespmem:$0x10980] =	vst v63  }
0x169: {  	_ =	swait.ge [sflag:s22], $0x8000  }
0x16a: {  	[sflag:s22] =	ssyncset.done $0x0  }
0x16b: {  	[sflag:s22] =	ssyncadd.s32 $0xFFFF8000  }
0x16c: {  	_ =	swait.ge [sflag:s22], $0x200  }
0x16d: {  	[sflag:s22] =	ssyncset.done $0x0  }
0x16e: {  	s0 =	simm.s32 @p1 $0x4;
	[sflag:s22] =	ssyncadd.s32 $0xFFFFFE00  }
0x16f: {  	_ =	swait.ge @p1 [sflag:s0], $0x80  }
0x170: {  	[sflag:s0] =	ssyncset.done @p1 $0x0  }
0x171: {  	[sflag:s0] =	ssyncadd.s32 @p1 $0xFFFFFF80  }
0x172: {  	_ =	swait.ge @p1 [sflag:s0], $0x200  }
0x173: {  	v17 =	vld [tilespmem:$0x1FFE0]  }
0x174: {  	v2 =	vld [tilespmem:$0x1FF70]  }
0x175: {  	v20 =	vld [tilespmem:$0x1FFD0]  }
0x176: {  	v23 =	vld [tilespmem:$0x1FFC0]  }
0x177: {  	v0 =	vmpcnt.ones.xlane vm0;
	v19 =	vld [tilespmem:$0x1FFA0]  }
0x178: {  	v1 =	vmpcnt.ones.xlane vm1;
	v21 =	vld [tilespmem:$0x1FF90];
	v59 =	vor.u32 $0x7000, v17  }
0x179: {  	v22 =	vld [tilespmem:$0x1FF30];
	v0 =	vadd.s32 v2, v0;
	v2 =	vmpcnt.ones.xlane vm2  }
0x17a: {  	v35 =	vld [tilespmem:$0x1FF80];
	v0 =	vadd.s32 v1, v0;
	v1 =	vmpcnt.ones.xlane vm3;
	v7 =	vor.u32 $0x1, v59  }
0x17b: {  	[sflag:s0] =	ssyncset.done @p1 $0x0;
	v36 =	vld [tilespmem:$0x1FFB0];
	v0 =	vadd.s32 v2, v0;
	v2 =	vmpcnt.ones.xlane vm4  }
0x17c: {  	v16 =	vld [tilespmem:$0x1FF40];
	[sflag:s0] =	ssyncadd.s32 @p1 $0xFFFFFE00;
	v0 =	vadd.s32 v1, v0;
	v1 =	vmpcnt.ones.xlane vm5  }
0x17d: {  	v0 =	vadd.s32 v2, v0;
	v2 =	vmpcnt.ones.xlane vm6;
	v8 =	vld.idx.msk [tilespmem:v59+s17+$0x0], $0xffff  }
0x17e: {  	v3 =	vld.idx.msk [tilespmem:v17+s17+$0x0], $0xffff;
	v0 =	vadd.s32 v1, v0;
	v1 =	vmpcnt.ones.xlane vm14  }
0x17f: {  	v0 =	vadd.s32 v2, v0;
	v2 =	vld.idx.msk [tilespmem:v7+s17+$0x0], $0xffff  }
0x180: {  	v14 =	vadd.s32 $0x4, v20;
	v4 =	vld.idx.msk [tilespmem:v20+s17+$0x0], $0xffff;
	v0 =	vadd.s32 v1, v0  }
0x181: {  	v45 =	vor.u32 $0x1, v17;
	v27 =	vor.u32 $0x1, v21;
	v5 =	vld.idx.msk [tilespmem:v23+s17+$0x0], $0xffff;
	[tilespmem:$0x1FF20] =	vst v0;
	v0 =	vimm.f32 $-Inf  }
0x182: {  	v40 =	vor.u32 $0x2, v17;
	v57 =	vor.u32 $0x2, v23;
	v9 =	vld.idx.msk [tilespmem:v21+s17+$0x0], $0xffff;
	vm15 =	vgt.f32 v8, v0  }
0x183: {  	v28 =	vadd.s32 $0x4, v23;
	v30 =	vadd.s32 $0x4, v36;
	v1 =	vld.idx.msk [tilespmem:v22+s17+$0x0], $0xffff;
	v8 =	vsel vm15, v8, v0  }
0x184: {  	v56 =	vor.u32 $0x1, v36;
	v12 =	vor.u32 $0x2, v59;
	v13 =	vld.idx.msk [tilespmem:v36+s17+$0x0], $0xffff;
	vm10 =	vgt.f32 v2, v8  }
0x185: {  	v39 =	vor.u32 $0x1, v35;
	v31 =	vadd.s32 $0x4, v21;
	v2 =	vsel vm10, v2, v8;
	v8 =	vld [tilespmem:$0x1FF50]  }
0x186: {  	v33 =	vadd.s32 $0x4, v35;
	v6 =	vld.idx.msk [tilespmem:v19+s17+$0x0], $0xffff;
	vm14 =	vgt.f32 v4, v0;
	vm0 =	vgt.f32 v3, v0  }
0x187: {  	v47 =	vor.u32 $0x3, v21;
	v42 =	vsel vm0, v3, v0;
	v3 =	vld.idx.msk [tilespmem:v35+s17+$0x0], $0xffff;
	v4 =	vsel vm14, v4, v0  }
0x188: {  	v38 =	vadd.s32 $0x4, v17;
	vm4 =	vgt.f32 v5, v0;
	vm9 =	vgt.f32 v1, v4  }
0x189: {  	vm1 =	vgt.f32 v9, v0;
	v15 =	vsel vm14, v20, v20;
	v63 =	vsel vm9, v1, v4;
	v4 =	vld.idx.msk [tilespmem:v12+s17+$0x0], $0xffff  }
0x18a: {  	v18 =	vld.idx.msk [tilespmem:v16+s17+$0x0], $0xffff;
	vm12 =	vgt.f32 v13, v0;
	v62 =	vsel vm9, v22, v15;
	v15 =	vor.u32 $0x2, v20  }
0x18b: {  	v50 =	vld.idx.msk [tilespmem:v40+s17+$0x0], $0xffff;
	vm2 =	vgt.f32 v6, v0;
	v58 =	vsel vm12, v13, v0;
	v48 =	vsel vm1, v9, v0  }
0x18c: {  	v49 =	vld.idx.msk [tilespmem:v27+s17+$0x0], $0xffff;
	v13 =	vor.u32 $0x3, v20;
	v1 =	vsel vm15, v59, v59;
	vm11 =	vgt.f32 v3, v0  }
0x18d: {  	v1 =	vsel vm10, v7, v1;
	v37 =	vsel vm11, v3, v0;
	v3 =	vsel vm4, v5, v0;
	v7 =	vld.idx.msk [tilespmem:v8+s17+$0x0], $0xffff  }
0x18e: {  	v52 =	vld.idx.msk [tilespmem:v45+s17+$0x0], $0xffff;
	v5 =	vsel vm2, v6, v0;
	v0 =	vsel vm4, v23, v23;
	vm14 =	vgt.f32 v4, v2  }
0x18f: {  	vm13 =	vgt.f32 v18, v3;
	v25 =	vld.idx.msk [tilespmem:v15+s17+$0x0], $0xffff;
	v61 =	vsel vm14, v12, v1;
	v12 =	vor.u32 $0x3, v59  }
0x190: {  	v51 =	vsel vm0, v17, v17;
	v44 =	vsel vm1, v21, v21;
	v24 =	vsel vm13, v16, v0;
	v16 =	vld [tilespmem:$0x1FF60]  }
0x191: {  	v29 =	vld.idx.msk [tilespmem:v57+s17+$0x0], $0xffff;
	v21 =	vor.u32 $0x3, v23;
	v20 =	vor.u32 $0x2, v35;
	v43 =	vsel vm11, v35, v35  }
0x192: {  	v26 =	vld.idx.msk [tilespmem:v13+s17+$0x0], $0xffff;
	v22 =	vsel vm13, v18, v3;
	v0 =	vsel vm2, v19, v19;
	vm15 =	vgt.f32 v7, v5  }
0x193: {  	v18 =	vld.idx.msk [tilespmem:v10+s17+$0x0], $0xffff;
	v60 =	vsel vm14, v4, v2;
	v34 =	vsel vm15, v7, v5;
	v32 =	vsel vm15, v8, v0  }
0x194: {  	s0 =	simm.s32 $0x3F;
	v2 =	vmovc v35;
	v23 =	vld.idx.msk [tilespmem:v12+s17+$0x0], $0xffff;
	v8 =	vadd.s32 $0x4, v19;
	v19 =	vor.u32 $0x2, v19;
	v0 =	vsel vm12, v36, v36;
	v5 =	vmovc v36  }
.LBB2_5:
0x195: {  	p1 =	sne.s32 s0, $0x1;
	s0 =	sadd.s32 $0xFFFFFFFF, s0;
	vm1 =	vgt.f32 v49, v48;
	vm0 =	vgt.f32 v25, v63;
	v59 =	vadd.s32 $0x4, v59;
	v46 =	vmovc v14;
	v41 =	vmovc v28  }
0x196: {  	vm2 =	vgt.f32 v52, v42;
	v1 =	vld.idx.msk [tilespmem:v11+s17+$0x0], $0xffff;
	v3 =	vsel vm1, v49, v48;
	v4 =	vsel vm0, v25, v63  }
0x197: {  	v6 =	vsel vm2, v45, v51;
	v9 =	vsel vm0, v15, v62;
	v7 =	vld.idx.msk [tilespmem:v47+s17+$0x0], $0xffff;
	vm3 =	vgt.f32 v26, v4  }
0x198: {  	v15 =	vsel vm2, v52, v42;
	vm2 =	vgt.f32 v29, v22;
	v35 =	vld.idx.msk [tilespmem:v16+s17+$0x0], $0xffff;
	v25 =	vsel vm3, v26, v4  }
0x199: {  	vm0 =	vgt.f32 v50, v15;
	v26 =	vsel vm3, v13, v9;
	vm3 =	vgt.f32 v23, v60;
	v4 =	vld.idx.msk [tilespmem:v21+s17+$0x0], $0xffff  }
0x19a: {  	v9 =	vor.u32 $0x3, v38;
	v49 =	vsel vm3, v23, v60;
	v60 =	vsel vm3, v12, v61;
	v23 =	vmovc v31;
	v13 =	vld.idx.msk [tilespmem:v56+s17+$0x0], $0xffff  }
0x19b: {  	v27 =	vsel vm1, v27, v44;
	v48 =	vmovc v8;
	vm1 =	vgt.f32 v18, v3;
	v12 =	vor.u32 $0x2, v31;
	v36 =	vld.idx.msk [tilespmem:v39+s17+$0x0], $0xffff  }
0x19c: {  	v3 =	vsel vm1, v18, v3;
	v18 =	vsel vm1, v10, v27;
	v27 =	vsel vm2, v29, v22;
	v42 =	vld.idx.msk [tilespmem:v20+s17+$0x0], $0xffff  }
0x19d: {  	v44 =	vor.u32 $0x2, v5;
	v24 =	vsel vm2, v57, v24;
	v10 =	vmovc v12;
	vm1 =	vgt.f32 v7, v3;
	v29 =	vld.idx.msk [tilespmem:v19+s17+$0x0], $0xffff  }
0x19e: {  	v15 =	vsel vm0, v50, v15;
	v22 =	vsel vm1, v7, v3;
	v3 =	vsel vm1, v47, v18;
	v12 =	vld.idx.msk [tilespmem:v38+s17+$0x0], $0xffff  }
0x19f: {  	v6 =	vsel vm0, v40, v6;
	v40 =	vor.u32 $0x3, v2;
	v2 =	vmovc v33;
	v7 =	vld.idx.msk [tilespmem:v14+s17+$0x0], $0xffff;
	v14 =	vadd.s32 $0x4, v14  }
0x1a0: {  	v45 =	vor.u32 $0x3, v5;
	v5 =	vmov v30;
	vm0 =	vgt.f32 v1, v15;
	v47 =	vld.idx.msk [tilespmem:v28+s17+$0x0], $0xffff  }
0x1a1: {  	v50 =	vor.u32 $0x3, v8;
	vm1 =	vgt.f32 v13, v58;
	vm2 =	vgt.f32 v36, v37;
	v52 =	vld.idx.msk [tilespmem:v8+s17+$0x0], $0xffff  }
0x1a2: {  	v1 =	vsel vm0, v1, v15;
	v6 =	vsel vm0, v11, v6;
	v15 =	vsel vm2, v39, v43;
	v39 =	vld.idx.msk [tilespmem:v44+s17+$0x0], $0xffff  }
0x1a3: {  	v36 =	vsel vm2, v36, v37;
	vm2 =	vgt.f32 v4, v27;
	vm0 =	vgt.f32 v29, v34;
	v61 =	vld.idx.msk [tilespmem:v59+s17+$0x0], $0xffff  }
0x1a4: {  	v0 =	vsel vm1, v56, v0;
	v21 =	vsel vm2, v21, v24;
	v29 =	vsel vm0, v29, v34;
	v37 =	vld.idx.msk [tilespmem:v40+s17+$0x0], $0xffff  }
0x1a5: {  	vm3 =	vgt.f32 v42, v36;
	v4 =	vsel vm2, v4, v27;
	v19 =	vsel vm0, v19, v32;
	v18 =	vld.idx.msk [tilespmem:v10+s17+$0x0], $0xffff  }
0x1a6: {  	v11 =	vmovc v9;
	v28 =	vadd.s32 $0x4, v28;
	vm2 =	vgt.f32 v35, v29;
	vm0 =	vgt.f32 v47, v4;
	v24 =	vld.idx.msk [tilespmem:v31+s17+$0x0], $0xffff  }
0x1a7: {  	v9 =	vsel vm3, v42, v36;
	v29 =	vsel vm2, v35, v29;
	v32 =	vsel vm2, v16, v19;
	v19 =	vld.idx.msk [tilespmem:v45+s17+$0x0], $0xffff  }
0x1a8: {  	v13 =	vsel vm1, v13, v58;
	v15 =	vsel vm3, v20, v15;
	vm2 =	vgt.f32 v7, v25;
	v16 =	vmovc v50  }
0x1a9: {  	vm5 =	vgt.f32 v12, v1;
	vm6 =	vgt.f32 v39, v13;
	vm3 =	vgt.f32 v61, v49  }
0x1aa: {  	v20 =	vor.u32 $0x2, v33;
	v42 =	vsel vm5, v12, v1;
	vm1 =	vgt.f32 v37, v9  }
0x1ab: {  	v12 =	vsel vm6, v39, v13;
	v1 =	vsel vm1, v37, v9;
	v9 =	vsel vm1, v40, v15  }
0x1ac: {  	vm4 =	vgt.f32 v52, v29;
	v0 =	vsel vm6, v44, v0;
	vm1 =	vgt.f32 v24, v22  }
0x1ad: {  	v30 =	vadd.s32 $0x4, v30;
	v35 =	vor.u32 $0x1, v41;
	vm6 =	vgt.f32 v19, v12;
	v34 =	vld.idx.msk [tilespmem:v33+s17+$0x0], $0xffff  }
0x1ae: {  	v62 =	vor.u32 $0x1, v46;
	v53 =	vor.u32 $0x1, v59;
	v58 =	vsel vm6, v19, v12;
	v36 =	vld.idx.msk [tilespmem:v5+s17+$0x0], $0xffff  }
0x1af: {  	v54 =	vor.u32 $0x1, v8;
	v56 =	vor.u32 $0x1, v5;
	v0 =	vsel vm6, v45, v0  }
0x1b0: {  	v27 =	vor.u32 $0x1, v31;
	v39 =	vor.u32 $0x1, v33;
	v45 =	vor.u32 $0x1, v38  }
0x1b1: {  	v55 =	vor.u32 $0x2, v59;
	v8 =	vadd.s32 $0x4, v8;
	v31 =	vadd.s32 $0x4, v31  }
0x1b2: {  	v40 =	vor.u32 $0x2, v38;
	v15 =	vor.u32 $0x2, v46;
	v33 =	vadd.s32 $0x4, v33  }
0x1b3: {  	v57 =	vor.u32 $0x2, v41;
	v13 =	vor.u32 $0x3, v46;
	v19 =	vor.u32 $0x2, v48;
	v63 =	vld.idx.msk [tilespmem:v62+s17+$0x0], $0xffff  }
0x1b4: {  	v12 =	vor.u32 $0x3, v59;
	vm6 =	vgt.f32 v34, v1;
	vm7 =	vgt.f32 v36, v58;
	v17 =	vld.idx.msk [tilespmem:v53+s17+$0x0], $0xffff  }
0x1b5: {  	v51 =	vsel vm5, v38, v6;
	v60 =	vsel vm3, v59, v60;
	v0 =	vsel vm7, v5, v0;
	v6 =	vld.idx.msk [tilespmem:v35+s17+$0x0], $0xffff  }
0x1b6: {  	v37 =	vsel vm6, v34, v1;
	v43 =	vsel vm6, v2, v9;
	v1 =	vsel vm3, v61, v49;
	v9 =	vld.idx.msk [tilespmem:v55+s17+$0x0], $0xffff  }
0x1b7: {  	v44 =	vsel vm1, v23, v3;
	v3 =	vsel vm2, v7, v25;
	v7 =	vsel vm2, v46, v26;
	v50 =	vld.idx.msk [tilespmem:v40+s17+$0x0], $0xffff  }
0x1b8: {  	v32 =	vsel vm4, v48, v32;
	v34 =	vsel vm4, v52, v29;
	v58 =	vsel vm7, v36, v58;
	v46 =	vld.idx.msk [tilespmem:v54+s17+$0x0], $0xffff  }
0x1b9: {  	v4 =	vsel vm0, v47, v4;
	v21 =	vsel vm0, v41, v21;
	vm0 =	vgt.f32 v63, v3;
	v49 =	vld.idx.msk [tilespmem:v27+s17+$0x0], $0xffff  }
0x1ba: {  	v63 =	vsel vm0, v63, v3;
	v62 =	vsel vm0, v62, v7;
	vm0 =	vgt.f32 v17, v1;
	v25 =	vld.idx.msk [tilespmem:v15+s17+$0x0], $0xffff  }
.Ltmp3:
0x1bb: {  	vm2 =	vgt.f32 v6, v4;
	v1 =	vsel vm0, v17, v1;
	v3 =	vsel vm0, v53, v60;
	v52 =	vld.idx.msk [tilespmem:v45+s17+$0x0], $0xffff;
	(pc) =	sbr.rel @p1 .LBB2_5-.Ltmp3, $4  }
0x1bc: {  	v48 =	vsel vm1, v24, v22;
	v22 =	vsel vm2, v6, v4;
	vm0 =	vgt.f32 v9, v1;
	v26 =	vld.idx.msk [tilespmem:v13+s17+$0x0], $0xffff  }
0x1bd: {  	v47 =	vor.u32 $0x3, v23;
	v24 =	vsel vm2, v35, v21;
	v60 =	vsel vm0, v9, v1;
	v29 =	vld.idx.msk [tilespmem:v57+s17+$0x0], $0xffff  }
0x1be: {  	v21 =	vor.u32 $0x3, v41;
	v61 =	vsel vm0, v55, v3;
	vm1 =	vgt.f32 v46, v34;
	v23 =	vld.idx.msk [tilespmem:v12+s17+$0x0], $0xffff  }
0x1bf: {  	v38 =	vadd.s32 $0x4, v38;
	v34 =	vsel vm1, v46, v34;
	v32 =	vsel vm1, v54, v32  }
0x1c0: {  	_ =	sdelay $0x3  }
0x1c1: {  	v1 =	vld.idx.msk [tilespmem:v11+s17+$0x0], $0xffff  }
0x1c2: {  	v3 =	vld.idx.msk [tilespmem:v47+s17+$0x0], $0xffff  }
0x1c3: {  	v4 =	vld.idx.msk [tilespmem:v16+s17+$0x0], $0xffff  }
0x1c4: {  	v8 =	vld.idx.msk [tilespmem:v21+s17+$0x0], $0xffff  }
0x1c5: {  	vm0 =	vgt.f32 v52, v42;
	v55 =	vld [tilespmem:$0x1FEB0]  }
0x1c6: {  	v14 =	vor.u32 $0x2, v5;
	v59 =	vld [tilespmem:$0x1FF00];
	v6 =	vsel vm0, v52, v42  }
0x1c7: {  	v7 =	vor.u32 $0x3, v2;
	v28 =	vld.idx.msk [tilespmem:v56+s17+$0x0], $0xffff;
	v2 =	vor.u32 $0x3, v5;
	vm1 =	vgt.f32 v50, v6  }
0x1c8: {  	v53 =	vld.idx.msk [tilespmem:v39+s17+$0x0], $0xffff;
	v9 =	vsel vm0, v45, v51;
	v6 =	vsel vm1, v50, v6  }
0x1c9: {  	v17 =	vld.idx.msk [tilespmem:v20+s17+$0x0], $0xffff;
	v9 =	vsel vm1, v40, v9;
	vm9 =	vgt.f32 v1, v6  }
0x1ca: {  	v30 =	vld.idx.msk [tilespmem:v19+s17+$0x0], $0xffff;
	v1 =	vsel vm9, v1, v6;
	v54 =	vsel vm9, v11, v9  }
0x1cb: {  	v9 =	vld.idx.msk [tilespmem:v14+s17+$0x0], $0xffff;
	v6 =	vadd.s32 v55, v54;
	vm0 =	vgt.f32 v1, $0.0e+00  }
0x1cc: {  	v11 =	vld.idx.msk [tilespmem:v2+s17+$0x0], $0xffff;
	v6 =	vnsel vm0, $0xFFFFFFFF, v6  }
0x1cd: {  	v1 =	vld.idx.msk [tilespmem:v7+s17+$0x0], $0xffff;
	[tilespmem:$0x10480] =	vst v6  }
0x1ce: {  	v6 =	vld.idx.msk [tilespmem:v59+s23+$0x0], $0xffff  }
0x1cf: {  	v31 =	vld [tilespmem:$0x10200];
	_ =	sdelay $0x3  }
0x1d0: {  	vm10 =	vgt.s32 v6, $0xFFFFFFFF  }
0x1d1: {  	v6 =	vnsel vm10, $0x0, v31;
	v31 =	vld [tilespmem:$0x1FCA0];
	_ =	sdelay $0x6  }
0x1d2: {  	v35 =	vld [tilespmem:$0x1FCB0];
	[tilespmem:$0x10700] =	vst v6  }
0x1d3: {  	v6 =	vld.idx.msk [tilespmem:v31+s23+$0x0], $0xffff  }
0x1d4: {  	v33 =	vld [tilespmem:$0x10210];
	_ =	sdelay $0x3  }
0x1d5: {  	vm11 =	vgt.s32 v6, $0xFFFFFFFF  }
0x1d6: {  	v6 =	vnsel vm11, $0x0, v33  }
0x1d7: {  	v38 =	vld [tilespmem:$0x1FCC0];
	[tilespmem:$0x10710] =	vst v6  }
0x1d8: {  	v6 =	vld.idx.msk [tilespmem:v35+s23+$0x0], $0xffff  }
0x1d9: {  	v36 =	vld [tilespmem:$0x10220];
	_ =	sdelay $0x3  }
0x1da: {  	vm12 =	vgt.s32 v6, $0xFFFFFFFF  }
0x1db: {  	v6 =	vnsel vm12, $0x0, v36  }
0x1dc: {  	v42 =	vld [tilespmem:$0x1FCD0];
	[tilespmem:$0x10720] =	vst v6  }
0x1dd: {  	vm13 =	vgt.f32 v53, v37;
	v6 =	vld.idx.msk [tilespmem:v38+s23+$0x0], $0xffff  }
0x1de: {  	v5 =	vsel vm13, v53, v37;
	v33 =	vld [tilespmem:$0x10230]  }
0x1df: {  	vm2 =	vgt.f32 v17, v5  }
0x1e0: {  	v39 =	vsel vm13, v39, v43;
	v5 =	vsel vm2, v17, v5  }
0x1e1: {  	v40 =	vsel vm2, v20, v39;
	vm14 =	vgt.f32 v1, v5  }
0x1e2: {  	v1 =	vsel vm14, v1, v5;
	v41 =	vsel vm14, v7, v40;
	vm15 =	vgt.s32 v6, $0xFFFFFFFF  }
0x1e3: {  	v5 =	vadd.s32 v42, v41;
	vm1 =	vgt.f32 v1, $0.0e+00;
	v1 =	vnsel vm15, $0x0, v33  }
0x1e4: {  	[tilespmem:$0x10730] =	vst v1;
	v1 =	vnsel vm1, $0xFFFFFFFF, v5  }
0x1e5: {  	[tilespmem:$0x10490] =	vst v1;
	v1 =	vld [tilespmem:$0x1FCE0];
	_ =	sdelay $0x7  }
0x1e6: {  	v1 =	vld.idx.msk [tilespmem:v1+s23+$0x0], $0xffff  }
0x1e7: {  	v43 =	vld [tilespmem:$0x10240];
	_ =	sdelay $0x3  }
0x1e8: {  	vm4 =	vgt.s32 v1, $0xFFFFFFFF  }
0x1e9: {  	v1 =	vnsel vm4, $0x0, v43  }
0x1ea: {  	[tilespmem:$0x10740] =	vst v1;
	v1 =	vld [tilespmem:$0x1FCF0];
	_ =	sdelay $0x7  }
0x1eb: {  	v1 =	vld.idx.msk [tilespmem:v1+s23+$0x0], $0xffff  }
0x1ec: {  	v45 =	vld [tilespmem:$0x10250];
	_ =	sdelay $0x3  }
0x1ed: {  	vm5 =	vgt.s32 v1, $0xFFFFFFFF  }
0x1ee: {  	v1 =	vnsel vm5, $0x0, v45  }
0x1ef: {  	[tilespmem:$0x10750] =	vst v1;
	v1 =	vld [tilespmem:$0x1FD00];
	_ =	sdelay $0x7  }
0x1f0: {  	v1 =	vld.idx.msk [tilespmem:v1+s23+$0x0], $0xffff  }
0x1f1: {  	v46 =	vld [tilespmem:$0x10260];
	_ =	sdelay $0x3  }
0x1f2: {  	vm6 =	vgt.s32 v1, $0xFFFFFFFF  }
0x1f3: {  	v1 =	vnsel vm6, $0x0, v46  }
0x1f4: {  	[tilespmem:$0x10760] =	vst v1;
	v1 =	vld [tilespmem:$0x1FD10];
	_ =	sdelay $0x7  }
0x1f5: {  	v1 =	vld.idx.msk [tilespmem:v1+s23+$0x0], $0xffff;
	_ =	sdelay $0x3  }
0x1f6: {  	vm7 =	vgt.f32 v49, v48  }
0x1f7: {  	v49 =	vsel vm7, v49, v48;
	vm9 =	vgt.s32 v1, $0xFFFFFFFF;
	v1 =	vld [tilespmem:$0x1FD20]  }
0x1f8: {  	vm3 =	vgt.f32 v18, v49  }
0x1f9: {  	v51 =	vsel vm7, v27, v44;
	v5 =	vsel vm3, v18, v49  }
0x1fa: {  	v7 =	vsel vm3, v10, v51;
	vm8 =	vgt.f32 v3, v5  }
0x1fb: {  	v3 =	vsel vm8, v3, v5;
	v52 =	vsel vm8, v47, v7  }
0x1fc: {  	vm2 =	vgt.f32 v3, $0.0e+00;
	v1 =	vadd.s32 v1, v52  }
0x1fd: {  	v1 =	vnsel vm2, $0xFFFFFFFF, v1  }
0x1fe: {  	[tilespmem:$0x104A0] =	vst v1;
	v1 =	vld [tilespmem:$0x1FD30]  }
0x1ff: {  	v50 =	vld [tilespmem:$0x10270];
	_ =	sdelay $0x4  }
0x200: {  	v3 =	vnsel vm9, $0x0, v50  }
0x201: {  	[tilespmem:$0x10770] =	vst v3  }
0x202: {  	v1 =	vld.idx.msk [tilespmem:v1+s23+$0x0], $0xffff  }
0x203: {  	v3 =	vld [tilespmem:$0x10280];
	_ =	sdelay $0x3  }
0x204: {  	vm10 =	vgt.s32 v1, $0xFFFFFFFF  }
0x205: {  	v1 =	vnsel vm10, $0x0, v3  }
0x206: {  	[tilespmem:$0x10780] =	vst v1;
	v1 =	vld [tilespmem:$0x1FD40];
	_ =	sdelay $0x7  }
0x207: {  	v1 =	vld.idx.msk [tilespmem:v1+s23+$0x0], $0xffff  }
0x208: {  	v3 =	vld [tilespmem:$0x10290];
	_ =	sdelay $0x3  }
0x209: {  	vm11 =	vgt.s32 v1, $0xFFFFFFFF  }
0x20a: {  	v1 =	vnsel vm11, $0x0, v3  }
0x20b: {  	[tilespmem:$0x10790] =	vst v1;
	v1 =	vld [tilespmem:$0x1FD50];
	_ =	sdelay $0x7  }
0x20c: {  	v1 =	vld.idx.msk [tilespmem:v1+s23+$0x0], $0xffff  }
0x20d: {  	v3 =	vld [tilespmem:$0x102A0];
	_ =	sdelay $0x3  }
0x20e: {  	vm12 =	vgt.s32 v1, $0xFFFFFFFF  }
0x20f: {  	v1 =	vnsel vm12, $0x0, v3  }
0x210: {  	[tilespmem:$0x107A0] =	vst v1;
	v1 =	vld [tilespmem:$0x1FD60];
	_ =	sdelay $0x7  }
0x211: {  	v1 =	vld.idx.msk [tilespmem:v1+s23+$0x0], $0xffff;
	_ =	sdelay $0x4  }
0x212: {  	vm4 =	vgt.s32 v1, $0xFFFFFFFF;
	v1 =	vld [tilespmem:$0x1FD70]  }
0x213: {  	vm13 =	vgt.f32 v30, v34  }
0x214: {  	v53 =	vsel vm13, v30, v34  }
0x215: {  	v54 =	vsel vm13, v19, v32;
	vm14 =	vgt.f32 v4, v53  }
0x216: {  	v4 =	vsel vm14, v4, v53;
	v55 =	vsel vm14, v16, v54  }
0x217: {  	vm3 =	vgt.f32 v4, $0.0e+00;
	v1 =	vadd.s32 v1, v55  }
0x218: {  	v1 =	vnsel vm3, $0xFFFFFFFF, v1  }
0x219: {  	[tilespmem:$0x104B0] =	vst v1;
	v1 =	vld [tilespmem:$0x1FD80]  }
0x21a: {  	v3 =	vld [tilespmem:$0x102B0];
	_ =	sdelay $0x4  }
0x21b: {  	v3 =	vnsel vm4, $0x0, v3  }
0x21c: {  	[tilespmem:$0x107B0] =	vst v3  }
0x21d: {  	v1 =	vld.idx.msk [tilespmem:v1+s23+$0x0], $0xffff  }
0x21e: {  	v3 =	vld [tilespmem:$0x102C0];
	_ =	sdelay $0x3  }
0x21f: {  	vm15 =	vgt.s32 v1, $0xFFFFFFFF  }
0x220: {  	v1 =	vnsel vm15, $0x0, v3  }
0x221: {  	[tilespmem:$0x107C0] =	vst v1;
	v1 =	vld [tilespmem:$0x1FD90];
	_ =	sdelay $0x7  }
0x222: {  	v1 =	vld.idx.msk [tilespmem:v1+s23+$0x0], $0xffff  }
0x223: {  	v3 =	vld [tilespmem:$0x102D0];
	_ =	sdelay $0x3  }
0x224: {  	vm8 =	vgt.s32 v1, $0xFFFFFFFF  }
0x225: {  	v1 =	vnsel vm8, $0x0, v3  }
0x226: {  	[tilespmem:$0x107D0] =	vst v1;
	v1 =	vld [tilespmem:$0x1FDA0];
	_ =	sdelay $0x7  }
0x227: {  	v1 =	vld.idx.msk [tilespmem:v1+s23+$0x0], $0xffff  }
0x228: {  	v3 =	vld [tilespmem:$0x102E0];
	_ =	sdelay $0x3  }
0x229: {  	vm9 =	vgt.s32 v1, $0xFFFFFFFF  }
0x22a: {  	v1 =	vnsel vm9, $0x0, v3  }
0x22b: {  	[tilespmem:$0x107E0] =	vst v1;
	v1 =	vld [tilespmem:$0x1FDB0];
	_ =	sdelay $0x7  }
0x22c: {  	v1 =	vld.idx.msk [tilespmem:v1+s23+$0x0], $0xffff;
	_ =	sdelay $0x3  }
0x22d: {  	vm10 =	vgt.f32 v28, v58  }
0x22e: {  	v3 =	vsel vm10, v28, v58;
	vm12 =	vgt.s32 v1, $0xFFFFFFFF;
	v1 =	vld [tilespmem:$0x1FDC0]  }
0x22f: {  	vm5 =	vgt.f32 v9, v3  }
0x230: {  	v0 =	vsel vm10, v56, v0;
	v3 =	vsel vm5, v9, v3  }
0x231: {  	v0 =	vsel vm5, v14, v0;
	vm11 =	vgt.f32 v11, v3  }
0x232: {  	v3 =	vsel vm11, v11, v3;
	v0 =	vsel vm11, v2, v0  }
0x233: {  	vm4 =	vgt.f32 v3, $0.0e+00;
	v0 =	vadd.s32 v1, v0  }
0x234: {  	v0 =	vnsel vm4, $0xFFFFFFFF, v0  }
0x235: {  	[tilespmem:$0x104C0] =	vst v0;
	v0 =	vld [tilespmem:$0x1FDD0]  }
0x236: {  	v59 =	vld [tilespmem:$0x102F0];
	_ =	sdelay $0x4  }
0x237: {  	v1 =	vnsel vm12, $0x0, v59  }
0x238: {  	[tilespmem:$0x107F0] =	vst v1  }
0x239: {  	v0 =	vld.idx.msk [tilespmem:v0+s23+$0x0], $0xffff  }
0x23a: {  	v1 =	vld [tilespmem:$0x10300];
	_ =	sdelay $0x3  }
0x23b: {  	vm13 =	vgt.s32 v0, $0xFFFFFFFF  }
0x23c: {  	v0 =	vnsel vm13, $0x0, v1  }
0x23d: {  	[tilespmem:$0x10800] =	vst v0;
	v0 =	vld [tilespmem:$0x1FDE0];
	_ =	sdelay $0x7  }
0x23e: {  	v0 =	vld.idx.msk [tilespmem:v0+s23+$0x0], $0xffff  }
0x23f: {  	v1 =	vld [tilespmem:$0x10310];
	_ =	sdelay $0x3  }
0x240: {  	vm14 =	vgt.s32 v0, $0xFFFFFFFF  }
0x241: {  	v0 =	vnsel vm14, $0x0, v1  }
0x242: {  	[tilespmem:$0x10810] =	vst v0;
	v0 =	vld [tilespmem:$0x1FDF0];
	_ =	sdelay $0x7  }
0x243: {  	v0 =	vld.idx.msk [tilespmem:v0+s23+$0x0], $0xffff  }
0x244: {  	v1 =	vld [tilespmem:$0x10320];
	_ =	sdelay $0x3  }
0x245: {  	vm15 =	vgt.s32 v0, $0xFFFFFFFF  }
0x246: {  	v0 =	vnsel vm15, $0x0, v1  }
0x247: {  	[tilespmem:$0x10820] =	vst v0;
	v0 =	vld [tilespmem:$0x1FE00];
	_ =	sdelay $0x7  }
0x248: {  	v0 =	vld.idx.msk [tilespmem:v0+s23+$0x0], $0xffff;
	_ =	sdelay $0x4  }
0x249: {  	vm6 =	vgt.s32 v0, $0xFFFFFFFF;
	v0 =	vld [tilespmem:$0x1FE10]  }
0x24a: {  	vm8 =	vgt.f32 v29, v22  }
0x24b: {  	v2 =	vsel vm8, v29, v22  }
0x24c: {  	v3 =	vsel vm8, v57, v24;
	vm9 =	vgt.f32 v8, v2  }
0x24d: {  	v3 =	vsel vm9, v21, v3;
	v2 =	vsel vm9, v8, v2  }
0x24e: {  	vm5 =	vgt.f32 v2, $0.0e+00;
	v0 =	vadd.s32 v0, v3  }
0x24f: {  	v0 =	vnsel vm5, $0xFFFFFFFF, v0  }
0x250: {  	[tilespmem:$0x104D0] =	vst v0;
	v0 =	vld [tilespmem:$0x1FE20]  }
0x251: {  	v1 =	vld [tilespmem:$0x10330];
	_ =	sdelay $0x4  }
0x252: {  	v1 =	vnsel vm6, $0x0, v1  }
0x253: {  	[tilespmem:$0x10830] =	vst v1  }
0x254: {  	v0 =	vld.idx.msk [tilespmem:v0+s23+$0x0], $0xffff  }
0x255: {  	v1 =	vld [tilespmem:$0x10340];
	_ =	sdelay $0x3  }
0x256: {  	vm10 =	vgt.s32 v0, $0xFFFFFFFF  }
0x257: {  	v0 =	vnsel vm10, $0x0, v1  }
0x258: {  	[tilespmem:$0x10840] =	vst v0;
	v0 =	vld [tilespmem:$0x1FE30];
	_ =	sdelay $0x7  }
0x259: {  	v0 =	vld.idx.msk [tilespmem:v0+s23+$0x0], $0xffff  }
0x25a: {  	v1 =	vld [tilespmem:$0x10350];
	_ =	sdelay $0x3  }
0x25b: {  	vm11 =	vgt.s32 v0, $0xFFFFFFFF  }
0x25c: {  	v0 =	vnsel vm11, $0x0, v1  }
0x25d: {  	[tilespmem:$0x10850] =	vst v0;
	v0 =	vld [tilespmem:$0x1FE40];
	_ =	sdelay $0x7  }
0x25e: {  	v0 =	vld.idx.msk [tilespmem:v0+s23+$0x0], $0xffff  }
0x25f: {  	v1 =	vld [tilespmem:$0x10360];
	_ =	sdelay $0x3  }
0x260: {  	vm12 =	vgt.s32 v0, $0xFFFFFFFF  }
0x261: {  	v0 =	vnsel vm12, $0x0, v1  }
0x262: {  	[tilespmem:$0x10860] =	vst v0;
	v0 =	vld [tilespmem:$0x1FE50];
	_ =	sdelay $0x7  }
0x263: {  	v0 =	vld.idx.msk [tilespmem:v0+s23+$0x0], $0xffff;
	_ =	sdelay $0x4  }
0x264: {  	vm7 =	vgt.s32 v0, $0xFFFFFFFF;
	v0 =	vld [tilespmem:$0x1FE60]  }
0x265: {  	vm13 =	vgt.f32 v25, v63  }
0x266: {  	v2 =	vsel vm13, v25, v63  }
0x267: {  	vm14 =	vgt.f32 v26, v2;
	v3 =	vsel vm13, v15, v62  }
0x268: {  	v2 =	vsel vm14, v26, v2;
	v3 =	vsel vm14, v13, v3  }
0x269: {  	vm6 =	vgt.f32 v2, $0.0e+00;
	v0 =	vadd.s32 v0, v3  }
0x26a: {  	v0 =	vnsel vm6, $0xFFFFFFFF, v0  }
0x26b: {  	[tilespmem:$0x104E0] =	vst v0;
	v0 =	vld [tilespmem:$0x1FE70]  }
0x26c: {  	v1 =	vld [tilespmem:$0x10370];
	_ =	sdelay $0x4  }
0x26d: {  	v1 =	vnsel vm7, $0x0, v1  }
0x26e: {  	[tilespmem:$0x10870] =	vst v1  }
0x26f: {  	v0 =	vld.idx.msk [tilespmem:v0+s23+$0x0], $0xffff  }
0x270: {  	v1 =	vld [tilespmem:$0x10380];
	_ =	sdelay $0x3  }
0x271: {  	vm15 =	vgt.s32 v0, $0xFFFFFFFF  }
0x272: {  	v0 =	vnsel vm15, $0x0, v1  }
0x273: {  	[tilespmem:$0x10880] =	vst v0;
	v0 =	vld [tilespmem:$0x1FE80];
	_ =	sdelay $0x7  }
0x274: {  	v0 =	vld.idx.msk [tilespmem:v0+s23+$0x0], $0xffff  }
0x275: {  	v1 =	vld [tilespmem:$0x10390];
	_ =	sdelay $0x3  }
0x276: {  	vm9 =	vgt.s32 v0, $0xFFFFFFFF  }
0x277: {  	v0 =	vnsel vm9, $0x0, v1  }
0x278: {  	[tilespmem:$0x10890] =	vst v0;
	v0 =	vld [tilespmem:$0x1FE90];
	_ =	sdelay $0x7  }
0x279: {  	v0 =	vld.idx.msk [tilespmem:v0+s23+$0x0], $0xffff  }
0x27a: {  	v1 =	vld [tilespmem:$0x103A0];
	_ =	sdelay $0x3  }
0x27b: {  	vm10 =	vgt.s32 v0, $0xFFFFFFFF  }
0x27c: {  	v0 =	vnsel vm10, $0x0, v1  }
0x27d: {  	[tilespmem:$0x108A0] =	vst v0;
	v0 =	vld [tilespmem:$0x1FEA0];
	_ =	sdelay $0x7  }
0x27e: {  	v0 =	vld.idx.msk [tilespmem:v0+s23+$0x0], $0xffff;
	_ =	sdelay $0x4  }
0x27f: {  	vm8 =	vgt.s32 v0, $0xFFFFFFFF;
	v0 =	vld [tilespmem:$0x1FEC0];
	_ =	sdelay $0x2  }
0x280: {  	vm11 =	vgt.f32 v23, v60  }
0x281: {  	v2 =	vsel vm11, v23, v60;
	v3 =	vsel vm11, v12, v61  }
0x282: {  	vm7 =	vgt.f32 v2, $0.0e+00;
	v0 =	vadd.s32 v0, v3  }
0x283: {  	v0 =	vnsel vm7, $0xFFFFFFFF, v0  }
0x284: {  	[tilespmem:$0x104F0] =	vst v0;
	v0 =	vld [tilespmem:$0x1FED0]  }
0x285: {  	v1 =	vld [tilespmem:$0x103B0];
	_ =	sdelay $0x4  }
0x286: {  	v1 =	vnsel vm8, $0x0, v1  }
0x287: {  	[tilespmem:$0x108B0] =	vst v1  }
0x288: {  	v0 =	vld.idx.msk [tilespmem:v0+s23+$0x0], $0xffff  }
0x289: {  	v1 =	vld [tilespmem:$0x103C0];
	_ =	sdelay $0x3  }
0x28a: {  	vm12 =	vgt.s32 v0, $0xFFFFFFFF  }
0x28b: {  	v0 =	vnsel vm12, $0x0, v1  }
0x28c: {  	[tilespmem:$0x108C0] =	vst v0;
	v0 =	vld [tilespmem:$0x1FEE0];
	_ =	sdelay $0x7  }
0x28d: {  	v0 =	vld.idx.msk [tilespmem:v0+s23+$0x0], $0xffff  }
0x28e: {  	v1 =	vld [tilespmem:$0x103D0];
	_ =	sdelay $0x3  }
0x28f: {  	vm13 =	vgt.s32 v0, $0xFFFFFFFF  }
0x290: {  	v0 =	vnsel vm13, $0x0, v1  }
0x291: {  	[tilespmem:$0x108D0] =	vst v0;
	v0 =	vld [tilespmem:$0x1FEF0];
	_ =	sdelay $0x7  }
0x292: {  	v0 =	vld.idx.msk [tilespmem:v0+s23+$0x0], $0xffff  }
0x293: {  	v1 =	vld [tilespmem:$0x103E0];
	_ =	sdelay $0x3  }
0x294: {  	vm14 =	vgt.s32 v0, $0xFFFFFFFF  }
0x295: {  	v0 =	vnsel vm14, $0x0, v1  }
0x296: {  	[tilespmem:$0x108E0] =	vst v0;
	v0 =	vld [tilespmem:$0x1FF10];
	_ =	sdelay $0x6  }
0x297: {  	v3 =	vld [tilespmem:$0x1FF20]  }
0x298: {  	v0 =	vld.idx.msk [tilespmem:v0+s23+$0x0], $0xffff  }
0x299: {  	v1 =	vld [tilespmem:$0x103F0];
	_ =	sdelay $0x2  }
0x29a: {  	v2 =	vmpcnt.ones.xlane vm0  }
0x29b: {  	vm15 =	vgt.s32 v0, $0xFFFFFFFF;
	v0 =	vmpcnt.ones.xlane vm1  }
0x29c: {  	v2 =	vadd.s32 v2, v3;
	v3 =	vmpcnt.ones.xlane vm2;
	v1 =	vnsel vm15, $0x0, v1  }
0x29d: {  	v0 =	vadd.s32 v0, v2;
	[tilespmem:$0x108F0] =	vst v1;
	v1 =	vmpcnt.ones.xlane vm3  }
0x29e: {  	s0 =	sor.u32 $0x80, s31;
	v2 =	vmpcnt.ones.xlane vm4;
	v0 =	vadd.s32 v3, v0  }
.Ltmp4:
0x29f: {  	s1 =	sshrl.u32 s0, $0x3;
	v0 =	vadd.s32 v1, v0;
	v1 =	vmpcnt.ones.xlane vm5;
	(pc) =	sbr.rel @!p0 .LBB2_8-.Ltmp4, $4  }
0x2a0: {  	s0 =	sshrl.u32 s0, $0x1;
	s1 =	sadd.s32 s4, s1;
	v0 =	vadd.s32 v2, v0;
	v2 =	vmpcnt.ones.xlane vm6  }
0x2a1: {  	[hbm4b:s1+s3] =	stream.linear.scatter [tilespmem:s23], [sflag:$0x4], $0x80, $0x38;
	v0 =	vadd.s32 v1, v0;
	v1 =	vmpcnt.ones.xlane vm7;
	[tilespmem:$0x10980] =	vst v63  }
0x2a2: {  	s0 =	sadd.s32 s2, s0;
	v0 =	vadd.s32 v2, v0  }
0x2a3: {  	[hbm4b:s0+s3] =	stream.linear.scatter [tilespmem:s24], [sflag:$0x4], $0x200, $0x38;
	v0 =	vadd.s32 v1, v0;
	[tilespmem:$0x10980] =	vst v63  }
.Ltmp5:
0x2a4: {  	(pc) =	sbr.rel .LBB2_2-.Ltmp5, $4  }
0x2a5: {  	_ = 	snop  }
0x2a6: {  	[tilespmem:s17], [sflag:$0x2] =	stream.linear.gather [hbm4b:s12+s3], $0x8000, $0x38;
	[tilespmem:$0x10980] =	vst v63  }
0x2a7: {  	s31 =	simm.s32 $0x100  }
0x2a8: {  	[tilespmem:$0x1FF70] =	vst v0;
	p0 =	por $0x0, $0x0;
	p1 =	por $0x1, $0x1;
	s0 =	smov.u32 s13  }
.LBB2_9:
0x2a9: {  	_ =	sfence.sel $0x180000  }
0x2aa: {  	[bflag:$0x0] =	sbarrier.arrive $0xFFFF  }
0x2ab: {  	_ =	strace $0x90000047  }
0x2ac: {  	s0 =	stileid.u32;
	[bflag:$0x2] =	sbarrier.arrive $0xFFFF  }
0x2ad: {  	p0 =	sne.s32 s0, $0x0;
	s0 =	rddreg [dreg:$0x3]  }
0x2ae: {  	s0 =	sadd.s32 @!p0 $0x100000, s0  }
0x2af: {  	[sflag:s0] =	ssyncadd.tile.s32 @!p0 $0x1;
	_ =	shalt  }
.Lfunc_end2:
_tile_overlayer_lowered:
.L_overlay_start_2:
0x2b0: {  	(tag) =	ssettag $0x2  }
0x2b1: {  	s0 =	rddreg [dreg:$0x0];
	s2 =	stileid.u32  }
0x2b2: {  	s1 =	rddreg [dreg:$0x1];
	p0 =	sne.s32 s2, $0x0  }
0x2b3: {  	s3 =	rddreg [dreg:$0x2];
	[bflag:$0x3] =	sbarrier.arrive $0xFFFF;
	s2 =	simm.s32 @!p0 $0x1C05  }
0x2b4: {  	[timem:s3], [sflag:s2] =	dma.local @!p0 [hbm:s0], s1  }
0x2b5: {  	s0 =	simm.s32 @!p0 $0x5  }
0x2b6: {  	_ =	swait.ge @!p0 [sflag:s0], s1  }
0x2b7: {  	s1 =	ssub.s32 @!p0 $0x0, s1;
	[sflag:s0] =	ssyncset.done @!p0 $0x0  }
0x2b8: {  	[sflag:s0] =	ssyncadd.s32 @!p0 s1  }
0x2b9: {  	[bflag:$0x3] =	sbarrier.arrive $0xFFFF  }
0x2ba: {  	_ =	shalt  }

</sc_bundles>
